<compile_context>
chip_gen: v7x
topology: tpu7x:2x2x1
jax: 0.10.2.dev20260603
libtpu: 0.0.44.dev20260713+nightly
codegen_flags: <defaults>
</compile_context>

<pallas_src>
import functools

import jax
import jax.numpy as jnp
from jax import lax
from jax.experimental import pallas as pl
from jax.experimental.pallas import tpu as pltpu
from jax.experimental.pallas import tpu_sc as plsc

N = 10000
E = 320000
D = 128
D_MLP = 64

NC = 2
NS = 16
NW = NC * NS

B = 128
EPW = E // NW
C = 80
EPW_P = C * B
HALF = C // 2

ROWS_PER_TILE = 632
NPAD = NS * ROWS_PER_TILE

NBUF = 2


def _sc_aggregate_build():
  mesh = plsc.VectorSubcoreMesh(core_axis_name="c", subcore_axis_name="s")

  @functools.partial(
      pl.kernel,
      out_type=jax.ShapeDtypeStruct((NC, NPAD, D), jnp.float32),
      mesh=mesh,
      scratch_types=[
          pltpu.VMEM((HALF, B), jnp.int32),
          pltpu.VMEM((HALF, B), jnp.int32),
          pltpu.VMEM((NBUF, B, D), jnp.float32),
          pltpu.VMEM_SHARED((NPAD, D), jnp.float32),
          pltpu.SemaphoreType.DMA,
          pltpu.SemaphoreType.DMA,
      ],
  )
  def agg_kernel(table_hbm, edges_hbm, out_hbm,
                 src_v, dst_v, rows_v, acc_sh, sem0, sem1):
    cid = lax.axis_index("c")
    sid = lax.axis_index("s")
    wid = cid * NS + sid
    sems = (sem0, sem1)

    idx0 = pltpu.async_copy(edges_hbm.at[0, wid, 0], src_v, sem0)
    idx1 = pltpu.async_copy(edges_hbm.at[1, wid, 0], dst_v, sem1)

    zeros16 = jnp.zeros((16,), jnp.float32)

    @pl.loop(0, B)
    def _(i):
      for j in range(D // 16):
        rows_v[0, i, pl.ds(j * 16, 16)] = zeros16

    idx0.wait()
    idx1.wait()

    row0 = sid * ROWS_PER_TILE
    zcopies = []
    off = 0
    remaining = ROWS_PER_TILE
    while remaining > 0:
      sz = min(B, remaining)
      zcopies.append(
          pltpu.async_copy(rows_v.at[0, pl.ds(0, sz)],
                           acc_sh.at[pl.ds(row0 + off, sz)],
                           sems[len(zcopies) % 2]))
      off += sz
      remaining -= sz
    for zc in zcopies:
      zc.wait()
    plsc.subcore_barrier()

    def start_gather(j, b):
      pltpu.async_copy(table_hbm.at[src_v.at[j]], rows_v.at[b], sems[b])

    def wait_gather(b):
      pltpu.make_async_copy(table_hbm.at[src_v.at[0]], rows_v.at[b],
                            sems[b]).wait()

    for h in range(2):
      if h > 0:
        pltpu.sync_copy(edges_hbm.at[0, wid, h], src_v)
        pltpu.sync_copy(edges_hbm.at[1, wid, h], dst_v)

      for b in range(NBUF):
        start_gather(b, b)

      @pl.loop(0, HALF // NBUF)
      def _(jj):
        j0 = jj * NBUF
        for b in range(NBUF):
          j = j0 + b
          wait_gather(b)
          pltpu.sync_copy(rows_v.at[b], acc_sh.at[dst_v.at[j]], add=True)

          @pl.when(j + NBUF < HALF)
          def _():
            start_gather(j + NBUF, b)

    plsc.subcore_barrier()
    pltpu.sync_copy(acc_sh.at[pl.ds(row0, ROWS_PER_TILE)],
                    out_hbm.at[cid, pl.ds(row0, ROWS_PER_TILE)])

  return agg_kernel


_sc_aggregate = _sc_aggregate_build()


_R = 2000


def _mmt(a, w):
  return lax.dot_general(a, w, (((1,), (1,)), ((), ())),
                         preferred_element_type=jnp.float32)


def _root_body(x_ref, w_ref, b_ref, o_ref):
  o_ref[...] = _mmt(x_ref[...], w_ref[...]) + b_ref[...]


def _root(x, w, b):
  return pl.pallas_call(
      _root_body,
      out_shape=jax.ShapeDtypeStruct((N, D), jnp.float32),
      grid=(N // _R,),
      in_specs=[
          pl.BlockSpec((_R, D), lambda i: (i, 0)),
          pl.BlockSpec((D, D), lambda i: (0, 0)),
          pl.BlockSpec((1, D), lambda i: (0, 0)),
      ],
      out_specs=pl.BlockSpec((_R, D), lambda i: (i, 0)),
  )(x, w, b)


def _combine1_body(agg_ref, t_ref, wr_ref, o_ref):
  a = agg_ref[0] + agg_ref[1]
  o_ref[...] = jnp.maximum(_mmt(a, wr_ref[...]) + t_ref[...], 0.0)


def _combine1(agg, t, wr):
  return pl.pallas_call(
      _combine1_body,
      out_shape=jax.ShapeDtypeStruct((N, D), jnp.float32),
      grid=(N // _R,),
      in_specs=[
          pl.BlockSpec((NC, _R, D), lambda i: (0, i, 0)),
          pl.BlockSpec((_R, D), lambda i: (i, 0)),
          pl.BlockSpec((D, D), lambda i: (0, 0)),
      ],
      out_specs=pl.BlockSpec((_R, D), lambda i: (i, 0)),
  )(agg, t, wr)


def _combine2_body(agg_ref, t_ref, w2r_ref,
                   wm1_ref, bm1_ref, wm2_ref, bm2_ref, o_ref):
  a = agg_ref[0] + agg_ref[1]
  h2 = jnp.maximum(_mmt(a, w2r_ref[...]) + t_ref[...], 0.0)
  m = jnp.maximum(
      jnp.dot(h2, wm1_ref[...], preferred_element_type=jnp.float32)
      + bm1_ref[...], 0.0)
  o_ref[...] = (jnp.dot(m, wm2_ref[...], preferred_element_type=jnp.float32)
                + bm2_ref[...])


def _combine2(agg, t, w2r, wm1, bm1, wm2, bm2):
  return pl.pallas_call(
      _combine2_body,
      out_shape=jax.ShapeDtypeStruct((N, 1), jnp.float32),
      grid=(N // _R,),
      in_specs=[
          pl.BlockSpec((NC, _R, D), lambda i: (0, i, 0)),
          pl.BlockSpec((_R, D), lambda i: (i, 0)),
          pl.BlockSpec((D, D), lambda i: (0, 0)),
          pl.BlockSpec((D, D_MLP), lambda i: (0, 0)),
          pl.BlockSpec((1, D_MLP), lambda i: (0, 0)),
          pl.BlockSpec((D_MLP, 1), lambda i: (0, 0)),
          pl.BlockSpec((1, 1), lambda i: (0, 0)),
      ],
      out_specs=pl.BlockSpec((_R, 1), lambda i: (i, 0)),
  )(agg, t, w2r, wm1, bm1, wm2, bm2)


def kernel(x, edge_index, W1r, b1, W1o, W2r, b2, W2o, Wm1, bm1, Wm2, bm2):
  edges = edge_index.astype(jnp.int32).reshape(2, NW, EPW)
  pad = EPW_P - EPW
  pad_ids = jnp.arange(NW * pad, dtype=jnp.int32).reshape(1, NW, pad)
  pads = jnp.concatenate([pad_ids % N, N + pad_ids % (NPAD - N)], axis=0)
  edges_p = jnp.concatenate([edges, pads], axis=2).reshape(2, NW, 2, HALF, B)

  agg1 = _sc_aggregate(x, edges_p)
  t1 = _root(x, W1o, b1.reshape(1, D))
  h1 = _combine1(agg1, t1, W1r)
  agg2 = _sc_aggregate(h1, edges_p)
  t2 = _root(h1, W2o, b2.reshape(1, D))
  out = _combine2(agg2, t2, W2r, Wm1.T, bm1.reshape(1, D_MLP), Wm2.T,
                  bm2.reshape(1, 1))
  return out

# --- scband reference (transcript-rebuilt; emitter-appended) ---
"""Pipeline reference for scband-gnn-8169027797150 (READ-ONLY COPY).

The authoritative reference and input builder live on the scoring server;
editing this copy changes nothing except your own understanding.
"""

import jax, jax.numpy as jnp
import numpy as np

N = 10000
E = 320000
D_IN = 128
D_H = 128
D_MLP = 64
N_ACT = 1


def setup_inputs(seed: int = 0) -> dict:
    key = jax.random.key(seed)
    ks = jax.random.split(key, 16)
    x = jax.random.normal(ks[0], (N, D_IN), dtype=jnp.float32)
    edge_index = jax.random.randint(ks[1], (2, E), 0, N, dtype=jnp.int64)
    s = 0.05
    # GraphConv1: lin_rel (weight+bias) applied to aggregated neighbors, lin_root (no bias)
    W1r = jax.random.normal(ks[2], (D_H, D_IN), dtype=jnp.float32) * s
    b1 = jax.random.normal(ks[3], (D_H,), dtype=jnp.float32) * s
    W1o = jax.random.normal(ks[4], (D_H, D_IN), dtype=jnp.float32) * s
    # GraphConv2
    W2r = jax.random.normal(ks[5], (D_H, D_H), dtype=jnp.float32) * s
    b2 = jax.random.normal(ks[6], (D_H,), dtype=jnp.float32) * s
    W2o = jax.random.normal(ks[7], (D_H, D_H), dtype=jnp.float32) * s
    # MLP: Linear(D_H, 64) -> ReLU -> Linear(64, N_ACT)
    Wm1 = jax.random.normal(ks[8], (D_MLP, D_H), dtype=jnp.float32) * s
    bm1 = jax.random.normal(ks[9], (D_MLP,), dtype=jnp.float32) * s
    Wm2 = jax.random.normal(ks[10], (N_ACT, D_MLP), dtype=jnp.float32) * s
    bm2 = jax.random.normal(ks[11], (N_ACT,), dtype=jnp.float32) * s
    return {"x": x, "edge_index": edge_index, "W1r": W1r, "b1": b1, "W1o": W1o,
            "W2r": W2r, "b2": b2, "W2o": W2o,
            "Wm1": Wm1, "bm1": bm1, "Wm2": Wm2, "bm2": bm2}


def _graph_conv(x, src, dst, Wr, br, Wo, num_nodes):
    # PyG GraphConv (aggr='add'): out_i = lin_rel(sum_{j in N(i)} x_j) + lin_root(x_i)
    msg = jnp.take(x, src, axis=0)
    agg = jax.ops.segment_sum(msg, dst, num_segments=num_nodes)
    return agg @ Wr.T + br + x @ Wo.T


def reference(x, edge_index, W1r, b1, W1o, W2r, b2, W2o, Wm1, bm1, Wm2, bm2):
    src = edge_index[0]
    dst = edge_index[1]
    n = x.shape[0]
    h = _graph_conv(x, src, dst, W1r, b1, W1o, n)
    h = jax.nn.relu(h)
    h = _graph_conv(h, src, dst, W2r, b2, W2o, n)
    h = jax.nn.relu(h)
    h = jax.nn.relu(h @ Wm1.T + bm1)
    out = h @ Wm2.T + bm2
    return out

if __name__ == "__main__":
    import jax
    _d = setup_inputs()
    print(jax.jit(kernel)(*tuple(_d.values())))

</pallas_src>

<mosaic_0001>
#map = affine_map<(d0, d1) -> (0, 0)>
#map1 = affine_map<(d0, d1) -> (0, 0, 0, 0, 0)>
#map2 = affine_map<(d0, d1) -> (0, 0, 0)>
module attributes {stable_mosaic.version = 14 : i64} {
  func.func @agg_kernel(%arg0: i32, %arg1: i32, %arg2: memref<10000x128xf32, #tpu.memory_space<hbm>>, %arg3: memref<2x32x2x40x128xi32, #tpu.memory_space<hbm>>, %arg4: memref<2x10112x128xf32, #tpu.memory_space<hbm>>, %arg5: memref<40x128xi32, #tpu.memory_space<vmem>>, %arg6: memref<40x128xi32, #tpu.memory_space<vmem>>, %arg7: memref<2x128x128xf32, #tpu.memory_space<vmem>>, %arg8: memref<10112x128xf32, #tpu.memory_space<vmem_shared>>, %arg9: memref<!tpu.dma_semaphore, #tpu.memory_space<semaphore_mem>>, %arg10: memref<!tpu.dma_semaphore, #tpu.memory_space<semaphore_mem>>) attributes {dimension_semantics = [#tpu.dimension_semantics<core_parallel>, #tpu.dimension_semantics<subcore_parallel>], iteration_bounds = array<i64: 2, 16>, scalar_prefetch = 0 : i64, scratch_operands = 6 : i64, tpu.core_type = #tpu.core_type<sc_vector_subcore>, window_params = [{transform_indices = #map}, {transform_indices = #map1}, {transform_indices = #map2}]} {
    %mul3A = arith.constant 16 : i32
    %mul3A_0 = arith.muli %arg0, %mul3A : i32
    %add3A = arith.addi %mul3A_0, %arg1 : i32
    %dma_start3A = arith.constant 0 : i32
    %dma_start3A_1 = arith.constant 0 : i32
    %dma_start3A_2 = arith.constant 0 : i32
    %dma_start3A_3 = arith.constant 0 : i32
    %dma_start3A_4 = tpu.memref_slice %arg3[%dma_start3A, %add3A, %dma_start3A_1, %dma_start3A_2, %dma_start3A_3] : memref<2x32x2x40x128xi32, #tpu.memory_space<hbm>> -> memref<1x1x1x40x128xi32, #tpu.memory_space<hbm>>
    %dma_start3A_5 = tpu.memref_squeeze %dma_start3A_4 : memref<1x1x1x40x128xi32, #tpu.memory_space<hbm>> -> memref<40x128xi32, #tpu.memory_space<hbm>>
    %dma_start3A_6 = arith.constant 0 : i32
    %dma_start3A_7 = arith.constant 0 : i32
    %dma_start3A_8 = tpu.memref_slice %arg3[%dma_start3A, %add3A, %dma_start3A_1, %dma_start3A_6, %dma_start3A_7] : memref<2x32x2x40x128xi32, #tpu.memory_space<hbm>> -> memref<1x1x1x40x128xi32, #tpu.memory_space<hbm>>
    %dma_start3A_9 = tpu.memref_squeeze %dma_start3A_8 : memref<1x1x1x40x128xi32, #tpu.memory_space<hbm>> -> memref<40x128xi32, #tpu.memory_space<hbm>>
    tpu.enqueue_dma source(%dma_start3A_9 : memref<40x128xi32, #tpu.memory_space<hbm>>) target(%arg5 : memref<40x128xi32, #tpu.memory_space<vmem>>) target_semaphore(%arg9 : memref<!tpu.dma_semaphore, #tpu.memory_space<semaphore_mem>>)
    %dma_start3A_10 = arith.constant 1 : i32
    %dma_start3A_11 = arith.constant 0 : i32
    %dma_start3A_12 = arith.constant 0 : i32
    %dma_start3A_13 = arith.constant 0 : i32
    %dma_start3A_14 = tpu.memref_slice %arg3[%dma_start3A_10, %add3A, %dma_start3A_11, %dma_start3A_12, %dma_start3A_13] : memref<2x32x2x40x128xi32, #tpu.memory_space<hbm>> -> memref<1x1x1x40x128xi32, #tpu.memory_space<hbm>>
    %dma_start3A_15 = tpu.memref_squeeze %dma_start3A_14 : memref<1x1x1x40x128xi32, #tpu.memory_space<hbm>> -> memref<40x128xi32, #tpu.memory_space<hbm>>
    %dma_start3A_16 = arith.constant 0 : i32
    %dma_start3A_17 = arith.constant 0 : i32
    %dma_start3A_18 = tpu.memref_slice %arg3[%dma_start3A_10, %add3A, %dma_start3A_11, %dma_start3A_16, %dma_start3A_17] : memref<2x32x2x40x128xi32, #tpu.memory_space<hbm>> -> memref<1x1x1x40x128xi32, #tpu.memory_space<hbm>>
    %dma_start3A_19 = tpu.memref_squeeze %dma_start3A_18 : memref<1x1x1x40x128xi32, #tpu.memory_space<hbm>> -> memref<40x128xi32, #tpu.memory_space<hbm>>
    tpu.enqueue_dma source(%dma_start3A_19 : memref<40x128xi32, #tpu.memory_space<hbm>>) target(%arg6 : memref<40x128xi32, #tpu.memory_space<vmem>>) target_semaphore(%arg10 : memref<!tpu.dma_semaphore, #tpu.memory_space<semaphore_mem>>)
    %broadcast_in_dim3A = arith.constant 0.000000e+00 : f32
    %broadcast_in_dim3A_20 = vector.broadcast %broadcast_in_dim3A : f32 to vector<16xf32>
    %scan3A = arith.constant 0 : i32
    %scan3A_21 = arith.constant 128 : i32
    %scan3A_22 = arith.addi %scan3A, %scan3A_21 : i32
    %scan3A_23 = arith.constant 1 : i32
    scf.for %scan3A_248 = %scan3A to %scan3A_22 step %scan3A_23  : i32 {
      %mul3A_249 = arith.constant 1 : i32
      %mul3A_250 = arith.muli %scan3A_248, %mul3A_249 : i32
      %add3A_251 = arith.constant 0 : i32
      %add3A_252 = arith.addi %add3A_251, %mul3A_250 : i32
      %swap3A = arith.constant 0 : i32
      %swap3A_253 = arith.index_cast %swap3A : i32 to index
      %swap3A_254 = arith.index_cast %add3A_252 : i32 to index
      %swap3A_255 = arith.constant 0 : index
      %swap3A_256 = tpu.vector_load %arg7[%swap3A_253, %swap3A_254, %swap3A_255] {strides = array<i32>} : memref<2x128x128xf32, #tpu.memory_space<vmem>>, vector<1x1x16xf32>,
      %swap3A_257 = vector.shape_cast %swap3A_256 : vector<1x1x16xf32> to vector<16xf32>
      %swap3A_258 = vector.shape_cast %broadcast_in_dim3A_20 : vector<16xf32> to vector<1x1x16xf32>
      tpu.vector_store %arg7[%swap3A_253, %swap3A_254, %swap3A_255], %swap3A_258 {strides = array<i32>} : memref<2x128x128xf32, #tpu.memory_space<vmem>>, vector<1x1x16xf32>,
      %swap3A_259 = arith.constant 0 : i32
      %swap3A_260 = arith.index_cast %swap3A_259 : i32 to index
      %swap3A_261 = arith.index_cast %add3A_252 : i32 to index
      %swap3A_262 = arith.constant 16 : index
      %swap3A_263 = tpu.vector_load %arg7[%swap3A_260, %swap3A_261, %swap3A_262] {strides = array<i32>} : memref<2x128x128xf32, #tpu.memory_space<vmem>>, vector<1x1x16xf32>,
      %swap3A_264 = vector.shape_cast %swap3A_263 : vector<1x1x16xf32> to vector<16xf32>
      %swap3A_265 = vector.shape_cast %broadcast_in_dim3A_20 : vector<16xf32> to vector<1x1x16xf32>
      tpu.vector_store %arg7[%swap3A_260, %swap3A_261, %swap3A_262], %swap3A_265 {strides = array<i32>} : memref<2x128x128xf32, #tpu.memory_space<vmem>>, vector<1x1x16xf32>,
      %swap3A_266 = arith.constant 0 : i32
      %swap3A_267 = arith.index_cast %swap3A_266 : i32 to index
      %swap3A_268 = arith.index_cast %add3A_252 : i32 to index
      %swap3A_269 = arith.constant 32 : index
      %swap3A_270 = tpu.vector_load %arg7[%swap3A_267, %swap3A_268, %swap3A_269] {strides = array<i32>} : memref<2x128x128xf32, #tpu.memory_space<vmem>>, vector<1x1x16xf32>,
      %swap3A_271 = vector.shape_cast %swap3A_270 : vector<1x1x16xf32> to vector<16xf32>
      %swap3A_272 = vector.shape_cast %broadcast_in_dim3A_20 : vector<16xf32> to vector<1x1x16xf32>
      tpu.vector_store %arg7[%swap3A_267, %swap3A_268, %swap3A_269], %swap3A_272 {strides = array<i32>} : memref<2x128x128xf32, #tpu.memory_space<vmem>>, vector<1x1x16xf32>,
      %swap3A_273 = arith.constant 0 : i32
      %swap3A_274 = arith.index_cast %swap3A_273 : i32 to index
      %swap3A_275 = arith.index_cast %add3A_252 : i32 to index
      %swap3A_276 = arith.constant 48 : index
      %swap3A_277 = tpu.vector_load %arg7[%swap3A_274, %swap3A_275, %swap3A_276] {strides = array<i32>} : memref<2x128x128xf32, #tpu.memory_space<vmem>>, vector<1x1x16xf32>,
      %swap3A_278 = vector.shape_cast %swap3A_277 : vector<1x1x16xf32> to vector<16xf32>
      %swap3A_279 = vector.shape_cast %broadcast_in_dim3A_20 : vector<16xf32> to vector<1x1x16xf32>
      tpu.vector_store %arg7[%swap3A_274, %swap3A_275, %swap3A_276], %swap3A_279 {strides = array<i32>} : memref<2x128x128xf32, #tpu.memory_space<vmem>>, vector<1x1x16xf32>,
      %swap3A_280 = arith.constant 0 : i32
      %swap3A_281 = arith.index_cast %swap3A_280 : i32 to index
      %swap3A_282 = arith.index_cast %add3A_252 : i32 to index
      %swap3A_283 = arith.constant 64 : index
      %swap3A_284 = tpu.vector_load %arg7[%swap3A_281, %swap3A_282, %swap3A_283] {strides = array<i32>} : memref<2x128x128xf32, #tpu.memory_space<vmem>>, vector<1x1x16xf32>,
      %swap3A_285 = vector.shape_cast %swap3A_284 : vector<1x1x16xf32> to vector<16xf32>
      %swap3A_286 = vector.shape_cast %broadcast_in_dim3A_20 : vector<16xf32> to vector<1x1x16xf32>
      tpu.vector_store %arg7[%swap3A_281, %swap3A_282, %swap3A_283], %swap3A_286 {strides = array<i32>} : memref<2x128x128xf32, #tpu.memory_space<vmem>>, vector<1x1x16xf32>,
      %swap3A_287 = arith.constant 0 : i32
      %swap3A_288 = arith.index_cast %swap3A_287 : i32 to index
      %swap3A_289 = arith.index_cast %add3A_252 : i32 to index
      %swap3A_290 = arith.constant 80 : index
      %swap3A_291 = tpu.vector_load %arg7[%swap3A_288, %swap3A_289, %swap3A_290] {strides = array<i32>} : memref<2x128x128xf32, #tpu.memory_space<vmem>>, vector<1x1x16xf32>,
      %swap3A_292 = vector.shape_cast %swap3A_291 : vector<1x1x16xf32> to vector<16xf32>
      %swap3A_293 = vector.shape_cast %broadcast_in_dim3A_20 : vector<16xf32> to vector<1x1x16xf32>
      tpu.vector_store %arg7[%swap3A_288, %swap3A_289, %swap3A_290], %swap3A_293 {strides = array<i32>} : memref<2x128x128xf32, #tpu.memory_space<vmem>>, vector<1x1x16xf32>,
      %swap3A_294 = arith.constant 0 : i32
      %swap3A_295 = arith.index_cast %swap3A_294 : i32 to index
      %swap3A_296 = arith.index_cast %add3A_252 : i32 to index
      %swap3A_297 = arith.constant 96 : index
      %swap3A_298 = tpu.vector_load %arg7[%swap3A_295, %swap3A_296, %swap3A_297] {strides = array<i32>} : memref<2x128x128xf32, #tpu.memory_space<vmem>>, vector<1x1x16xf32>,
      %swap3A_299 = vector.shape_cast %swap3A_298 : vector<1x1x16xf32> to vector<16xf32>
      %swap3A_300 = vector.shape_cast %broadcast_in_dim3A_20 : vector<16xf32> to vector<1x1x16xf32>
      tpu.vector_store %arg7[%swap3A_295, %swap3A_296, %swap3A_297], %swap3A_300 {strides = array<i32>} : memref<2x128x128xf32, #tpu.memory_space<vmem>>, vector<1x1x16xf32>,
      %swap3A_301 = arith.constant 0 : i32
      %swap3A_302 = arith.index_cast %swap3A_301 : i32 to index
      %swap3A_303 = arith.index_cast %add3A_252 : i32 to index
      %swap3A_304 = arith.constant 112 : index
      %swap3A_305 = tpu.vector_load %arg7[%swap3A_302, %swap3A_303, %swap3A_304] {strides = array<i32>} : memref<2x128x128xf32, #tpu.memory_space<vmem>>, vector<1x1x16xf32>,
      %swap3A_306 = vector.shape_cast %swap3A_305 : vector<1x1x16xf32> to vector<16xf32>
      %swap3A_307 = vector.shape_cast %broadcast_in_dim3A_20 : vector<16xf32> to vector<1x1x16xf32>
      tpu.vector_store %arg7[%swap3A_302, %swap3A_303, %swap3A_304], %swap3A_307 {strides = array<i32>} : memref<2x128x128xf32, #tpu.memory_space<vmem>>, vector<1x1x16xf32>,
    }
    %scan3A_24 = arith.constant 128 : i32
    %dma_wait3A = arith.constant 0 : i32
    %dma_wait3A_25 = arith.constant 0 : i32
    %dma_wait3A_26 = arith.constant 0 : i32
    %dma_wait3A_27 = arith.constant 0 : i32
    %dma_wait3A_28 = tpu.memref_slice %arg3[%dma_wait3A, %add3A, %dma_wait3A_25, %dma_wait3A_26, %dma_wait3A_27] : memref<2x32x2x40x128xi32, #tpu.memory_space<hbm>> -> memref<1x1x1x40x128xi32, #tpu.memory_space<hbm>>
    %dma_wait3A_29 = tpu.memref_squeeze %dma_wait3A_28 : memref<1x1x1x40x128xi32, #tpu.memory_space<hbm>> -> memref<40x128xi32, #tpu.memory_space<hbm>>
    %dma_wait3A_30 = arith.constant 0 : i32
    %dma_wait3A_31 = arith.constant 0 : i32
    %dma_wait3A_32 = tpu.memref_slice %arg3[%dma_wait3A, %add3A, %dma_wait3A_25, %dma_wait3A_30, %dma_wait3A_31] : memref<2x32x2x40x128xi32, #tpu.memory_space<hbm>> -> memref<1x1x1x40x128xi32, #tpu.memory_space<hbm>>
    %dma_wait3A_33 = tpu.memref_squeeze %dma_wait3A_32 : memref<1x1x1x40x128xi32, #tpu.memory_space<hbm>> -> memref<40x128xi32, #tpu.memory_space<hbm>>
    tpu.wait_dma2 semaphore(%arg9 : memref<!tpu.dma_semaphore, #tpu.memory_space<semaphore_mem>>) src(%dma_wait3A_33 : memref<40x128xi32, #tpu.memory_space<hbm>>) dst(%arg5 : memref<40x128xi32, #tpu.memory_space<vmem>>)
    %dma_wait3A_34 = arith.constant 1 : i32
    %dma_wait3A_35 = arith.constant 0 : i32
    %dma_wait3A_36 = arith.constant 0 : i32
    %dma_wait3A_37 = arith.constant 0 : i32
    %dma_wait3A_38 = tpu.memref_slice %arg3[%dma_wait3A_34, %add3A, %dma_wait3A_35, %dma_wait3A_36, %dma_wait3A_37] : memref<2x32x2x40x128xi32, #tpu.memory_space<hbm>> -> memref<1x1x1x40x128xi32, #tpu.memory_space<hbm>>
    %dma_wait3A_39 = tpu.memref_squeeze %dma_wait3A_38 : memref<1x1x1x40x128xi32, #tpu.memory_space<hbm>> -> memref<40x128xi32, #tpu.memory_space<hbm>>
    %dma_wait3A_40 = arith.constant 0 : i32
    %dma_wait3A_41 = arith.constant 0 : i32
    %dma_wait3A_42 = tpu.memref_slice %arg3[%dma_wait3A_34, %add3A, %dma_wait3A_35, %dma_wait3A_40, %dma_wait3A_41] : memref<2x32x2x40x128xi32, #tpu.memory_space<hbm>> -> memref<1x1x1x40x128xi32, #tpu.memory_space<hbm>>
    %dma_wait3A_43 = tpu.memref_squeeze %dma_wait3A_42 : memref<1x1x1x40x128xi32, #tpu.memory_space<hbm>> -> memref<40x128xi32, #tpu.memory_space<hbm>>
    tpu.wait_dma2 semaphore(%arg10 : memref<!tpu.dma_semaphore, #tpu.memory_space<semaphore_mem>>) src(%dma_wait3A_43 : memref<40x128xi32, #tpu.memory_space<hbm>>) dst(%arg6 : memref<40x128xi32, #tpu.memory_space<vmem>>)
    %mul3A_44 = arith.constant 632 : i32
    %mul3A_45 = arith.muli %arg1, %mul3A_44 : i32
    %add3A_46 = arith.constant 0 : i32
    %add3A_47 = arith.addi %mul3A_45, %add3A_46 : i32
    %dma_start3A_48 = arith.constant 0 : i32
    %dma_start3A_49 = arith.constant 0 : i32
    %dma_start3A_50 = arith.constant 0 : i32
    %dma_start3A_51 = tpu.memref_slice %arg7[%dma_start3A_48, %dma_start3A_49, %dma_start3A_50] : memref<2x128x128xf32, #tpu.memory_space<vmem>> -> memref<1x128x128xf32, #tpu.memory_space<vmem>>
    %dma_start3A_52 = tpu.memref_squeeze %dma_start3A_51 : memref<1x128x128xf32, #tpu.memory_space<vmem>> -> memref<128x128xf32, #tpu.memory_space<vmem>>
    %dma_start3A_53 = arith.constant 0 : i32
    %dma_start3A_54 = tpu.memref_slice %arg8[%add3A_47, %dma_start3A_53] : memref<10112x128xf32, #tpu.memory_space<vmem_shared>> -> memref<128x128xf32, #tpu.memory_space<vmem_shared>>
    %dma_start3A_55 = arith.constant 0 : i32
    %dma_start3A_56 = tpu.memref_slice %arg8[%add3A_47, %dma_start3A_55] : memref<10112x128xf32, #tpu.memory_space<vmem_shared>> -> memref<128x128xf32, #tpu.memory_space<vmem_shared>>
    %dma_start3A_57 = arith.constant 0 : i32
    %dma_start3A_58 = arith.constant 0 : i32
    %dma_start3A_59 = tpu.memref_slice %arg7[%dma_start3A_48, %dma_start3A_57, %dma_start3A_58] : memref<2x128x128xf32, #tpu.memory_space<vmem>> -> memref<1x128x128xf32, #tpu.memory_space<vmem>>
    %dma_start3A_60 = tpu.memref_squeeze %dma_start3A_59 : memref<1x128x128xf32, #tpu.memory_space<vmem>> -> memref<128x128xf32, #tpu.memory_space<vmem>>
    tpu.enqueue_dma source(%dma_start3A_60 : memref<128x128xf32, #tpu.memory_space<vmem>>) target(%dma_start3A_56 : memref<128x128xf32, #tpu.memory_space<vmem_shared>>) target_semaphore(%arg9 : memref<!tpu.dma_semaphore, #tpu.memory_space<semaphore_mem>>)
    %add3A_61 = arith.constant 128 : i32
    %add3A_62 = arith.addi %mul3A_45, %add3A_61 : i32
    %dma_start3A_63 = arith.constant 0 : i32
    %dma_start3A_64 = arith.constant 0 : i32
    %dma_start3A_65 = arith.constant 0 : i32
    %dma_start3A_66 = tpu.memref_slice %arg7[%dma_start3A_63, %dma_start3A_64, %dma_start3A_65] : memref<2x128x128xf32, #tpu.memory_space<vmem>> -> memref<1x128x128xf32, #tpu.memory_space<vmem>>
    %dma_start3A_67 = tpu.memref_squeeze %dma_start3A_66 : memref<1x128x128xf32, #tpu.memory_space<vmem>> -> memref<128x128xf32, #tpu.memory_space<vmem>>
    %dma_start3A_68 = arith.constant 0 : i32
    %dma_start3A_69 = tpu.memref_slice %arg8[%add3A_62, %dma_start3A_68] : memref<10112x128xf32, #tpu.memory_space<vmem_shared>> -> memref<128x128xf32, #tpu.memory_space<vmem_shared>>
    %dma_start3A_70 = arith.constant 0 : i32
    %dma_start3A_71 = tpu.memref_slice %arg8[%add3A_62, %dma_start3A_70] : memref<10112x128xf32, #tpu.memory_space<vmem_shared>> -> memref<128x128xf32, #tpu.memory_space<vmem_shared>>
    %dma_start3A_72 = arith.constant 0 : i32
    %dma_start3A_73 = arith.constant 0 : i32
    %dma_start3A_74 = tpu.memref_slice %arg7[%dma_start3A_63, %dma_start3A_72, %dma_start3A_73] : memref<2x128x128xf32, #tpu.memory_space<vmem>> -> memref<1x128x128xf32, #tpu.memory_space<vmem>>
    %dma_start3A_75 = tpu.memref_squeeze %dma_start3A_74 : memref<1x128x128xf32, #tpu.memory_space<vmem>> -> memref<128x128xf32, #tpu.memory_space<vmem>>
    tpu.enqueue_dma source(%dma_start3A_75 : memref<128x128xf32, #tpu.memory_space<vmem>>) target(%dma_start3A_71 : memref<128x128xf32, #tpu.memory_space<vmem_shared>>) target_semaphore(%arg10 : memref<!tpu.dma_semaphore, #tpu.memory_space<semaphore_mem>>)
    %add3A_76 = arith.constant 256 : i32
    %add3A_77 = arith.addi %mul3A_45, %add3A_76 : i32
    %dma_start3A_78 = arith.constant 0 : i32
    %dma_start3A_79 = arith.constant 0 : i32
    %dma_start3A_80 = arith.constant 0 : i32
    %dma_start3A_81 = tpu.memref_slice %arg7[%dma_start3A_78, %dma_start3A_79, %dma_start3A_80] : memref<2x128x128xf32, #tpu.memory_space<vmem>> -> memref<1x128x128xf32, #tpu.memory_space<vmem>>
    %dma_start3A_82 = tpu.memref_squeeze %dma_start3A_81 : memref<1x128x128xf32, #tpu.memory_space<vmem>> -> memref<128x128xf32, #tpu.memory_space<vmem>>
    %dma_start3A_83 = arith.constant 0 : i32
    %dma_start3A_84 = tpu.memref_slice %arg8[%add3A_77, %dma_start3A_83] : memref<10112x128xf32, #tpu.memory_space<vmem_shared>> -> memref<128x128xf32, #tpu.memory_space<vmem_shared>>
    %dma_start3A_85 = arith.constant 0 : i32
    %dma_start3A_86 = tpu.memref_slice %arg8[%add3A_77, %dma_start3A_85] : memref<10112x128xf32, #tpu.memory_space<vmem_shared>> -> memref<128x128xf32, #tpu.memory_space<vmem_shared>>
    %dma_start3A_87 = arith.constant 0 : i32
    %dma_start3A_88 = arith.constant 0 : i32
    %dma_start3A_89 = tpu.memref_slice %arg7[%dma_start3A_78, %dma_start3A_87, %dma_start3A_88] : memref<2x128x128xf32, #tpu.memory_space<vmem>> -> memref<1x128x128xf32, #tpu.memory_space<vmem>>
    %dma_start3A_90 = tpu.memref_squeeze %dma_start3A_89 : memref<1x128x128xf32, #tpu.memory_space<vmem>> -> memref<128x128xf32, #tpu.memory_space<vmem>>
    tpu.enqueue_dma source(%dma_start3A_90 : memref<128x128xf32, #tpu.memory_space<vmem>>) target(%dma_start3A_86 : memref<128x128xf32, #tpu.memory_space<vmem_shared>>) target_semaphore(%arg9 : memref<!tpu.dma_semaphore, #tpu.memory_space<semaphore_mem>>)
    %add3A_91 = arith.constant 384 : i32
    %add3A_92 = arith.addi %mul3A_45, %add3A_91 : i32
    %dma_start3A_93 = arith.constant 0 : i32
    %dma_start3A_94 = arith.constant 0 : i32
    %dma_start3A_95 = arith.constant 0 : i32
    %dma_start3A_96 = tpu.memref_slice %arg7[%dma_start3A_93, %dma_start3A_94, %dma_start3A_95] : memref<2x128x128xf32, #tpu.memory_space<vmem>> -> memref<1x128x128xf32, #tpu.memory_space<vmem>>
    %dma_start3A_97 = tpu.memref_squeeze %dma_start3A_96 : memref<1x128x128xf32, #tpu.memory_space<vmem>> -> memref<128x128xf32, #tpu.memory_space<vmem>>
    %dma_start3A_98 = arith.constant 0 : i32
    %dma_start3A_99 = tpu.memref_slice %arg8[%add3A_92, %dma_start3A_98] : memref<10112x128xf32, #tpu.memory_space<vmem_shared>> -> memref<128x128xf32, #tpu.memory_space<vmem_shared>>
    %dma_start3A_100 = arith.constant 0 : i32
    %dma_start3A_101 = tpu.memref_slice %arg8[%add3A_92, %dma_start3A_100] : memref<10112x128xf32, #tpu.memory_space<vmem_shared>> -> memref<128x128xf32, #tpu.memory_space<vmem_shared>>
    %dma_start3A_102 = arith.constant 0 : i32
    %dma_start3A_103 = arith.constant 0 : i32
    %dma_start3A_104 = tpu.memref_slice %arg7[%dma_start3A_93, %dma_start3A_102, %dma_start3A_103] : memref<2x128x128xf32, #tpu.memory_space<vmem>> -> memref<1x128x128xf32, #tpu.memory_space<vmem>>
    %dma_start3A_105 = tpu.memref_squeeze %dma_start3A_104 : memref<1x128x128xf32, #tpu.memory_space<vmem>> -> memref<128x128xf32, #tpu.memory_space<vmem>>
    tpu.enqueue_dma source(%dma_start3A_105 : memref<128x128xf32, #tpu.memory_space<vmem>>) target(%dma_start3A_101 : memref<128x128xf32, #tpu.memory_space<vmem_shared>>) target_semaphore(%arg10 : memref<!tpu.dma_semaphore, #tpu.memory_space<semaphore_mem>>)
    %add3A_106 = arith.constant 512 : i32
    %add3A_107 = arith.addi %mul3A_45, %add3A_106 : i32
    %dma_start3A_108 = arith.constant 0 : i32
    %dma_start3A_109 = arith.constant 0 : i32
    %dma_start3A_110 = arith.constant 0 : i32
    %dma_start3A_111 = tpu.memref_slice %arg7[%dma_start3A_108, %dma_start3A_109, %dma_start3A_110] : memref<2x128x128xf32, #tpu.memory_space<vmem>> -> memref<1x120x128xf32, #tpu.memory_space<vmem>>
    %dma_start3A_112 = tpu.memref_squeeze %dma_start3A_111 : memref<1x120x128xf32, #tpu.memory_space<vmem>> -> memref<120x128xf32, #tpu.memory_space<vmem>>
    %dma_start3A_113 = arith.constant 0 : i32
    %dma_start3A_114 = tpu.memref_slice %arg8[%add3A_107, %dma_start3A_113] : memref<10112x128xf32, #tpu.memory_space<vmem_shared>> -> memref<120x128xf32, #tpu.memory_space<vmem_shared>>
    %dma_start3A_115 = arith.constant 0 : i32
    %dma_start3A_116 = tpu.memref_slice %arg8[%add3A_107, %dma_start3A_115] : memref<10112x128xf32, #tpu.memory_space<vmem_shared>> -> memref<120x128xf32, #tpu.memory_space<vmem_shared>>
    %dma_start3A_117 = arith.constant 0 : i32
    %dma_start3A_118 = arith.constant 0 : i32
    %dma_start3A_119 = tpu.memref_slice %arg7[%dma_start3A_108, %dma_start3A_117, %dma_start3A_118] : memref<2x128x128xf32, #tpu.memory_space<vmem>> -> memref<1x120x128xf32, #tpu.memory_space<vmem>>
    %dma_start3A_120 = tpu.memref_squeeze %dma_start3A_119 : memref<1x120x128xf32, #tpu.memory_space<vmem>> -> memref<120x128xf32, #tpu.memory_space<vmem>>
    tpu.enqueue_dma source(%dma_start3A_120 : memref<120x128xf32, #tpu.memory_space<vmem>>) target(%dma_start3A_116 : memref<120x128xf32, #tpu.memory_space<vmem_shared>>) target_semaphore(%arg9 : memref<!tpu.dma_semaphore, #tpu.memory_space<semaphore_mem>>)
    %dma_wait3A_121 = arith.constant 0 : i32
    %dma_wait3A_122 = arith.constant 0 : i32
    %dma_wait3A_123 = arith.constant 0 : i32
    %dma_wait3A_124 = tpu.memref_slice %arg7[%dma_wait3A_121, %dma_wait3A_122, %dma_wait3A_123] : memref<2x128x128xf32, #tpu.memory_space<vmem>> -> memref<1x128x128xf32, #tpu.memory_space<vmem>>
    %dma_wait3A_125 = tpu.memref_squeeze %dma_wait3A_124 : memref<1x128x128xf32, #tpu.memory_space<vmem>> -> memref<128x128xf32, #tpu.memory_space<vmem>>
    %dma_wait3A_126 = arith.constant 0 : i32
    %dma_wait3A_127 = tpu.memref_slice %arg8[%add3A_47, %dma_wait3A_126] : memref<10112x128xf32, #tpu.memory_space<vmem_shared>> -> memref<128x128xf32, #tpu.memory_space<vmem_shared>>
    %dma_wait3A_128 = arith.constant 0 : i32
    %dma_wait3A_129 = tpu.memref_slice %arg8[%add3A_47, %dma_wait3A_128] : memref<10112x128xf32, #tpu.memory_space<vmem_shared>> -> memref<128x128xf32, #tpu.memory_space<vmem_shared>>
    %dma_wait3A_130 = arith.constant 0 : i32
    %dma_wait3A_131 = arith.constant 0 : i32
    %dma_wait3A_132 = tpu.memref_slice %arg7[%dma_wait3A_121, %dma_wait3A_130, %dma_wait3A_131] : memref<2x128x128xf32, #tpu.memory_space<vmem>> -> memref<1x128x128xf32, #tpu.memory_space<vmem>>
    %dma_wait3A_133 = tpu.memref_squeeze %dma_wait3A_132 : memref<1x128x128xf32, #tpu.memory_space<vmem>> -> memref<128x128xf32, #tpu.memory_space<vmem>>
    tpu.wait_dma2 semaphore(%arg9 : memref<!tpu.dma_semaphore, #tpu.memory_space<semaphore_mem>>) src(%dma_wait3A_133 : memref<128x128xf32, #tpu.memory_space<vmem>>) dst(%dma_wait3A_129 : memref<128x128xf32, #tpu.memory_space<vmem_shared>>)
    %dma_wait3A_134 = arith.constant 0 : i32
    %dma_wait3A_135 = arith.constant 0 : i32
    %dma_wait3A_136 = arith.constant 0 : i32
    %dma_wait3A_137 = tpu.memref_slice %arg7[%dma_wait3A_134, %dma_wait3A_135, %dma_wait3A_136] : memref<2x128x128xf32, #tpu.memory_space<vmem>> -> memref<1x128x128xf32, #tpu.memory_space<vmem>>
    %dma_wait3A_138 = tpu.memref_squeeze %dma_wait3A_137 : memref<1x128x128xf32, #tpu.memory_space<vmem>> -> memref<128x128xf32, #tpu.memory_space<vmem>>
    %dma_wait3A_139 = arith.constant 0 : i32
    %dma_wait3A_140 = tpu.memref_slice %arg8[%add3A_62, %dma_wait3A_139] : memref<10112x128xf32, #tpu.memory_space<vmem_shared>> -> memref<128x128xf32, #tpu.memory_space<vmem_shared>>
    %dma_wait3A_141 = arith.constant 0 : i32
    %dma_wait3A_142 = tpu.memref_slice %arg8[%add3A_62, %dma_wait3A_141] : memref<10112x128xf32, #tpu.memory_space<vmem_shared>> -> memref<128x128xf32, #tpu.memory_space<vmem_shared>>
    %dma_wait3A_143 = arith.constant 0 : i32
    %dma_wait3A_144 = arith.constant 0 : i32
    %dma_wait3A_145 = tpu.memref_slice %arg7[%dma_wait3A_134, %dma_wait3A_143, %dma_wait3A_144] : memref<2x128x128xf32, #tpu.memory_space<vmem>> -> memref<1x128x128xf32, #tpu.memory_space<vmem>>
    %dma_wait3A_146 = tpu.memref_squeeze %dma_wait3A_145 : memref<1x128x128xf32, #tpu.memory_space<vmem>> -> memref<128x128xf32, #tpu.memory_space<vmem>>
    tpu.wait_dma2 semaphore(%arg10 : memref<!tpu.dma_semaphore, #tpu.memory_space<semaphore_mem>>) src(%dma_wait3A_146 : memref<128x128xf32, #tpu.memory_space<vmem>>) dst(%dma_wait3A_142 : memref<128x128xf32, #tpu.memory_space<vmem_shared>>)
    %dma_wait3A_147 = arith.constant 0 : i32
    %dma_wait3A_148 = arith.constant 0 : i32
    %dma_wait3A_149 = arith.constant 0 : i32
    %dma_wait3A_150 = tpu.memref_slice %arg7[%dma_wait3A_147, %dma_wait3A_148, %dma_wait3A_149] : memref<2x128x128xf32, #tpu.memory_space<vmem>> -> memref<1x128x128xf32, #tpu.memory_space<vmem>>
    %dma_wait3A_151 = tpu.memref_squeeze %dma_wait3A_150 : memref<1x128x128xf32, #tpu.memory_space<vmem>> -> memref<128x128xf32, #tpu.memory_space<vmem>>
    %dma_wait3A_152 = arith.constant 0 : i32
    %dma_wait3A_153 = tpu.memref_slice %arg8[%add3A_77, %dma_wait3A_152] : memref<10112x128xf32, #tpu.memory_space<vmem_shared>> -> memref<128x128xf32, #tpu.memory_space<vmem_shared>>
    %dma_wait3A_154 = arith.constant 0 : i32
    %dma_wait3A_155 = tpu.memref_slice %arg8[%add3A_77, %dma_wait3A_154] : memref<10112x128xf32, #tpu.memory_space<vmem_shared>> -> memref<128x128xf32, #tpu.memory_space<vmem_shared>>
    %dma_wait3A_156 = arith.constant 0 : i32
    %dma_wait3A_157 = arith.constant 0 : i32
    %dma_wait3A_158 = tpu.memref_slice %arg7[%dma_wait3A_147, %dma_wait3A_156, %dma_wait3A_157] : memref<2x128x128xf32, #tpu.memory_space<vmem>> -> memref<1x128x128xf32, #tpu.memory_space<vmem>>
    %dma_wait3A_159 = tpu.memref_squeeze %dma_wait3A_158 : memref<1x128x128xf32, #tpu.memory_space<vmem>> -> memref<128x128xf32, #tpu.memory_space<vmem>>
    tpu.wait_dma2 semaphore(%arg9 : memref<!tpu.dma_semaphore, #tpu.memory_space<semaphore_mem>>) src(%dma_wait3A_159 : memref<128x128xf32, #tpu.memory_space<vmem>>) dst(%dma_wait3A_155 : memref<128x128xf32, #tpu.memory_space<vmem_shared>>)
    %dma_wait3A_160 = arith.constant 0 : i32
    %dma_wait3A_161 = arith.constant 0 : i32
    %dma_wait3A_162 = arith.constant 0 : i32
    %dma_wait3A_163 = tpu.memref_slice %arg7[%dma_wait3A_160, %dma_wait3A_161, %dma_wait3A_162] : memref<2x128x128xf32, #tpu.memory_space<vmem>> -> memref<1x128x128xf32, #tpu.memory_space<vmem>>
    %dma_wait3A_164 = tpu.memref_squeeze %dma_wait3A_163 : memref<1x128x128xf32, #tpu.memory_space<vmem>> -> memref<128x128xf32, #tpu.memory_space<vmem>>
    %dma_wait3A_165 = arith.constant 0 : i32
    %dma_wait3A_166 = tpu.memref_slice %arg8[%add3A_92, %dma_wait3A_165] : memref<10112x128xf32, #tpu.memory_space<vmem_shared>> -> memref<128x128xf32, #tpu.memory_space<vmem_shared>>
    %dma_wait3A_167 = arith.constant 0 : i32
    %dma_wait3A_168 = tpu.memref_slice %arg8[%add3A_92, %dma_wait3A_167] : memref<10112x128xf32, #tpu.memory_space<vmem_shared>> -> memref<128x128xf32, #tpu.memory_space<vmem_shared>>
    %dma_wait3A_169 = arith.constant 0 : i32
    %dma_wait3A_170 = arith.constant 0 : i32
    %dma_wait3A_171 = tpu.memref_slice %arg7[%dma_wait3A_160, %dma_wait3A_169, %dma_wait3A_170] : memref<2x128x128xf32, #tpu.memory_space<vmem>> -> memref<1x128x128xf32, #tpu.memory_space<vmem>>
    %dma_wait3A_172 = tpu.memref_squeeze %dma_wait3A_171 : memref<1x128x128xf32, #tpu.memory_space<vmem>> -> memref<128x128xf32, #tpu.memory_space<vmem>>
    tpu.wait_dma2 semaphore(%arg10 : memref<!tpu.dma_semaphore, #tpu.memory_space<semaphore_mem>>) src(%dma_wait3A_172 : memref<128x128xf32, #tpu.memory_space<vmem>>) dst(%dma_wait3A_168 : memref<128x128xf32, #tpu.memory_space<vmem_shared>>)
    %dma_wait3A_173 = arith.constant 0 : i32
    %dma_wait3A_174 = arith.constant 0 : i32
    %dma_wait3A_175 = arith.constant 0 : i32
    %dma_wait3A_176 = tpu.memref_slice %arg7[%dma_wait3A_173, %dma_wait3A_174, %dma_wait3A_175] : memref<2x128x128xf32, #tpu.memory_space<vmem>> -> memref<1x120x128xf32, #tpu.memory_space<vmem>>
    %dma_wait3A_177 = tpu.memref_squeeze %dma_wait3A_176 : memref<1x120x128xf32, #tpu.memory_space<vmem>> -> memref<120x128xf32, #tpu.memory_space<vmem>>
    %dma_wait3A_178 = arith.constant 0 : i32
    %dma_wait3A_179 = tpu.memref_slice %arg8[%add3A_107, %dma_wait3A_178] : memref<10112x128xf32, #tpu.memory_space<vmem_shared>> -> memref<120x128xf32, #tpu.memory_space<vmem_shared>>
    %dma_wait3A_180 = arith.constant 0 : i32
    %dma_wait3A_181 = tpu.memref_slice %arg8[%add3A_107, %dma_wait3A_180] : memref<10112x128xf32, #tpu.memory_space<vmem_shared>> -> memref<120x128xf32, #tpu.memory_space<vmem_shared>>
    %dma_wait3A_182 = arith.constant 0 : i32
    %dma_wait3A_183 = arith.constant 0 : i32
    %dma_wait3A_184 = tpu.memref_slice %arg7[%dma_wait3A_173, %dma_wait3A_182, %dma_wait3A_183] : memref<2x128x128xf32, #tpu.memory_space<vmem>> -> memref<1x120x128xf32, #tpu.memory_space<vmem>>
    %dma_wait3A_185 = tpu.memref_squeeze %dma_wait3A_184 : memref<1x120x128xf32, #tpu.memory_space<vmem>> -> memref<120x128xf32, #tpu.memory_space<vmem>>
    tpu.wait_dma2 semaphore(%arg9 : memref<!tpu.dma_semaphore, #tpu.memory_space<semaphore_mem>>) src(%dma_wait3A_185 : memref<120x128xf32, #tpu.memory_space<vmem>>) dst(%dma_wait3A_181 : memref<120x128xf32, #tpu.memory_space<vmem_shared>>)
    %barrier3A = arith.constant 0 : index
    tpu.barrier barrier_id(%barrier3A)
    %dma_start3A_186 = arith.constant 0 : i32
    %dma_start3A_187 = arith.constant 0 : i32
    %dma_start3A_188 = arith.constant 0 : i32
    %dma_start3A_189 = arith.constant 0 : i32
    %dma_start3A_190 = tpu.memref_slice %arg7[%dma_start3A_187, %dma_start3A_188, %dma_start3A_189] : memref<2x128x128xf32, #tpu.memory_space<vmem>> -> memref<1x128x128xf32, #tpu.memory_space<vmem>>
    %dma_start3A_191 = tpu.memref_squeeze %dma_start3A_190 : memref<1x128x128xf32, #tpu.memory_space<vmem>> -> memref<128x128xf32, #tpu.memory_space<vmem>>
    %dma_start3A_192 = arith.constant 0 : i32
    %dma_start3A_193 = tpu.memref_slice %arg5[%dma_start3A_186, %dma_start3A_192] : memref<40x128xi32, #tpu.memory_space<vmem>> -> memref<1x128xi32, #tpu.memory_space<vmem>>
    %dma_start3A_194 = tpu.memref_squeeze %dma_start3A_193 : memref<1x128xi32, #tpu.memory_space<vmem>> -> memref<128xi32, #tpu.memory_space<vmem>>
    %dma_start3A_195 = arith.constant 0 : i32
    %dma_start3A_196 = arith.constant 0 : i32
    %dma_start3A_197 = tpu.memref_slice %arg2[%dma_start3A_195, %dma_start3A_196] : memref<10000x128xf32, #tpu.memory_space<hbm>> -> memref<10000x128xf32, #tpu.memory_space<hbm>>
    tpu.enqueue_indirect_dma source(%dma_start3A_197 : memref<10000x128xf32, #tpu.memory_space<hbm>>) target(%dma_start3A_191 : memref<128x128xf32, #tpu.memory_space<vmem>>) offsets(%dma_start3A_194 : memref<128xi32, #tpu.memory_space<vmem>>) semaphore(%arg9 : memref<!tpu.dma_semaphore, #tpu.memory_space<semaphore_mem>>)
    %dma_start3A_198 = arith.constant 1 : i32
    %dma_start3A_199 = arith.constant 1 : i32
    %dma_start3A_200 = arith.constant 0 : i32
    %dma_start3A_201 = arith.constant 0 : i32
    %dma_start3A_202 = tpu.memref_slice %arg7[%dma_start3A_199, %dma_start3A_200, %dma_start3A_201] : memref<2x128x128xf32, #tpu.memory_space<vmem>> -> memref<1x128x128xf32, #tpu.memory_space<vmem>>
    %dma_start3A_203 = tpu.memref_squeeze %dma_start3A_202 : memref<1x128x128xf32, #tpu.memory_space<vmem>> -> memref<128x128xf32, #tpu.memory_space<vmem>>
    %dma_start3A_204 = arith.constant 0 : i32
    %dma_start3A_205 = tpu.memref_slice %arg5[%dma_start3A_198, %dma_start3A_204] : memref<40x128xi32, #tpu.memory_space<vmem>> -> memref<1x128xi32, #tpu.memory_space<vmem>>
    %dma_start3A_206 = tpu.memref_squeeze %dma_start3A_205 : memref<1x128xi32, #tpu.memory_space<vmem>> -> memref<128xi32, #tpu.memory_space<vmem>>
    %dma_start3A_207 = arith.constant 0 : i32
    %dma_start3A_208 = arith.constant 0 : i32
    %dma_start3A_209 = tpu.memref_slice %arg2[%dma_start3A_207, %dma_start3A_208] : memref<10000x128xf32, #tpu.memory_space<hbm>> -> memref<10000x128xf32, #tpu.memory_space<hbm>>
    tpu.enqueue_indirect_dma source(%dma_start3A_209 : memref<10000x128xf32, #tpu.memory_space<hbm>>) target(%dma_start3A_203 : memref<128x128xf32, #tpu.memory_space<vmem>>) offsets(%dma_start3A_206 : memref<128xi32, #tpu.memory_space<vmem>>) semaphore(%arg10 : memref<!tpu.dma_semaphore, #tpu.memory_space<semaphore_mem>>)
    %scan3A_210 = arith.constant 0 : i32
    %scan3A_211 = arith.constant 20 : i32
    %scan3A_212 = arith.addi %scan3A_210, %scan3A_211 : i32
    %scan3A_213 = arith.constant 1 : i32
    scf.for %scan3A_248 = %scan3A_210 to %scan3A_212 step %scan3A_213  : i32 {
      %mul3A_249 = arith.constant 1 : i32
      %mul3A_250 = arith.muli %scan3A_248, %mul3A_249 : i32
      %add3A_251 = arith.constant 0 : i32
      %add3A_252 = arith.addi %add3A_251, %mul3A_250 : i32
      %mul3A_253 = arith.constant 2 : i32
      %mul3A_254 = arith.muli %add3A_252, %mul3A_253 : i32
      %add3A_255 = arith.constant 0 : i32
      %add3A_256 = arith.addi %mul3A_254, %add3A_255 : i32
      %dma_wait3A_257 = arith.constant 0 : i32
      %dma_wait3A_258 = arith.constant 0 : i32
      %dma_wait3A_259 = arith.constant 0 : i32
      %dma_wait3A_260 = arith.constant 0 : i32
      %dma_wait3A_261 = tpu.memref_slice %arg7[%dma_wait3A_258, %dma_wait3A_259, %dma_wait3A_260] : memref<2x128x128xf32, #tpu.memory_space<vmem>> -> memref<1x128x128xf32, #tpu.memory_space<vmem>>
      %dma_wait3A_262 = tpu.memref_squeeze %dma_wait3A_261 : memref<1x128x128xf32, #tpu.memory_space<vmem>> -> memref<128x128xf32, #tpu.memory_space<vmem>>
      %dma_wait3A_263 = arith.constant 0 : i32
      %dma_wait3A_264 = tpu.memref_slice %arg5[%dma_wait3A_257, %dma_wait3A_263] : memref<40x128xi32, #tpu.memory_space<vmem>> -> memref<1x128xi32, #tpu.memory_space<vmem>>
      %dma_wait3A_265 = tpu.memref_squeeze %dma_wait3A_264 : memref<1x128xi32, #tpu.memory_space<vmem>> -> memref<128xi32, #tpu.memory_space<vmem>>
      %dma_wait3A_266 = arith.constant 0 : i32
      %dma_wait3A_267 = arith.constant 0 : i32
      %dma_wait3A_268 = tpu.memref_slice %arg2[%dma_wait3A_266, %dma_wait3A_267] : memref<10000x128xf32, #tpu.memory_space<hbm>> -> memref<10000x128xf32, #tpu.memory_space<hbm>>
      tpu.wait_indirect_dma semaphore(%arg9 : memref<!tpu.dma_semaphore, #tpu.memory_space<semaphore_mem>>) src(%dma_wait3A_268 : memref<10000x128xf32, #tpu.memory_space<hbm>>) dst(%dma_wait3A_262 : memref<128x128xf32, #tpu.memory_space<vmem>>)
      %run_scoped3A_269 = arith.constant 0 : i32
      "tpu.region"() ({
        %run_scoped3A_296 = tpu.sem_alloc : memref<!tpu.dma_semaphore, #tpu.memory_space<semaphore_mem>>
        %dma_start3A_297 = arith.constant 0 : i32
        %dma_start3A_298 = arith.constant 0 : i32
        %dma_start3A_299 = tpu.memref_slice %arg7[%run_scoped3A_269, %dma_start3A_297, %dma_start3A_298] : memref<2x128x128xf32, #tpu.memory_space<vmem>> -> memref<1x128x128xf32, #tpu.memory_space<vmem>>
        %dma_start3A_300 = tpu.memref_squeeze %dma_start3A_299 : memref<1x128x128xf32, #tpu.memory_space<vmem>> -> memref<128x128xf32, #tpu.memory_space<vmem>>
        %dma_start3A_301 = arith.constant 0 : i32
        %dma_start3A_302 = tpu.memref_slice %arg6[%add3A_256, %dma_start3A_301] : memref<40x128xi32, #tpu.memory_space<vmem>> -> memref<1x128xi32, #tpu.memory_space<vmem>>
        %dma_start3A_303 = tpu.memref_squeeze %dma_start3A_302 : memref<1x128xi32, #tpu.memory_space<vmem>> -> memref<128xi32, #tpu.memory_space<vmem>>
        %dma_start3A_304 = arith.constant 0 : i32
        %dma_start3A_305 = arith.constant 0 : i32
        %dma_start3A_306 = tpu.memref_slice %arg8[%dma_start3A_304, %dma_start3A_305] : memref<10112x128xf32, #tpu.memory_space<vmem_shared>> -> memref<10112x128xf32, #tpu.memory_space<vmem_shared>>
        tpu.enqueue_indirect_dma source(%dma_start3A_300 : memref<128x128xf32, #tpu.memory_space<vmem>>) target(%dma_start3A_306 : memref<10112x128xf32, #tpu.memory_space<vmem_shared>>) offsets(%dma_start3A_303 : memref<128xi32, #tpu.memory_space<vmem>>) semaphore(%run_scoped3A_296 : memref<!tpu.dma_semaphore, #tpu.memory_space<semaphore_mem>>) {add = true}
        %dma_wait3A_307 = arith.constant 0 : i32
        %dma_wait3A_308 = arith.constant 0 : i32
        %dma_wait3A_309 = tpu.memref_slice %arg7[%run_scoped3A_269, %dma_wait3A_307, %dma_wait3A_308] : memref<2x128x128xf32, #tpu.memory_space<vmem>> -> memref<1x128x128xf32, #tpu.memory_space<vmem>>
        %dma_wait3A_310 = tpu.memref_squeeze %dma_wait3A_309 : memref<1x128x128xf32, #tpu.memory_space<vmem>> -> memref<128x128xf32, #tpu.memory_space<vmem>>
        %dma_wait3A_311 = arith.constant 0 : i32
        %dma_wait3A_312 = tpu.memref_slice %arg6[%add3A_256, %dma_wait3A_311] : memref<40x128xi32, #tpu.memory_space<vmem>> -> memref<1x128xi32, #tpu.memory_space<vmem>>
        %dma_wait3A_313 = tpu.memref_squeeze %dma_wait3A_312 : memref<1x128xi32, #tpu.memory_space<vmem>> -> memref<128xi32, #tpu.memory_space<vmem>>
        %dma_wait3A_314 = arith.constant 0 : i32
        %dma_wait3A_315 = arith.constant 0 : i32
        %dma_wait3A_316 = tpu.memref_slice %arg8[%dma_wait3A_314, %dma_wait3A_315] : memref<10112x128xf32, #tpu.memory_space<vmem_shared>> -> memref<10112x128xf32, #tpu.memory_space<vmem_shared>>
        tpu.wait_indirect_dma semaphore(%run_scoped3A_296 : memref<!tpu.dma_semaphore, #tpu.memory_space<semaphore_mem>>) src(%dma_wait3A_310 : memref<128x128xf32, #tpu.memory_space<vmem>>) dst(%dma_wait3A_316 : memref<10112x128xf32, #tpu.memory_space<vmem_shared>>)
        tpu.yield
      }) : () -> ()
      %add3A_270 = arith.constant 2 : i32
      %add3A_271 = arith.addi %add3A_256, %add3A_270 : i32
      %lt3A = arith.constant 40 : i32
      %lt3A_272 = arith.cmpi slt, %add3A_271, %lt3A : i32
      %convert_element_type3A = arith.extui %lt3A_272 : i1 to i32
      %cond3A = arith.constant 0 : i32
      %cond3A_273 = arith.cmpi ne, %convert_element_type3A, %cond3A : i32
      scf.if %cond3A_273 {
        %add3A_296 = arith.constant 2 : i32
        %add3A_297 = arith.addi %add3A_256, %add3A_296 : i32
        %dma_start3A_298 = arith.constant 0 : i32
        %dma_start3A_299 = arith.constant 0 : i32
        %dma_start3A_300 = arith.constant 0 : i32
        %dma_start3A_301 = tpu.memref_slice %arg7[%dma_start3A_298, %dma_start3A_299, %dma_start3A_300] : memref<2x128x128xf32, #tpu.memory_space<vmem>> -> memref<1x128x128xf32, #tpu.memory_space<vmem>>
        %dma_start3A_302 = tpu.memref_squeeze %dma_start3A_301 : memref<1x128x128xf32, #tpu.memory_space<vmem>> -> memref<128x128xf32, #tpu.memory_space<vmem>>
        %dma_start3A_303 = arith.constant 0 : i32
        %dma_start3A_304 = tpu.memref_slice %arg5[%add3A_297, %dma_start3A_303] : memref<40x128xi32, #tpu.memory_space<vmem>> -> memref<1x128xi32, #tpu.memory_space<vmem>>
        %dma_start3A_305 = tpu.memref_squeeze %dma_start3A_304 : memref<1x128xi32, #tpu.memory_space<vmem>> -> memref<128xi32, #tpu.memory_space<vmem>>
        %dma_start3A_306 = arith.constant 0 : i32
        %dma_start3A_307 = arith.constant 0 : i32
        %dma_start3A_308 = tpu.memref_slice %arg2[%dma_start3A_306, %dma_start3A_307] : memref<10000x128xf32, #tpu.memory_space<hbm>> -> memref<10000x128xf32, #tpu.memory_space<hbm>>
        tpu.enqueue_indirect_dma source(%dma_start3A_308 : memref<10000x128xf32, #tpu.memory_space<hbm>>) target(%dma_start3A_302 : memref<128x128xf32, #tpu.memory_space<vmem>>) offsets(%dma_start3A_305 : memref<128xi32, #tpu.memory_space<vmem>>) semaphore(%arg9 : memref<!tpu.dma_semaphore, #tpu.memory_space<semaphore_mem>>)
      } else {
      }
      %add3A_274 = arith.constant 1 : i32
      %add3A_275 = arith.addi %mul3A_254, %add3A_274 : i32
      %dma_wait3A_276 = arith.constant 0 : i32
      %dma_wait3A_277 = arith.constant 1 : i32
      %dma_wait3A_278 = arith.constant 0 : i32
      %dma_wait3A_279 = arith.constant 0 : i32
      %dma_wait3A_280 = tpu.memref_slice %arg7[%dma_wait3A_277, %dma_wait3A_278, %dma_wait3A_279] : memref<2x128x128xf32, #tpu.memory_space<vmem>> -> memref<1x128x128xf32, #tpu.memory_space<vmem>>
      %dma_wait3A_281 = tpu.memref_squeeze %dma_wait3A_280 : memref<1x128x128xf32, #tpu.memory_space<vmem>> -> memref<128x128xf32, #tpu.memory_space<vmem>>
      %dma_wait3A_282 = arith.constant 0 : i32
      %dma_wait3A_283 = tpu.memref_slice %arg5[%dma_wait3A_276, %dma_wait3A_282] : memref<40x128xi32, #tpu.memory_space<vmem>> -> memref<1x128xi32, #tpu.memory_space<vmem>>
      %dma_wait3A_284 = tpu.memref_squeeze %dma_wait3A_283 : memref<1x128xi32, #tpu.memory_space<vmem>> -> memref<128xi32, #tpu.memory_space<vmem>>
      %dma_wait3A_285 = arith.constant 0 : i32
      %dma_wait3A_286 = arith.constant 0 : i32
      %dma_wait3A_287 = tpu.memref_slice %arg2[%dma_wait3A_285, %dma_wait3A_286] : memref<10000x128xf32, #tpu.memory_space<hbm>> -> memref<10000x128xf32, #tpu.memory_space<hbm>>
      tpu.wait_indirect_dma semaphore(%arg10 : memref<!tpu.dma_semaphore, #tpu.memory_space<semaphore_mem>>) src(%dma_wait3A_287 : memref<10000x128xf32, #tpu.memory_space<hbm>>) dst(%dma_wait3A_281 : memref<128x128xf32, #tpu.memory_space<vmem>>)
      %run_scoped3A_288 = arith.constant 1 : i32
      "tpu.region"() ({
        %run_scoped3A_296 = tpu.sem_alloc : memref<!tpu.dma_semaphore, #tpu.memory_space<semaphore_mem>>
        %dma_start3A_297 = arith.constant 0 : i32
        %dma_start3A_298 = arith.constant 0 : i32
        %dma_start3A_299 = tpu.memref_slice %arg7[%run_scoped3A_288, %dma_start3A_297, %dma_start3A_298] : memref<2x128x128xf32, #tpu.memory_space<vmem>> -> memref<1x128x128xf32, #tpu.memory_space<vmem>>
        %dma_start3A_300 = tpu.memref_squeeze %dma_start3A_299 : memref<1x128x128xf32, #tpu.memory_space<vmem>> -> memref<128x128xf32, #tpu.memory_space<vmem>>
        %dma_start3A_301 = arith.constant 0 : i32
        %dma_start3A_302 = tpu.memref_slice %arg6[%add3A_275, %dma_start3A_301] : memref<40x128xi32, #tpu.memory_space<vmem>> -> memref<1x128xi32, #tpu.memory_space<vmem>>
        %dma_start3A_303 = tpu.memref_squeeze %dma_start3A_302 : memref<1x128xi32, #tpu.memory_space<vmem>> -> memref<128xi32, #tpu.memory_space<vmem>>
        %dma_start3A_304 = arith.constant 0 : i32
        %dma_start3A_305 = arith.constant 0 : i32
        %dma_start3A_306 = tpu.memref_slice %arg8[%dma_start3A_304, %dma_start3A_305] : memref<10112x128xf32, #tpu.memory_space<vmem_shared>> -> memref<10112x128xf32, #tpu.memory_space<vmem_shared>>
        tpu.enqueue_indirect_dma source(%dma_start3A_300 : memref<128x128xf32, #tpu.memory_space<vmem>>) target(%dma_start3A_306 : memref<10112x128xf32, #tpu.memory_space<vmem_shared>>) offsets(%dma_start3A_303 : memref<128xi32, #tpu.memory_space<vmem>>) semaphore(%run_scoped3A_296 : memref<!tpu.dma_semaphore, #tpu.memory_space<semaphore_mem>>) {add = true}
        %dma_wait3A_307 = arith.constant 0 : i32
        %dma_wait3A_308 = arith.constant 0 : i32
        %dma_wait3A_309 = tpu.memref_slice %arg7[%run_scoped3A_288, %dma_wait3A_307, %dma_wait3A_308] : memref<2x128x128xf32, #tpu.memory_space<vmem>> -> memref<1x128x128xf32, #tpu.memory_space<vmem>>
        %dma_wait3A_310 = tpu.memref_squeeze %dma_wait3A_309 : memref<1x128x128xf32, #tpu.memory_space<vmem>> -> memref<128x128xf32, #tpu.memory_space<vmem>>
        %dma_wait3A_311 = arith.constant 0 : i32
        %dma_wait3A_312 = tpu.memref_slice %arg6[%add3A_275, %dma_wait3A_311] : memref<40x128xi32, #tpu.memory_space<vmem>> -> memref<1x128xi32, #tpu.memory_space<vmem>>
        %dma_wait3A_313 = tpu.memref_squeeze %dma_wait3A_312 : memref<1x128xi32, #tpu.memory_space<vmem>> -> memref<128xi32, #tpu.memory_space<vmem>>
        %dma_wait3A_314 = arith.constant 0 : i32
        %dma_wait3A_315 = arith.constant 0 : i32
        %dma_wait3A_316 = tpu.memref_slice %arg8[%dma_wait3A_314, %dma_wait3A_315] : memref<10112x128xf32, #tpu.memory_space<vmem_shared>> -> memref<10112x128xf32, #tpu.memory_space<vmem_shared>>
        tpu.wait_indirect_dma semaphore(%run_scoped3A_296 : memref<!tpu.dma_semaphore, #tpu.memory_space<semaphore_mem>>) src(%dma_wait3A_310 : memref<128x128xf32, #tpu.memory_space<vmem>>) dst(%dma_wait3A_316 : memref<10112x128xf32, #tpu.memory_space<vmem_shared>>)
        tpu.yield
      }) : () -> ()
      %add3A_289 = arith.constant 2 : i32
      %add3A_290 = arith.addi %add3A_275, %add3A_289 : i32
      %lt3A_291 = arith.constant 40 : i32
      %lt3A_292 = arith.cmpi slt, %add3A_290, %lt3A_291 : i32
      %convert_element_type3A_293 = arith.extui %lt3A_292 : i1 to i32
      %cond3A_294 = arith.constant 0 : i32
      %cond3A_295 = arith.cmpi ne, %convert_element_type3A_293, %cond3A_294 : i32
      scf.if %cond3A_295 {
        %add3A_296 = arith.constant 2 : i32
        %add3A_297 = arith.addi %add3A_275, %add3A_296 : i32
        %dma_start3A_298 = arith.constant 1 : i32
        %dma_start3A_299 = arith.constant 0 : i32
        %dma_start3A_300 = arith.constant 0 : i32
        %dma_start3A_301 = tpu.memref_slice %arg7[%dma_start3A_298, %dma_start3A_299, %dma_start3A_300] : memref<2x128x128xf32, #tpu.memory_space<vmem>> -> memref<1x128x128xf32, #tpu.memory_space<vmem>>
        %dma_start3A_302 = tpu.memref_squeeze %dma_start3A_301 : memref<1x128x128xf32, #tpu.memory_space<vmem>> -> memref<128x128xf32, #tpu.memory_space<vmem>>
        %dma_start3A_303 = arith.constant 0 : i32
        %dma_start3A_304 = tpu.memref_slice %arg5[%add3A_297, %dma_start3A_303] : memref<40x128xi32, #tpu.memory_space<vmem>> -> memref<1x128xi32, #tpu.memory_space<vmem>>
        %dma_start3A_305 = tpu.memref_squeeze %dma_start3A_304 : memref<1x128xi32, #tpu.memory_space<vmem>> -> memref<128xi32, #tpu.memory_space<vmem>>
        %dma_start3A_306 = arith.constant 0 : i32
        %dma_start3A_307 = arith.constant 0 : i32
        %dma_start3A_308 = tpu.memref_slice %arg2[%dma_start3A_306, %dma_start3A_307] : memref<10000x128xf32, #tpu.memory_space<hbm>> -> memref<10000x128xf32, #tpu.memory_space<hbm>>
        tpu.enqueue_indirect_dma source(%dma_start3A_308 : memref<10000x128xf32, #tpu.memory_space<hbm>>) target(%dma_start3A_302 : memref<128x128xf32, #tpu.memory_space<vmem>>) offsets(%dma_start3A_305 : memref<128xi32, #tpu.memory_space<vmem>>) semaphore(%arg10 : memref<!tpu.dma_semaphore, #tpu.memory_space<semaphore_mem>>)
      } else {
      }
    }
    %scan3A_214 = arith.constant 20 : i32
    %run_scoped3A = arith.constant 0 : i32
    %run_scoped3A_215 = arith.constant 1 : i32
    "tpu.region"() ({
      %run_scoped3A_248 = tpu.sem_alloc : memref<!tpu.dma_semaphore, #tpu.memory_space<semaphore_mem>>
      %dma_start3A_249 = arith.constant 0 : i32
      %dma_start3A_250 = arith.constant 0 : i32
      %dma_start3A_251 = tpu.memref_slice %arg3[%run_scoped3A, %add3A, %run_scoped3A_215, %dma_start3A_249, %dma_start3A_250] : memref<2x32x2x40x128xi32, #tpu.memory_space<hbm>> -> memref<1x1x1x40x128xi32, #tpu.memory_space<hbm>>
      %dma_start3A_252 = tpu.memref_squeeze %dma_start3A_251 : memref<1x1x1x40x128xi32, #tpu.memory_space<hbm>> -> memref<40x128xi32, #tpu.memory_space<hbm>>
      %dma_start3A_253 = arith.constant 0 : i32
      %dma_start3A_254 = arith.constant 0 : i32
      %dma_start3A_255 = tpu.memref_slice %arg3[%run_scoped3A, %add3A, %run_scoped3A_215, %dma_start3A_253, %dma_start3A_254] : memref<2x32x2x40x128xi32, #tpu.memory_space<hbm>> -> memref<1x1x1x40x128xi32, #tpu.memory_space<hbm>>
      %dma_start3A_256 = tpu.memref_squeeze %dma_start3A_255 : memref<1x1x1x40x128xi32, #tpu.memory_space<hbm>> -> memref<40x128xi32, #tpu.memory_space<hbm>>
      tpu.enqueue_dma source(%dma_start3A_256 : memref<40x128xi32, #tpu.memory_space<hbm>>) target(%arg5 : memref<40x128xi32, #tpu.memory_space<vmem>>) target_semaphore(%run_scoped3A_248 : memref<!tpu.dma_semaphore, #tpu.memory_space<semaphore_mem>>)
      %dma_wait3A_257 = arith.constant 0 : i32
      %dma_wait3A_258 = arith.constant 0 : i32
      %dma_wait3A_259 = tpu.memref_slice %arg3[%run_scoped3A, %add3A, %run_scoped3A_215, %dma_wait3A_257, %dma_wait3A_258] : memref<2x32x2x40x128xi32, #tpu.memory_space<hbm>> -> memref<1x1x1x40x128xi32, #tpu.memory_space<hbm>>
      %dma_wait3A_260 = tpu.memref_squeeze %dma_wait3A_259 : memref<1x1x1x40x128xi32, #tpu.memory_space<hbm>> -> memref<40x128xi32, #tpu.memory_space<hbm>>
      %dma_wait3A_261 = arith.constant 0 : i32
      %dma_wait3A_262 = arith.constant 0 : i32
      %dma_wait3A_263 = tpu.memref_slice %arg3[%run_scoped3A, %add3A, %run_scoped3A_215, %dma_wait3A_261, %dma_wait3A_262] : memref<2x32x2x40x128xi32, #tpu.memory_space<hbm>> -> memref<1x1x1x40x128xi32, #tpu.memory_space<hbm>>
      %dma_wait3A_264 = tpu.memref_squeeze %dma_wait3A_263 : memref<1x1x1x40x128xi32, #tpu.memory_space<hbm>> -> memref<40x128xi32, #tpu.memory_space<hbm>>
      tpu.wait_dma2 semaphore(%run_scoped3A_248 : memref<!tpu.dma_semaphore, #tpu.memory_space<semaphore_mem>>) src(%dma_wait3A_264 : memref<40x128xi32, #tpu.memory_space<hbm>>) dst(%arg5 : memref<40x128xi32, #tpu.memory_space<vmem>>)
      tpu.yield
    }) : () -> ()
    %run_scoped3A_216 = arith.constant 1 : i32
    %run_scoped3A_217 = arith.constant 1 : i32
    "tpu.region"() ({
      %run_scoped3A_248 = tpu.sem_alloc : memref<!tpu.dma_semaphore, #tpu.memory_space<semaphore_mem>>
      %dma_start3A_249 = arith.constant 0 : i32
      %dma_start3A_250 = arith.constant 0 : i32
      %dma_start3A_251 = tpu.memref_slice %arg3[%run_scoped3A_216, %add3A, %run_scoped3A_217, %dma_start3A_249, %dma_start3A_250] : memref<2x32x2x40x128xi32, #tpu.memory_space<hbm>> -> memref<1x1x1x40x128xi32, #tpu.memory_space<hbm>>
      %dma_start3A_252 = tpu.memref_squeeze %dma_start3A_251 : memref<1x1x1x40x128xi32, #tpu.memory_space<hbm>> -> memref<40x128xi32, #tpu.memory_space<hbm>>
      %dma_start3A_253 = arith.constant 0 : i32
      %dma_start3A_254 = arith.constant 0 : i32
      %dma_start3A_255 = tpu.memref_slice %arg3[%run_scoped3A_216, %add3A, %run_scoped3A_217, %dma_start3A_253, %dma_start3A_254] : memref<2x32x2x40x128xi32, #tpu.memory_space<hbm>> -> memref<1x1x1x40x128xi32, #tpu.memory_space<hbm>>
      %dma_start3A_256 = tpu.memref_squeeze %dma_start3A_255 : memref<1x1x1x40x128xi32, #tpu.memory_space<hbm>> -> memref<40x128xi32, #tpu.memory_space<hbm>>
      tpu.enqueue_dma source(%dma_start3A_256 : memref<40x128xi32, #tpu.memory_space<hbm>>) target(%arg6 : memref<40x128xi32, #tpu.memory_space<vmem>>) target_semaphore(%run_scoped3A_248 : memref<!tpu.dma_semaphore, #tpu.memory_space<semaphore_mem>>)
      %dma_wait3A_257 = arith.constant 0 : i32
      %dma_wait3A_258 = arith.constant 0 : i32
      %dma_wait3A_259 = tpu.memref_slice %arg3[%run_scoped3A_216, %add3A, %run_scoped3A_217, %dma_wait3A_257, %dma_wait3A_258] : memref<2x32x2x40x128xi32, #tpu.memory_space<hbm>> -> memref<1x1x1x40x128xi32, #tpu.memory_space<hbm>>
      %dma_wait3A_260 = tpu.memref_squeeze %dma_wait3A_259 : memref<1x1x1x40x128xi32, #tpu.memory_space<hbm>> -> memref<40x128xi32, #tpu.memory_space<hbm>>
      %dma_wait3A_261 = arith.constant 0 : i32
      %dma_wait3A_262 = arith.constant 0 : i32
      %dma_wait3A_263 = tpu.memref_slice %arg3[%run_scoped3A_216, %add3A, %run_scoped3A_217, %dma_wait3A_261, %dma_wait3A_262] : memref<2x32x2x40x128xi32, #tpu.memory_space<hbm>> -> memref<1x1x1x40x128xi32, #tpu.memory_space<hbm>>
      %dma_wait3A_264 = tpu.memref_squeeze %dma_wait3A_263 : memref<1x1x1x40x128xi32, #tpu.memory_space<hbm>> -> memref<40x128xi32, #tpu.memory_space<hbm>>
      tpu.wait_dma2 semaphore(%run_scoped3A_248 : memref<!tpu.dma_semaphore, #tpu.memory_space<semaphore_mem>>) src(%dma_wait3A_264 : memref<40x128xi32, #tpu.memory_space<hbm>>) dst(%arg6 : memref<40x128xi32, #tpu.memory_space<vmem>>)
      tpu.yield
    }) : () -> ()
    %dma_start3A_218 = arith.constant 0 : i32
    %dma_start3A_219 = arith.constant 0 : i32
    %dma_start3A_220 = arith.constant 0 : i32
    %dma_start3A_221 = arith.constant 0 : i32
    %dma_start3A_222 = tpu.memref_slice %arg7[%dma_start3A_219, %dma_start3A_220, %dma_start3A_221] : memref<2x128x128xf32, #tpu.memory_space<vmem>> -> memref<1x128x128xf32, #tpu.memory_space<vmem>>
    %dma_start3A_223 = tpu.memref_squeeze %dma_start3A_222 : memref<1x128x128xf32, #tpu.memory_space<vmem>> -> memref<128x128xf32, #tpu.memory_space<vmem>>
    %dma_start3A_224 = arith.constant 0 : i32
    %dma_start3A_225 = tpu.memref_slice %arg5[%dma_start3A_218, %dma_start3A_224] : memref<40x128xi32, #tpu.memory_space<vmem>> -> memref<1x128xi32, #tpu.memory_space<vmem>>
    %dma_start3A_226 = tpu.memref_squeeze %dma_start3A_225 : memref<1x128xi32, #tpu.memory_space<vmem>> -> memref<128xi32, #tpu.memory_space<vmem>>
    %dma_start3A_227 = arith.constant 0 : i32
    %dma_start3A_228 = arith.constant 0 : i32
    %dma_start3A_229 = tpu.memref_slice %arg2[%dma_start3A_227, %dma_start3A_228] : memref<10000x128xf32, #tpu.memory_space<hbm>> -> memref<10000x128xf32, #tpu.memory_space<hbm>>
    tpu.enqueue_indirect_dma source(%dma_start3A_229 : memref<10000x128xf32, #tpu.memory_space<hbm>>) target(%dma_start3A_223 : memref<128x128xf32, #tpu.memory_space<vmem>>) offsets(%dma_start3A_226 : memref<128xi32, #tpu.memory_space<vmem>>) semaphore(%arg9 : memref<!tpu.dma_semaphore, #tpu.memory_space<semaphore_mem>>)
    %dma_start3A_230 = arith.constant 1 : i32
    %dma_start3A_231 = arith.constant 1 : i32
    %dma_start3A_232 = arith.constant 0 : i32
    %dma_start3A_233 = arith.constant 0 : i32
    %dma_start3A_234 = tpu.memref_slice %arg7[%dma_start3A_231, %dma_start3A_232, %dma_start3A_233] : memref<2x128x128xf32, #tpu.memory_space<vmem>> -> memref<1x128x128xf32, #tpu.memory_space<vmem>>
    %dma_start3A_235 = tpu.memref_squeeze %dma_start3A_234 : memref<1x128x128xf32, #tpu.memory_space<vmem>> -> memref<128x128xf32, #tpu.memory_space<vmem>>
    %dma_start3A_236 = arith.constant 0 : i32
    %dma_start3A_237 = tpu.memref_slice %arg5[%dma_start3A_230, %dma_start3A_236] : memref<40x128xi32, #tpu.memory_space<vmem>> -> memref<1x128xi32, #tpu.memory_space<vmem>>
    %dma_start3A_238 = tpu.memref_squeeze %dma_start3A_237 : memref<1x128xi32, #tpu.memory_space<vmem>> -> memref<128xi32, #tpu.memory_space<vmem>>
    %dma_start3A_239 = arith.constant 0 : i32
    %dma_start3A_240 = arith.constant 0 : i32
    %dma_start3A_241 = tpu.memref_slice %arg2[%dma_start3A_239, %dma_start3A_240] : memref<10000x128xf32, #tpu.memory_space<hbm>> -> memref<10000x128xf32, #tpu.memory_space<hbm>>
    tpu.enqueue_indirect_dma source(%dma_start3A_241 : memref<10000x128xf32, #tpu.memory_space<hbm>>) target(%dma_start3A_235 : memref<128x128xf32, #tpu.memory_space<vmem>>) offsets(%dma_start3A_238 : memref<128xi32, #tpu.memory_space<vmem>>) semaphore(%arg10 : memref<!tpu.dma_semaphore, #tpu.memory_space<semaphore_mem>>)
    %scan3A_242 = arith.constant 0 : i32
    %scan3A_243 = arith.constant 20 : i32
    %scan3A_244 = arith.addi %scan3A_242, %scan3A_243 : i32
    %scan3A_245 = arith.constant 1 : i32
    scf.for %scan3A_248 = %scan3A_242 to %scan3A_244 step %scan3A_245  : i32 {
      %mul3A_249 = arith.constant 1 : i32
      %mul3A_250 = arith.muli %scan3A_248, %mul3A_249 : i32
      %add3A_251 = arith.constant 0 : i32
      %add3A_252 = arith.addi %add3A_251, %mul3A_250 : i32
      %mul3A_253 = arith.constant 2 : i32
      %mul3A_254 = arith.muli %add3A_252, %mul3A_253 : i32
      %add3A_255 = arith.constant 0 : i32
      %add3A_256 = arith.addi %mul3A_254, %add3A_255 : i32
      %dma_wait3A_257 = arith.constant 0 : i32
      %dma_wait3A_258 = arith.constant 0 : i32
      %dma_wait3A_259 = arith.constant 0 : i32
      %dma_wait3A_260 = arith.constant 0 : i32
      %dma_wait3A_261 = tpu.memref_slice %arg7[%dma_wait3A_258, %dma_wait3A_259, %dma_wait3A_260] : memref<2x128x128xf32, #tpu.memory_space<vmem>> -> memref<1x128x128xf32, #tpu.memory_space<vmem>>
      %dma_wait3A_262 = tpu.memref_squeeze %dma_wait3A_261 : memref<1x128x128xf32, #tpu.memory_space<vmem>> -> memref<128x128xf32, #tpu.memory_space<vmem>>
      %dma_wait3A_263 = arith.constant 0 : i32
      %dma_wait3A_264 = tpu.memref_slice %arg5[%dma_wait3A_257, %dma_wait3A_263] : memref<40x128xi32, #tpu.memory_space<vmem>> -> memref<1x128xi32, #tpu.memory_space<vmem>>
      %dma_wait3A_265 = tpu.memref_squeeze %dma_wait3A_264 : memref<1x128xi32, #tpu.memory_space<vmem>> -> memref<128xi32, #tpu.memory_space<vmem>>
      %dma_wait3A_266 = arith.constant 0 : i32
      %dma_wait3A_267 = arith.constant 0 : i32
      %dma_wait3A_268 = tpu.memref_slice %arg2[%dma_wait3A_266, %dma_wait3A_267] : memref<10000x128xf32, #tpu.memory_space<hbm>> -> memref<10000x128xf32, #tpu.memory_space<hbm>>
      tpu.wait_indirect_dma semaphore(%arg9 : memref<!tpu.dma_semaphore, #tpu.memory_space<semaphore_mem>>) src(%dma_wait3A_268 : memref<10000x128xf32, #tpu.memory_space<hbm>>) dst(%dma_wait3A_262 : memref<128x128xf32, #tpu.memory_space<vmem>>)
      %run_scoped3A_269 = arith.constant 0 : i32
      "tpu.region"() ({
        %run_scoped3A_296 = tpu.sem_alloc : memref<!tpu.dma_semaphore, #tpu.memory_space<semaphore_mem>>
        %dma_start3A_297 = arith.constant 0 : i32
        %dma_start3A_298 = arith.constant 0 : i32
        %dma_start3A_299 = tpu.memref_slice %arg7[%run_scoped3A_269, %dma_start3A_297, %dma_start3A_298] : memref<2x128x128xf32, #tpu.memory_space<vmem>> -> memref<1x128x128xf32, #tpu.memory_space<vmem>>
        %dma_start3A_300 = tpu.memref_squeeze %dma_start3A_299 : memref<1x128x128xf32, #tpu.memory_space<vmem>> -> memref<128x128xf32, #tpu.memory_space<vmem>>
        %dma_start3A_301 = arith.constant 0 : i32
        %dma_start3A_302 = tpu.memref_slice %arg6[%add3A_256, %dma_start3A_301] : memref<40x128xi32, #tpu.memory_space<vmem>> -> memref<1x128xi32, #tpu.memory_space<vmem>>
        %dma_start3A_303 = tpu.memref_squeeze %dma_start3A_302 : memref<1x128xi32, #tpu.memory_space<vmem>> -> memref<128xi32, #tpu.memory_space<vmem>>
        %dma_start3A_304 = arith.constant 0 : i32
        %dma_start3A_305 = arith.constant 0 : i32
        %dma_start3A_306 = tpu.memref_slice %arg8[%dma_start3A_304, %dma_start3A_305] : memref<10112x128xf32, #tpu.memory_space<vmem_shared>> -> memref<10112x128xf32, #tpu.memory_space<vmem_shared>>
        tpu.enqueue_indirect_dma source(%dma_start3A_300 : memref<128x128xf32, #tpu.memory_space<vmem>>) target(%dma_start3A_306 : memref<10112x128xf32, #tpu.memory_space<vmem_shared>>) offsets(%dma_start3A_303 : memref<128xi32, #tpu.memory_space<vmem>>) semaphore(%run_scoped3A_296 : memref<!tpu.dma_semaphore, #tpu.memory_space<semaphore_mem>>) {add = true}
        %dma_wait3A_307 = arith.constant 0 : i32
        %dma_wait3A_308 = arith.constant 0 : i32
        %dma_wait3A_309 = tpu.memref_slice %arg7[%run_scoped3A_269, %dma_wait3A_307, %dma_wait3A_308] : memref<2x128x128xf32, #tpu.memory_space<vmem>> -> memref<1x128x128xf32, #tpu.memory_space<vmem>>
        %dma_wait3A_310 = tpu.memref_squeeze %dma_wait3A_309 : memref<1x128x128xf32, #tpu.memory_space<vmem>> -> memref<128x128xf32, #tpu.memory_space<vmem>>
        %dma_wait3A_311 = arith.constant 0 : i32
        %dma_wait3A_312 = tpu.memref_slice %arg6[%add3A_256, %dma_wait3A_311] : memref<40x128xi32, #tpu.memory_space<vmem>> -> memref<1x128xi32, #tpu.memory_space<vmem>>
        %dma_wait3A_313 = tpu.memref_squeeze %dma_wait3A_312 : memref<1x128xi32, #tpu.memory_space<vmem>> -> memref<128xi32, #tpu.memory_space<vmem>>
        %dma_wait3A_314 = arith.constant 0 : i32
        %dma_wait3A_315 = arith.constant 0 : i32
        %dma_wait3A_316 = tpu.memref_slice %arg8[%dma_wait3A_314, %dma_wait3A_315] : memref<10112x128xf32, #tpu.memory_space<vmem_shared>> -> memref<10112x128xf32, #tpu.memory_space<vmem_shared>>
        tpu.wait_indirect_dma semaphore(%run_scoped3A_296 : memref<!tpu.dma_semaphore, #tpu.memory_space<semaphore_mem>>) src(%dma_wait3A_310 : memref<128x128xf32, #tpu.memory_space<vmem>>) dst(%dma_wait3A_316 : memref<10112x128xf32, #tpu.memory_space<vmem_shared>>)
        tpu.yield
      }) : () -> ()
      %add3A_270 = arith.constant 2 : i32
      %add3A_271 = arith.addi %add3A_256, %add3A_270 : i32
      %lt3A = arith.constant 40 : i32
      %lt3A_272 = arith.cmpi slt, %add3A_271, %lt3A : i32
      %convert_element_type3A = arith.extui %lt3A_272 : i1 to i32
      %cond3A = arith.constant 0 : i32
      %cond3A_273 = arith.cmpi ne, %convert_element_type3A, %cond3A : i32
      scf.if %cond3A_273 {
        %add3A_296 = arith.constant 2 : i32
        %add3A_297 = arith.addi %add3A_256, %add3A_296 : i32
        %dma_start3A_298 = arith.constant 0 : i32
        %dma_start3A_299 = arith.constant 0 : i32
        %dma_start3A_300 = arith.constant 0 : i32
        %dma_start3A_301 = tpu.memref_slice %arg7[%dma_start3A_298, %dma_start3A_299, %dma_start3A_300] : memref<2x128x128xf32, #tpu.memory_space<vmem>> -> memref<1x128x128xf32, #tpu.memory_space<vmem>>
        %dma_start3A_302 = tpu.memref_squeeze %dma_start3A_301 : memref<1x128x128xf32, #tpu.memory_space<vmem>> -> memref<128x128xf32, #tpu.memory_space<vmem>>
        %dma_start3A_303 = arith.constant 0 : i32
        %dma_start3A_304 = tpu.memref_slice %arg5[%add3A_297, %dma_start3A_303] : memref<40x128xi32, #tpu.memory_space<vmem>> -> memref<1x128xi32, #tpu.memory_space<vmem>>
        %dma_start3A_305 = tpu.memref_squeeze %dma_start3A_304 : memref<1x128xi32, #tpu.memory_space<vmem>> -> memref<128xi32, #tpu.memory_space<vmem>>
        %dma_start3A_306 = arith.constant 0 : i32
        %dma_start3A_307 = arith.constant 0 : i32
        %dma_start3A_308 = tpu.memref_slice %arg2[%dma_start3A_306, %dma_start3A_307] : memref<10000x128xf32, #tpu.memory_space<hbm>> -> memref<10000x128xf32, #tpu.memory_space<hbm>>
        tpu.enqueue_indirect_dma source(%dma_start3A_308 : memref<10000x128xf32, #tpu.memory_space<hbm>>) target(%dma_start3A_302 : memref<128x128xf32, #tpu.memory_space<vmem>>) offsets(%dma_start3A_305 : memref<128xi32, #tpu.memory_space<vmem>>) semaphore(%arg9 : memref<!tpu.dma_semaphore, #tpu.memory_space<semaphore_mem>>)
      } else {
      }
      %add3A_274 = arith.constant 1 : i32
      %add3A_275 = arith.addi %mul3A_254, %add3A_274 : i32
      %dma_wait3A_276 = arith.constant 0 : i32
      %dma_wait3A_277 = arith.constant 1 : i32
      %dma_wait3A_278 = arith.constant 0 : i32
      %dma_wait3A_279 = arith.constant 0 : i32
      %dma_wait3A_280 = tpu.memref_slice %arg7[%dma_wait3A_277, %dma_wait3A_278, %dma_wait3A_279] : memref<2x128x128xf32, #tpu.memory_space<vmem>> -> memref<1x128x128xf32, #tpu.memory_space<vmem>>
      %dma_wait3A_281 = tpu.memref_squeeze %dma_wait3A_280 : memref<1x128x128xf32, #tpu.memory_space<vmem>> -> memref<128x128xf32, #tpu.memory_space<vmem>>
      %dma_wait3A_282 = arith.constant 0 : i32
      %dma_wait3A_283 = tpu.memref_slice %arg5[%dma_wait3A_276, %dma_wait3A_282] : memref<40x128xi32, #tpu.memory_space<vmem>> -> memref<1x128xi32, #tpu.memory_space<vmem>>
      %dma_wait3A_284 = tpu.memref_squeeze %dma_wait3A_283 : memref<1x128xi32, #tpu.memory_space<vmem>> -> memref<128xi32, #tpu.memory_space<vmem>>
      %dma_wait3A_285 = arith.constant 0 : i32
      %dma_wait3A_286 = arith.constant 0 : i32
      %dma_wait3A_287 = tpu.memref_slice %arg2[%dma_wait3A_285, %dma_wait3A_286] : memref<10000x128xf32, #tpu.memory_space<hbm>> -> memref<10000x128xf32, #tpu.memory_space<hbm>>
      tpu.wait_indirect_dma semaphore(%arg10 : memref<!tpu.dma_semaphore, #tpu.memory_space<semaphore_mem>>) src(%dma_wait3A_287 : memref<10000x128xf32, #tpu.memory_space<hbm>>) dst(%dma_wait3A_281 : memref<128x128xf32, #tpu.memory_space<vmem>>)
      %run_scoped3A_288 = arith.constant 1 : i32
      "tpu.region"() ({
        %run_scoped3A_296 = tpu.sem_alloc : memref<!tpu.dma_semaphore, #tpu.memory_space<semaphore_mem>>
        %dma_start3A_297 = arith.constant 0 : i32
        %dma_start3A_298 = arith.constant 0 : i32
        %dma_start3A_299 = tpu.memref_slice %arg7[%run_scoped3A_288, %dma_start3A_297, %dma_start3A_298] : memref<2x128x128xf32, #tpu.memory_space<vmem>> -> memref<1x128x128xf32, #tpu.memory_space<vmem>>
        %dma_start3A_300 = tpu.memref_squeeze %dma_start3A_299 : memref<1x128x128xf32, #tpu.memory_space<vmem>> -> memref<128x128xf32, #tpu.memory_space<vmem>>
        %dma_start3A_301 = arith.constant 0 : i32
        %dma_start3A_302 = tpu.memref_slice %arg6[%add3A_275, %dma_start3A_301] : memref<40x128xi32, #tpu.memory_space<vmem>> -> memref<1x128xi32, #tpu.memory_space<vmem>>
        %dma_start3A_303 = tpu.memref_squeeze %dma_start3A_302 : memref<1x128xi32, #tpu.memory_space<vmem>> -> memref<128xi32, #tpu.memory_space<vmem>>
        %dma_start3A_304 = arith.constant 0 : i32
        %dma_start3A_305 = arith.constant 0 : i32
        %dma_start3A_306 = tpu.memref_slice %arg8[%dma_start3A_304, %dma_start3A_305] : memref<10112x128xf32, #tpu.memory_space<vmem_shared>> -> memref<10112x128xf32, #tpu.memory_space<vmem_shared>>
        tpu.enqueue_indirect_dma source(%dma_start3A_300 : memref<128x128xf32, #tpu.memory_space<vmem>>) target(%dma_start3A_306 : memref<10112x128xf32, #tpu.memory_space<vmem_shared>>) offsets(%dma_start3A_303 : memref<128xi32, #tpu.memory_space<vmem>>) semaphore(%run_scoped3A_296 : memref<!tpu.dma_semaphore, #tpu.memory_space<semaphore_mem>>) {add = true}
        %dma_wait3A_307 = arith.constant 0 : i32
        %dma_wait3A_308 = arith.constant 0 : i32
        %dma_wait3A_309 = tpu.memref_slice %arg7[%run_scoped3A_288, %dma_wait3A_307, %dma_wait3A_308] : memref<2x128x128xf32, #tpu.memory_space<vmem>> -> memref<1x128x128xf32, #tpu.memory_space<vmem>>
        %dma_wait3A_310 = tpu.memref_squeeze %dma_wait3A_309 : memref<1x128x128xf32, #tpu.memory_space<vmem>> -> memref<128x128xf32, #tpu.memory_space<vmem>>
        %dma_wait3A_311 = arith.constant 0 : i32
        %dma_wait3A_312 = tpu.memref_slice %arg6[%add3A_275, %dma_wait3A_311] : memref<40x128xi32, #tpu.memory_space<vmem>> -> memref<1x128xi32, #tpu.memory_space<vmem>>
        %dma_wait3A_313 = tpu.memref_squeeze %dma_wait3A_312 : memref<1x128xi32, #tpu.memory_space<vmem>> -> memref<128xi32, #tpu.memory_space<vmem>>
        %dma_wait3A_314 = arith.constant 0 : i32
        %dma_wait3A_315 = arith.constant 0 : i32
        %dma_wait3A_316 = tpu.memref_slice %arg8[%dma_wait3A_314, %dma_wait3A_315] : memref<10112x128xf32, #tpu.memory_space<vmem_shared>> -> memref<10112x128xf32, #tpu.memory_space<vmem_shared>>
        tpu.wait_indirect_dma semaphore(%run_scoped3A_296 : memref<!tpu.dma_semaphore, #tpu.memory_space<semaphore_mem>>) src(%dma_wait3A_310 : memref<128x128xf32, #tpu.memory_space<vmem>>) dst(%dma_wait3A_316 : memref<10112x128xf32, #tpu.memory_space<vmem_shared>>)
        tpu.yield
      }) : () -> ()
      %add3A_289 = arith.constant 2 : i32
      %add3A_290 = arith.addi %add3A_275, %add3A_289 : i32
      %lt3A_291 = arith.constant 40 : i32
      %lt3A_292 = arith.cmpi slt, %add3A_290, %lt3A_291 : i32
      %convert_element_type3A_293 = arith.extui %lt3A_292 : i1 to i32
      %cond3A_294 = arith.constant 0 : i32
      %cond3A_295 = arith.cmpi ne, %convert_element_type3A_293, %cond3A_294 : i32
      scf.if %cond3A_295 {
        %add3A_296 = arith.constant 2 : i32
        %add3A_297 = arith.addi %add3A_275, %add3A_296 : i32
        %dma_start3A_298 = arith.constant 1 : i32
        %dma_start3A_299 = arith.constant 0 : i32
        %dma_start3A_300 = arith.constant 0 : i32
        %dma_start3A_301 = tpu.memref_slice %arg7[%dma_start3A_298, %dma_start3A_299, %dma_start3A_300] : memref<2x128x128xf32, #tpu.memory_space<vmem>> -> memref<1x128x128xf32, #tpu.memory_space<vmem>>
        %dma_start3A_302 = tpu.memref_squeeze %dma_start3A_301 : memref<1x128x128xf32, #tpu.memory_space<vmem>> -> memref<128x128xf32, #tpu.memory_space<vmem>>
        %dma_start3A_303 = arith.constant 0 : i32
        %dma_start3A_304 = tpu.memref_slice %arg5[%add3A_297, %dma_start3A_303] : memref<40x128xi32, #tpu.memory_space<vmem>> -> memref<1x128xi32, #tpu.memory_space<vmem>>
        %dma_start3A_305 = tpu.memref_squeeze %dma_start3A_304 : memref<1x128xi32, #tpu.memory_space<vmem>> -> memref<128xi32, #tpu.memory_space<vmem>>
        %dma_start3A_306 = arith.constant 0 : i32
        %dma_start3A_307 = arith.constant 0 : i32
        %dma_start3A_308 = tpu.memref_slice %arg2[%dma_start3A_306, %dma_start3A_307] : memref<10000x128xf32, #tpu.memory_space<hbm>> -> memref<10000x128xf32, #tpu.memory_space<hbm>>
        tpu.enqueue_indirect_dma source(%dma_start3A_308 : memref<10000x128xf32, #tpu.memory_space<hbm>>) target(%dma_start3A_302 : memref<128x128xf32, #tpu.memory_space<vmem>>) offsets(%dma_start3A_305 : memref<128xi32, #tpu.memory_space<vmem>>) semaphore(%arg10 : memref<!tpu.dma_semaphore, #tpu.memory_space<semaphore_mem>>)
      } else {
      }
    }
    %scan3A_246 = arith.constant 20 : i32
    %barrier3A_247 = arith.constant 0 : index
    tpu.barrier barrier_id(%barrier3A_247)
    "tpu.region"() ({
      %run_scoped3A_248 = tpu.sem_alloc : memref<!tpu.dma_semaphore, #tpu.memory_space<semaphore_mem>>
      %dma_start3A_249 = arith.constant 0 : i32
      %dma_start3A_250 = tpu.memref_slice %arg4[%arg0, %mul3A_45, %dma_start3A_249] : memref<2x10112x128xf32, #tpu.memory_space<hbm>> -> memref<1x632x128xf32, #tpu.memory_space<hbm>>
      %dma_start3A_251 = tpu.memref_squeeze %dma_start3A_250 : memref<1x632x128xf32, #tpu.memory_space<hbm>> -> memref<632x128xf32, #tpu.memory_space<hbm>>
      %dma_start3A_252 = arith.constant 0 : i32
      %dma_start3A_253 = tpu.memref_slice %arg8[%mul3A_45, %dma_start3A_252] : memref<10112x128xf32, #tpu.memory_space<vmem_shared>> -> memref<632x128xf32, #tpu.memory_space<vmem_shared>>
      tpu.enqueue_dma source(%dma_start3A_253 : memref<632x128xf32, #tpu.memory_space<vmem_shared>>) target(%dma_start3A_251 : memref<632x128xf32, #tpu.memory_space<hbm>>) target_semaphore(%run_scoped3A_248 : memref<!tpu.dma_semaphore, #tpu.memory_space<semaphore_mem>>)
      %dma_wait3A_254 = arith.constant 0 : i32
      %dma_wait3A_255 = tpu.memref_slice %arg4[%arg0, %mul3A_45, %dma_wait3A_254] : memref<2x10112x128xf32, #tpu.memory_space<hbm>> -> memref<1x632x128xf32, #tpu.memory_space<hbm>>
      %dma_wait3A_256 = tpu.memref_squeeze %dma_wait3A_255 : memref<1x632x128xf32, #tpu.memory_space<hbm>> -> memref<632x128xf32, #tpu.memory_space<hbm>>
      %dma_wait3A_257 = arith.constant 0 : i32
      %dma_wait3A_258 = tpu.memref_slice %arg8[%mul3A_45, %dma_wait3A_257] : memref<10112x128xf32, #tpu.memory_space<vmem_shared>> -> memref<632x128xf32, #tpu.memory_space<vmem_shared>>
      tpu.wait_dma2 semaphore(%run_scoped3A_248 : memref<!tpu.dma_semaphore, #tpu.memory_space<semaphore_mem>>) src(%dma_wait3A_258 : memref<632x128xf32, #tpu.memory_space<vmem_shared>>) dst(%dma_wait3A_256 : memref<632x128xf32, #tpu.memory_space<hbm>>)
      tpu.yield
    }) : () -> ()
    return
  }
}

#map = affine_map<(d0, d1) -> (0, 0)>
#map1 = affine_map<(d0, d1) -> (0, 0, 0, 0, 0)>
#map2 = affine_map<(d0, d1) -> (0, 0, 0)>
module attributes {stable_mosaic.version = 14 : i64} {
  func.func @agg_kernel(%arg0: i32, %arg1: i32, %arg2: memref<10000x128xf32, #tpu.memory_space<hbm>>, %arg3: memref<2x32x2x40x128xi32, #tpu.memory_space<hbm>>, %arg4: memref<2x10112x128xf32, #tpu.memory_space<hbm>>, %arg5: memref<40x128xi32, #tpu.memory_space<vmem>>, %arg6: memref<40x128xi32, #tpu.memory_space<vmem>>, %arg7: memref<2x128x128xf32, #tpu.memory_space<vmem>>, %arg8: memref<10112x128xf32, #tpu.memory_space<vmem_shared>>, %arg9: memref<!tpu.dma_semaphore, #tpu.memory_space<semaphore_mem>>, %arg10: memref<!tpu.dma_semaphore, #tpu.memory_space<semaphore_mem>>) attributes {dimension_semantics = [#tpu.dimension_semantics<core_parallel>, #tpu.dimension_semantics<subcore_parallel>], iteration_bounds = array<i64: 2, 16>, scalar_prefetch = 0 : i64, scratch_operands = 6 : i64, tpu.core_type = #tpu.core_type<sc_vector_subcore>, window_params = [{transform_indices = #map}, {transform_indices = #map1}, {transform_indices = #map2}]} {
    %mul3A = arith.constant 16 : i32
    %mul3A_0 = arith.muli %arg0, %mul3A : i32
    %add3A = arith.addi %mul3A_0, %arg1 : i32
    %dma_start3A = arith.constant 0 : i32
    %dma_start3A_1 = arith.constant 0 : i32
    %dma_start3A_2 = arith.constant 0 : i32
    %dma_start3A_3 = arith.constant 0 : i32
    %dma_start3A_4 = tpu.memref_slice %arg3[%dma_start3A, %add3A, %dma_start3A_1, %dma_start3A_2, %dma_start3A_3] : memref<2x32x2x40x128xi32, #tpu.memory_space<hbm>> -> memref<1x1x1x40x128xi32, #tpu.memory_space<hbm>>
    %dma_start3A_5 = tpu.memref_squeeze %dma_start3A_4 : memref<1x1x1x40x128xi32, #tpu.memory_space<hbm>> -> memref<40x128xi32, #tpu.memory_space<hbm>>
    %dma_start3A_6 = arith.constant 0 : i32
    %dma_start3A_7 = arith.constant 0 : i32
    %dma_start3A_8 = tpu.memref_slice %arg3[%dma_start3A, %add3A, %dma_start3A_1, %dma_start3A_6, %dma_start3A_7] : memref<2x32x2x40x128xi32, #tpu.memory_space<hbm>> -> memref<1x1x1x40x128xi32, #tpu.memory_space<hbm>>
    %dma_start3A_9 = tpu.memref_squeeze %dma_start3A_8 : memref<1x1x1x40x128xi32, #tpu.memory_space<hbm>> -> memref<40x128xi32, #tpu.memory_space<hbm>>
    tpu.enqueue_dma source(%dma_start3A_9 : memref<40x128xi32, #tpu.memory_space<hbm>>) target(%arg5 : memref<40x128xi32, #tpu.memory_space<vmem>>) target_semaphore(%arg9 : memref<!tpu.dma_semaphore, #tpu.memory_space<semaphore_mem>>)
    %dma_start3A_10 = arith.constant 1 : i32
    %dma_start3A_11 = arith.constant 0 : i32
    %dma_start3A_12 = arith.constant 0 : i32
    %dma_start3A_13 = arith.constant 0 : i32
    %dma_start3A_14 = tpu.memref_slice %arg3[%dma_start3A_10, %add3A, %dma_start3A_11, %dma_start3A_12, %dma_start3A_13] : memref<2x32x2x40x128xi32, #tpu.memory_space<hbm>> -> memref<1x1x1x40x128xi32, #tpu.memory_space<hbm>>
    %dma_start3A_15 = tpu.memref_squeeze %dma_start3A_14 : memref<1x1x1x40x128xi32, #tpu.memory_space<hbm>> -> memref<40x128xi32, #tpu.memory_space<hbm>>
    %dma_start3A_16 = arith.constant 0 : i32
    %dma_start3A_17 = arith.constant 0 : i32
    %dma_start3A_18 = tpu.memref_slice %arg3[%dma_start3A_10, %add3A, %dma_start3A_11, %dma_start3A_16, %dma_start3A_17] : memref<2x32x2x40x128xi32, #tpu.memory_space<hbm>> -> memref<1x1x1x40x128xi32, #tpu.memory_space<hbm>>
    %dma_start3A_19 = tpu.memref_squeeze %dma_start3A_18 : memref<1x1x1x40x128xi32, #tpu.memory_space<hbm>> -> memref<40x128xi32, #tpu.memory_space<hbm>>
    tpu.enqueue_dma source(%dma_start3A_19 : memref<40x128xi32, #tpu.memory_space<hbm>>) target(%arg6 : memref<40x128xi32, #tpu.memory_space<vmem>>) target_semaphore(%arg10 : memref<!tpu.dma_semaphore, #tpu.memory_space<semaphore_mem>>)
    %broadcast_in_dim3A = arith.constant 0.000000e+00 : f32
    %broadcast_in_dim3A_20 = vector.broadcast %broadcast_in_dim3A : f32 to vector<16xf32>
    %scan3A = arith.constant 0 : i32
    %scan3A_21 = arith.constant 128 : i32
    %scan3A_22 = arith.addi %scan3A, %scan3A_21 : i32
    %scan3A_23 = arith.constant 1 : i32
    scf.for %scan3A_248 = %scan3A to %scan3A_22 step %scan3A_23  : i32 {
      %mul3A_249 = arith.constant 1 : i32
      %mul3A_250 = arith.muli %scan3A_248, %mul3A_249 : i32
      %add3A_251 = arith.constant 0 : i32
      %add3A_252 = arith.addi %add3A_251, %mul3A_250 : i32
      %swap3A = arith.constant 0 : i32
      %swap3A_253 = arith.index_cast %swap3A : i32 to index
      %swap3A_254 = arith.index_cast %add3A_252 : i32 to index
      %swap3A_255 = arith.constant 0 : index
      %swap3A_256 = tpu.vector_load %arg7[%swap3A_253, %swap3A_254, %swap3A_255] {strides = array<i32>} : memref<2x128x128xf32, #tpu.memory_space<vmem>>, vector<1x1x16xf32>,
      %swap3A_257 = vector.shape_cast %swap3A_256 : vector<1x1x16xf32> to vector<16xf32>
      %swap3A_258 = vector.shape_cast %broadcast_in_dim3A_20 : vector<16xf32> to vector<1x1x16xf32>
      tpu.vector_store %arg7[%swap3A_253, %swap3A_254, %swap3A_255], %swap3A_258 {strides = array<i32>} : memref<2x128x128xf32, #tpu.memory_space<vmem>>, vector<1x1x16xf32>,
      %swap3A_259 = arith.constant 0 : i32
      %swap3A_260 = arith.index_cast %swap3A_259 : i32 to index
      %swap3A_261 = arith.index_cast %add3A_252 : i32 to index
      %swap3A_262 = arith.constant 16 : index
      %swap3A_263 = tpu.vector_load %arg7[%swap3A_260, %swap3A_261, %swap3A_262] {strides = array<i32>} : memref<2x128x128xf32, #tpu.memory_space<vmem>>, vector<1x1x16xf32>,
      %swap3A_264 = vector.shape_cast %swap3A_263 : vector<1x1x16xf32> to vector<16xf32>
      %swap3A_265 = vector.shape_cast %broadcast_in_dim3A_20 : vector<16xf32> to vector<1x1x16xf32>
      tpu.vector_store %arg7[%swap3A_260, %swap3A_261, %swap3A_262], %swap3A_265 {strides = array<i32>} : memref<2x128x128xf32, #tpu.memory_space<vmem>>, vector<1x1x16xf32>,
      %swap3A_266 = arith.constant 0 : i32
      %swap3A_267 = arith.index_cast %swap3A_266 : i32 to index
      %swap3A_268 = arith.index_cast %add3A_252 : i32 to index
      %swap3A_269 = arith.constant 32 : index
      %swap3A_270 = tpu.vector_load %arg7[%swap3A_267, %swap3A_268, %swap3A_269] {strides = array<i32>} : memref<2x128x128xf32, #tpu.memory_space<vmem>>, vector<1x1x16xf32>,
      %swap3A_271 = vector.shape_cast %swap3A_270 : vector<1x1x16xf32> to vector<16xf32>
      %swap3A_272 = vector.shape_cast %broadcast_in_dim3A_20 : vector<16xf32> to vector<1x1x16xf32>
      tpu.vector_store %arg7[%swap3A_267, %swap3A_268, %swap3A_269], %swap3A_272 {strides = array<i32>} : memref<2x128x128xf32, #tpu.memory_space<vmem>>, vector<1x1x16xf32>,
      %swap3A_273 = arith.constant 0 : i32
      %swap3A_274 = arith.index_cast %swap3A_273 : i32 to index
      %swap3A_275 = arith.index_cast %add3A_252 : i32 to index
      %swap3A_276 = arith.constant 48 : index
      %swap3A_277 = tpu.vector_load %arg7[%swap3A_274, %swap3A_275, %swap3A_276] {strides = array<i32>} : memref<2x128x128xf32, #tpu.memory_space<vmem>>, vector<1x1x16xf32>,
      %swap3A_278 = vector.shape_cast %swap3A_277 : vector<1x1x16xf32> to vector<16xf32>
      %swap3A_279 = vector.shape_cast %broadcast_in_dim3A_20 : vector<16xf32> to vector<1x1x16xf32>
      tpu.vector_store %arg7[%swap3A_274, %swap3A_275, %swap3A_276], %swap3A_279 {strides = array<i32>} : memref<2x128x128xf32, #tpu.memory_space<vmem>>, vector<1x1x16xf32>,
      %swap3A_280 = arith.constant 0 : i32
      %swap3A_281 = arith.index_cast %swap3A_280 : i32 to index
      %swap3A_282 = arith.index_cast %add3A_252 : i32 to index
      %swap3A_283 = arith.constant 64 : index
      %swap3A_284 = tpu.vector_load %arg7[%swap3A_281, %swap3A_282, %swap3A_283] {strides = array<i32>} : memref<2x128x128xf32, #tpu.memory_space<vmem>>, vector<1x1x16xf32>,
      %swap3A_285 = vector.shape_cast %swap3A_284 : vector<1x1x16xf32> to vector<16xf32>
      %swap3A_286 = vector.shape_cast %broadcast_in_dim3A_20 : vector<16xf32> to vector<1x1x16xf32>
      tpu.vector_store %arg7[%swap3A_281, %swap3A_282, %swap3A_283], %swap3A_286 {strides = array<i32>} : memref<2x128x128xf32, #tpu.memory_space<vmem>>, vector<1x1x16xf32>,
      %swap3A_287 = arith.constant 0 : i32
      %swap3A_288 = arith.index_cast %swap3A_287 : i32 to index
      %swap3A_289 = arith.index_cast %add3A_252 : i32 to index
      %swap3A_290 = arith.constant 80 : index
      %swap3A_291 = tpu.vector_load %arg7[%swap3A_288, %swap3A_289, %swap3A_290] {strides = array<i32>} : memref<2x128x128xf32, #tpu.memory_space<vmem>>, vector<1x1x16xf32>,
      %swap3A_292 = vector.shape_cast %swap3A_291 : vector<1x1x16xf32> to vector<16xf32>
      %swap3A_293 = vector.shape_cast %broadcast_in_dim3A_20 : vector<16xf32> to vector<1x1x16xf32>
      tpu.vector_store %arg7[%swap3A_288, %swap3A_289, %swap3A_290], %swap3A_293 {strides = array<i32>} : memref<2x128x128xf32, #tpu.memory_space<vmem>>, vector<1x1x16xf32>,
      %swap3A_294 = arith.constant 0 : i32
      %swap3A_295 = arith.index_cast %swap3A_294 : i32 to index
      %swap3A_296 = arith.index_cast %add3A_252 : i32 to index
      %swap3A_297 = arith.constant 96 : index
      %swap3A_298 = tpu.vector_load %arg7[%swap3A_295, %swap3A_296, %swap3A_297] {strides = array<i32>} : memref<2x128x128xf32, #tpu.memory_space<vmem>>, vector<1x1x16xf32>,
      %swap3A_299 = vector.shape_cast %swap3A_298 : vector<1x1x16xf32> to vector<16xf32>
      %swap3A_300 = vector.shape_cast %broadcast_in_dim3A_20 : vector<16xf32> to vector<1x1x16xf32>
      tpu.vector_store %arg7[%swap3A_295, %swap3A_296, %swap3A_297], %swap3A_300 {strides = array<i32>} : memref<2x128x128xf32, #tpu.memory_space<vmem>>, vector<1x1x16xf32>,
      %swap3A_301 = arith.constant 0 : i32
      %swap3A_302 = arith.index_cast %swap3A_301 : i32 to index
      %swap3A_303 = arith.index_cast %add3A_252 : i32 to index
      %swap3A_304 = arith.constant 112 : index
      %swap3A_305 = tpu.vector_load %arg7[%swap3A_302, %swap3A_303, %swap3A_304] {strides = array<i32>} : memref<2x128x128xf32, #tpu.memory_space<vmem>>, vector<1x1x16xf32>,
      %swap3A_306 = vector.shape_cast %swap3A_305 : vector<1x1x16xf32> to vector<16xf32>
      %swap3A_307 = vector.shape_cast %broadcast_in_dim3A_20 : vector<16xf32> to vector<1x1x16xf32>
      tpu.vector_store %arg7[%swap3A_302, %swap3A_303, %swap3A_304], %swap3A_307 {strides = array<i32>} : memref<2x128x128xf32, #tpu.memory_space<vmem>>, vector<1x1x16xf32>,
    }
    %scan3A_24 = arith.constant 128 : i32
    %dma_wait3A = arith.constant 0 : i32
    %dma_wait3A_25 = arith.constant 0 : i32
    %dma_wait3A_26 = arith.constant 0 : i32
    %dma_wait3A_27 = arith.constant 0 : i32
    %dma_wait3A_28 = tpu.memref_slice %arg3[%dma_wait3A, %add3A, %dma_wait3A_25, %dma_wait3A_26, %dma_wait3A_27] : memref<2x32x2x40x128xi32, #tpu.memory_space<hbm>> -> memref<1x1x1x40x128xi32, #tpu.memory_space<hbm>>
    %dma_wait3A_29 = tpu.memref_squeeze %dma_wait3A_28 : memref<1x1x1x40x128xi32, #tpu.memory_space<hbm>> -> memref<40x128xi32, #tpu.memory_space<hbm>>
    %dma_wait3A_30 = arith.constant 0 : i32
    %dma_wait3A_31 = arith.constant 0 : i32
    %dma_wait3A_32 = tpu.memref_slice %arg3[%dma_wait3A, %add3A, %dma_wait3A_25, %dma_wait3A_30, %dma_wait3A_31] : memref<2x32x2x40x128xi32, #tpu.memory_space<hbm>> -> memref<1x1x1x40x128xi32, #tpu.memory_space<hbm>>
    %dma_wait3A_33 = tpu.memref_squeeze %dma_wait3A_32 : memref<1x1x1x40x128xi32, #tpu.memory_space<hbm>> -> memref<40x128xi32, #tpu.memory_space<hbm>>
    tpu.wait_dma2 semaphore(%arg9 : memref<!tpu.dma_semaphore, #tpu.memory_space<semaphore_mem>>) src(%dma_wait3A_33 : memref<40x128xi32, #tpu.memory_space<hbm>>) dst(%arg5 : memref<40x128xi32, #tpu.memory_space<vmem>>)
    %dma_wait3A_34 = arith.constant 1 : i32
    %dma_wait3A_35 = arith.constant 0 : i32
    %dma_wait3A_36 = arith.constant 0 : i32
    %dma_wait3A_37 = arith.constant 0 : i32
    %dma_wait3A_38 = tpu.memref_slice %arg3[%dma_wait3A_34, %add3A, %dma_wait3A_35, %dma_wait3A_36, %dma_wait3A_37] : memref<2x32x2x40x128xi32, #tpu.memory_space<hbm>> -> memref<1x1x1x40x128xi32, #tpu.memory_space<hbm>>
    %dma_wait3A_39 = tpu.memref_squeeze %dma_wait3A_38 : memref<1x1x1x40x128xi32, #tpu.memory_space<hbm>> -> memref<40x128xi32, #tpu.memory_space<hbm>>
    %dma_wait3A_40 = arith.constant 0 : i32
    %dma_wait3A_41 = arith.constant 0 : i32
    %dma_wait3A_42 = tpu.memref_slice %arg3[%dma_wait3A_34, %add3A, %dma_wait3A_35, %dma_wait3A_40, %dma_wait3A_41] : memref<2x32x2x40x128xi32, #tpu.memory_space<hbm>> -> memref<1x1x1x40x128xi32, #tpu.memory_space<hbm>>
    %dma_wait3A_43 = tpu.memref_squeeze %dma_wait3A_42 : memref<1x1x1x40x128xi32, #tpu.memory_space<hbm>> -> memref<40x128xi32, #tpu.memory_space<hbm>>
    tpu.wait_dma2 semaphore(%arg10 : memref<!tpu.dma_semaphore, #tpu.memory_space<semaphore_mem>>) src(%dma_wait3A_43 : memref<40x128xi32, #tpu.memory_space<hbm>>) dst(%arg6 : memref<40x128xi32, #tpu.memory_space<vmem>>)
    %mul3A_44 = arith.constant 632 : i32
    %mul3A_45 = arith.muli %arg1, %mul3A_44 : i32
    %add3A_46 = arith.constant 0 : i32
    %add3A_47 = arith.addi %mul3A_45, %add3A_46 : i32
    %dma_start3A_48 = arith.constant 0 : i32
    %dma_start3A_49 = arith.constant 0 : i32
    %dma_start3A_50 = arith.constant 0 : i32
    %dma_start3A_51 = tpu.memref_slice %arg7[%dma_start3A_48, %dma_start3A_49, %dma_start3A_50] : memref<2x128x128xf32, #tpu.memory_space<vmem>> -> memref<1x128x128xf32, #tpu.memory_space<vmem>>
    %dma_start3A_52 = tpu.memref_squeeze %dma_start3A_51 : memref<1x128x128xf32, #tpu.memory_space<vmem>> -> memref<128x128xf32, #tpu.memory_space<vmem>>
    %dma_start3A_53 = arith.constant 0 : i32
    %dma_start3A_54 = tpu.memref_slice %arg8[%add3A_47, %dma_start3A_53] : memref<10112x128xf32, #tpu.memory_space<vmem_shared>> -> memref<128x128xf32, #tpu.memory_space<vmem_shared>>
    %dma_start3A_55 = arith.constant 0 : i32
    %dma_start3A_56 = tpu.memref_slice %arg8[%add3A_47, %dma_start3A_55] : memref<10112x128xf32, #tpu.memory_space<vmem_shared>> -> memref<128x128xf32, #tpu.memory_space<vmem_shared>>
    %dma_start3A_57 = arith.constant 0 : i32
    %dma_start3A_58 = arith.constant 0 : i32
    %dma_start3A_59 = tpu.memref_slice %arg7[%dma_start3A_48, %dma_start3A_57, %dma_start3A_58] : memref<2x128x128xf32, #tpu.memory_space<vmem>> -> memref<1x128x128xf32, #tpu.memory_space<vmem>>
    %dma_start3A_60 = tpu.memref_squeeze %dma_start3A_59 : memref<1x128x128xf32, #tpu.memory_space<vmem>> -> memref<128x128xf32, #tpu.memory_space<vmem>>
    tpu.enqueue_dma source(%dma_start3A_60 : memref<128x128xf32, #tpu.memory_space<vmem>>) target(%dma_start3A_56 : memref<128x128xf32, #tpu.memory_space<vmem_shared>>) target_semaphore(%arg9 : memref<!tpu.dma_semaphore, #tpu.memory_space<semaphore_mem>>)
    %add3A_61 = arith.constant 128 : i32
    %add3A_62 = arith.addi %mul3A_45, %add3A_61 : i32
    %dma_start3A_63 = arith.constant 0 : i32
    %dma_start3A_64 = arith.constant 0 : i32
    %dma_start3A_65 = arith.constant 0 : i32
    %dma_start3A_66 = tpu.memref_slice %arg7[%dma_start3A_63, %dma_start3A_64, %dma_start3A_65] : memref<2x128x128xf32, #tpu.memory_space<vmem>> -> memref<1x128x128xf32, #tpu.memory_space<vmem>>
    %dma_start3A_67 = tpu.memref_squeeze %dma_start3A_66 : memref<1x128x128xf32, #tpu.memory_space<vmem>> -> memref<128x128xf32, #tpu.memory_space<vmem>>
    %dma_start3A_68 = arith.constant 0 : i32
    %dma_start3A_69 = tpu.memref_slice %arg8[%add3A_62, %dma_start3A_68] : memref<10112x128xf32, #tpu.memory_space<vmem_shared>> -> memref<128x128xf32, #tpu.memory_space<vmem_shared>>
    %dma_start3A_70 = arith.constant 0 : i32
    %dma_start3A_71 = tpu.memref_slice %arg8[%add3A_62, %dma_start3A_70] : memref<10112x128xf32, #tpu.memory_space<vmem_shared>> -> memref<128x128xf32, #tpu.memory_space<vmem_shared>>
    %dma_start3A_72 = arith.constant 0 : i32
    %dma_start3A_73 = arith.constant 0 : i32
    %dma_start3A_74 = tpu.memref_slice %arg7[%dma_start3A_63, %dma_start3A_72, %dma_start3A_73] : memref<2x128x128xf32, #tpu.memory_space<vmem>> -> memref<1x128x128xf32, #tpu.memory_space<vmem>>
    %dma_start3A_75 = tpu.memref_squeeze %dma_start3A_74 : memref<1x128x128xf32, #tpu.memory_space<vmem>> -> memref<128x128xf32, #tpu.memory_space<vmem>>
    tpu.enqueue_dma source(%dma_start3A_75 : memref<128x128xf32, #tpu.memory_space<vmem>>) target(%dma_start3A_71 : memref<128x128xf32, #tpu.memory_space<vmem_shared>>) target_semaphore(%arg10 : memref<!tpu.dma_semaphore, #tpu.memory_space<semaphore_mem>>)
    %add3A_76 = arith.constant 256 : i32
    %add3A_77 = arith.addi %mul3A_45, %add3A_76 : i32
    %dma_start3A_78 = arith.constant 0 : i32
    %dma_start3A_79 = arith.constant 0 : i32
    %dma_start3A_80 = arith.constant 0 : i32
    %dma_start3A_81 = tpu.memref_slice %arg7[%dma_start3A_78, %dma_start3A_79, %dma_start3A_80] : memref<2x128x128xf32, #tpu.memory_space<vmem>> -> memref<1x128x128xf32, #tpu.memory_space<vmem>>
    %dma_start3A_82 = tpu.memref_squeeze %dma_start3A_81 : memref<1x128x128xf32, #tpu.memory_space<vmem>> -> memref<128x128xf32, #tpu.memory_space<vmem>>
    %dma_start3A_83 = arith.constant 0 : i32
    %dma_start3A_84 = tpu.memref_slice %arg8[%add3A_77, %dma_start3A_83] : memref<10112x128xf32, #tpu.memory_space<vmem_shared>> -> memref<128x128xf32, #tpu.memory_space<vmem_shared>>
    %dma_start3A_85 = arith.constant 0 : i32
    %dma_start3A_86 = tpu.memref_slice %arg8[%add3A_77, %dma_start3A_85] : memref<10112x128xf32, #tpu.memory_space<vmem_shared>> -> memref<128x128xf32, #tpu.memory_space<vmem_shared>>
    %dma_start3A_87 = arith.constant 0 : i32
    %dma_start3A_88 = arith.constant 0 : i32
    %dma_start3A_89 = tpu.memref_slice %arg7[%dma_start3A_78, %dma_start3A_87, %dma_start3A_88] : memref<2x128x128xf32, #tpu.memory_space<vmem>> -> memref<1x128x128xf32, #tpu.memory_space<vmem>>
    %dma_start3A_90 = tpu.memref_squeeze %dma_start3A_89 : memref<1x128x128xf32, #tpu.memory_space<vmem>> -> memref<128x128xf32, #tpu.memory_space<vmem>>
    tpu.enqueue_dma source(%dma_start3A_90 : memref<128x128xf32, #tpu.memory_space<vmem>>) target(%dma_start3A_86 : memref<128x128xf32, #tpu.memory_space<vmem_shared>>) target_semaphore(%arg9 : memref<!tpu.dma_semaphore, #tpu.memory_space<semaphore_mem>>)
    %add3A_91 = arith.constant 384 : i32
    %add3A_92 = arith.addi %mul3A_45, %add3A_91 : i32
    %dma_start3A_93 = arith.constant 0 : i32
    %dma_start3A_94 = arith.constant 0 : i32
    %dma_start3A_95 = arith.constant 0 : i32
    %dma_start3A_96 = tpu.memref_slice %arg7[%dma_start3A_93, %dma_start3A_94, %dma_start3A_95] : memref<2x128x128xf32, #tpu.memory_space<vmem>> -> memref<1x128x128xf32, #tpu.memory_space<vmem>>
    %dma_start3A_97 = tpu.memref_squeeze %dma_start3A_96 : memref<1x128x128xf32, #tpu.memory_space<vmem>> -> memref<128x128xf32, #tpu.memory_space<vmem>>
    %dma_start3A_98 = arith.constant 0 : i32
    %dma_start3A_99 = tpu.memref_slice %arg8[%add3A_92, %dma_start3A_98] : memref<10112x128xf32, #tpu.memory_space<vmem_shared>> -> memref<128x128xf32, #tpu.memory_space<vmem_shared>>
    %dma_start3A_100 = arith.constant 0 : i32
    %dma_start3A_101 = tpu.memref_slice %arg8[%add3A_92, %dma_start3A_100] : memref<10112x128xf32, #tpu.memory_space<vmem_shared>> -> memref<128x128xf32, #tpu.memory_space<vmem_shared>>
    %dma_start3A_102 = arith.constant 0 : i32
    %dma_start3A_103 = arith.constant 0 : i32
    %dma_start3A_104 = tpu.memref_slice %arg7[%dma_start3A_93, %dma_start3A_102, %dma_start3A_103] : memref<2x128x128xf32, #tpu.memory_space<vmem>> -> memref<1x128x128xf32, #tpu.memory_space<vmem>>
    %dma_start3A_105 = tpu.memref_squeeze %dma_start3A_104 : memref<1x128x128xf32, #tpu.memory_space<vmem>> -> memref<128x128xf32, #tpu.memory_space<vmem>>
    tpu.enqueue_dma source(%dma_start3A_105 : memref<128x128xf32, #tpu.memory_space<vmem>>) target(%dma_start3A_101 : memref<128x128xf32, #tpu.memory_space<vmem_shared>>) target_semaphore(%arg10 : memref<!tpu.dma_semaphore, #tpu.memory_space<semaphore_mem>>)
    %add3A_106 = arith.constant 512 : i32
    %add3A_107 = arith.addi %mul3A_45, %add3A_106 : i32
    %dma_start3A_108 = arith.constant 0 : i32
    %dma_start3A_109 = arith.constant 0 : i32
    %dma_start3A_110 = arith.constant 0 : i32
    %dma_start3A_111 = tpu.memref_slice %arg7[%dma_start3A_108, %dma_start3A_109, %dma_start3A_110] : memref<2x128x128xf32, #tpu.memory_space<vmem>> -> memref<1x120x128xf32, #tpu.memory_space<vmem>>
    %dma_start3A_112 = tpu.memref_squeeze %dma_start3A_111 : memref<1x120x128xf32, #tpu.memory_space<vmem>> -> memref<120x128xf32, #tpu.memory_space<vmem>>
    %dma_start3A_113 = arith.constant 0 : i32
    %dma_start3A_114 = tpu.memref_slice %arg8[%add3A_107, %dma_start3A_113] : memref<10112x128xf32, #tpu.memory_space<vmem_shared>> -> memref<120x128xf32, #tpu.memory_space<vmem_shared>>
    %dma_start3A_115 = arith.constant 0 : i32
    %dma_start3A_116 = tpu.memref_slice %arg8[%add3A_107, %dma_start3A_115] : memref<10112x128xf32, #tpu.memory_space<vmem_shared>> -> memref<120x128xf32, #tpu.memory_space<vmem_shared>>
    %dma_start3A_117 = arith.constant 0 : i32
    %dma_start3A_118 = arith.constant 0 : i32
    %dma_start3A_119 = tpu.memref_slice %arg7[%dma_start3A_108, %dma_start3A_117, %dma_start3A_118] : memref<2x128x128xf32, #tpu.memory_space<vmem>> -> memref<1x120x128xf32, #tpu.memory_space<vmem>>
    %dma_start3A_120 = tpu.memref_squeeze %dma_start3A_119 : memref<1x120x128xf32, #tpu.memory_space<vmem>> -> memref<120x128xf32, #tpu.memory_space<vmem>>
    tpu.enqueue_dma source(%dma_start3A_120 : memref<120x128xf32, #tpu.memory_space<vmem>>) target(%dma_start3A_116 : memref<120x128xf32, #tpu.memory_space<vmem_shared>>) target_semaphore(%arg9 : memref<!tpu.dma_semaphore, #tpu.memory_space<semaphore_mem>>)
    %dma_wait3A_121 = arith.constant 0 : i32
    %dma_wait3A_122 = arith.constant 0 : i32
    %dma_wait3A_123 = arith.constant 0 : i32
    %dma_wait3A_124 = tpu.memref_slice %arg7[%dma_wait3A_121, %dma_wait3A_122, %dma_wait3A_123] : memref<2x128x128xf32, #tpu.memory_space<vmem>> -> memref<1x128x128xf32, #tpu.memory_space<vmem>>
    %dma_wait3A_125 = tpu.memref_squeeze %dma_wait3A_124 : memref<1x128x128xf32, #tpu.memory_space<vmem>> -> memref<128x128xf32, #tpu.memory_space<vmem>>
    %dma_wait3A_126 = arith.constant 0 : i32
    %dma_wait3A_127 = tpu.memref_slice %arg8[%add3A_47, %dma_wait3A_126] : memref<10112x128xf32, #tpu.memory_space<vmem_shared>> -> memref<128x128xf32, #tpu.memory_space<vmem_shared>>
    %dma_wait3A_128 = arith.constant 0 : i32
    %dma_wait3A_129 = tpu.memref_slice %arg8[%add3A_47, %dma_wait3A_128] : memref<10112x128xf32, #tpu.memory_space<vmem_shared>> -> memref<128x128xf32, #tpu.memory_space<vmem_shared>>
    %dma_wait3A_130 = arith.constant 0 : i32
    %dma_wait3A_131 = arith.constant 0 : i32
    %dma_wait3A_132 = tpu.memref_slice %arg7[%dma_wait3A_121, %dma_wait3A_130, %dma_wait3A_131] : memref<2x128x128xf32, #tpu.memory_space<vmem>> -> memref<1x128x128xf32, #tpu.memory_space<vmem>>
    %dma_wait3A_133 = tpu.memref_squeeze %dma_wait3A_132 : memref<1x128x128xf32, #tpu.memory_space<vmem>> -> memref<128x128xf32, #tpu.memory_space<vmem>>
    tpu.wait_dma2 semaphore(%arg9 : memref<!tpu.dma_semaphore, #tpu.memory_space<semaphore_mem>>) src(%dma_wait3A_133 : memref<128x128xf32, #tpu.memory_space<vmem>>) dst(%dma_wait3A_129 : memref<128x128xf32, #tpu.memory_space<vmem_shared>>)
    %dma_wait3A_134 = arith.constant 0 : i32
    %dma_wait3A_135 = arith.constant 0 : i32
    %dma_wait3A_136 = arith.constant 0 : i32
    %dma_wait3A_137 = tpu.memref_slice %arg7[%dma_wait3A_134, %dma_wait3A_135, %dma_wait3A_136] : memref<2x128x128xf32, #tpu.memory_space<vmem>> -> memref<1x128x128xf32, #tpu.memory_space<vmem>>
    %dma_wait3A_138 = tpu.memref_squeeze %dma_wait3A_137 : memref<1x128x128xf32, #tpu.memory_space<vmem>> -> memref<128x128xf32, #tpu.memory_space<vmem>>
    %dma_wait3A_139 = arith.constant 0 : i32
    %dma_wait3A_140 = tpu.memref_slice %arg8[%add3A_62, %dma_wait3A_139] : memref<10112x128xf32, #tpu.memory_space<vmem_shared>> -> memref<128x128xf32, #tpu.memory_space<vmem_shared>>
    %dma_wait3A_141 = arith.constant 0 : i32
    %dma_wait3A_142 = tpu.memref_slice %arg8[%add3A_62, %dma_wait3A_141] : memref<10112x128xf32, #tpu.memory_space<vmem_shared>> -> memref<128x128xf32, #tpu.memory_space<vmem_shared>>
    %dma_wait3A_143 = arith.constant 0 : i32
    %dma_wait3A_144 = arith.constant 0 : i32
    %dma_wait3A_145 = tpu.memref_slice %arg7[%dma_wait3A_134, %dma_wait3A_143, %dma_wait3A_144] : memref<2x128x128xf32, #tpu.memory_space<vmem>> -> memref<1x128x128xf32, #tpu.memory_space<vmem>>
    %dma_wait3A_146 = tpu.memref_squeeze %dma_wait3A_145 : memref<1x128x128xf32, #tpu.memory_space<vmem>> -> memref<128x128xf32, #tpu.memory_space<vmem>>
    tpu.wait_dma2 semaphore(%arg10 : memref<!tpu.dma_semaphore, #tpu.memory_space<semaphore_mem>>) src(%dma_wait3A_146 : memref<128x128xf32, #tpu.memory_space<vmem>>) dst(%dma_wait3A_142 : memref<128x128xf32, #tpu.memory_space<vmem_shared>>)
    %dma_wait3A_147 = arith.constant 0 : i32
    %dma_wait3A_148 = arith.constant 0 : i32
    %dma_wait3A_149 = arith.constant 0 : i32
    %dma_wait3A_150 = tpu.memref_slice %arg7[%dma_wait3A_147, %dma_wait3A_148, %dma_wait3A_149] : memref<2x128x128xf32, #tpu.memory_space<vmem>> -> memref<1x128x128xf32, #tpu.memory_space<vmem>>
    %dma_wait3A_151 = tpu.memref_squeeze %dma_wait3A_150 : memref<1x128x128xf32, #tpu.memory_space<vmem>> -> memref<128x128xf32, #tpu.memory_space<vmem>>
    %dma_wait3A_152 = arith.constant 0 : i32
    %dma_wait3A_153 = tpu.memref_slice %arg8[%add3A_77, %dma_wait3A_152] : memref<10112x128xf32, #tpu.memory_space<vmem_shared>> -> memref<128x128xf32, #tpu.memory_space<vmem_shared>>
    %dma_wait3A_154 = arith.constant 0 : i32
    %dma_wait3A_155 = tpu.memref_slice %arg8[%add3A_77, %dma_wait3A_154] : memref<10112x128xf32, #tpu.memory_space<vmem_shared>> -> memref<128x128xf32, #tpu.memory_space<vmem_shared>>
    %dma_wait3A_156 = arith.constant 0 : i32
    %dma_wait3A_157 = arith.constant 0 : i32
    %dma_wait3A_158 = tpu.memref_slice %arg7[%dma_wait3A_147, %dma_wait3A_156, %dma_wait3A_157] : memref<2x128x128xf32, #tpu.memory_space<vmem>> -> memref<1x128x128xf32, #tpu.memory_space<vmem>>
    %dma_wait3A_159 = tpu.memref_squeeze %dma_wait3A_158 : memref<1x128x128xf32, #tpu.memory_space<vmem>> -> memref<128x128xf32, #tpu.memory_space<vmem>>
    tpu.wait_dma2 semaphore(%arg9 : memref<!tpu.dma_semaphore, #tpu.memory_space<semaphore_mem>>) src(%dma_wait3A_159 : memref<128x128xf32, #tpu.memory_space<vmem>>) dst(%dma_wait3A_155 : memref<128x128xf32, #tpu.memory_space<vmem_shared>>)
    %dma_wait3A_160 = arith.constant 0 : i32
    %dma_wait3A_161 = arith.constant 0 : i32
    %dma_wait3A_162 = arith.constant 0 : i32
    %dma_wait3A_163 = tpu.memref_slice %arg7[%dma_wait3A_160, %dma_wait3A_161, %dma_wait3A_162] : memref<2x128x128xf32, #tpu.memory_space<vmem>> -> memref<1x128x128xf32, #tpu.memory_space<vmem>>
    %dma_wait3A_164 = tpu.memref_squeeze %dma_wait3A_163 : memref<1x128x128xf32, #tpu.memory_space<vmem>> -> memref<128x128xf32, #tpu.memory_space<vmem>>
    %dma_wait3A_165 = arith.constant 0 : i32
    %dma_wait3A_166 = tpu.memref_slice %arg8[%add3A_92, %dma_wait3A_165] : memref<10112x128xf32, #tpu.memory_space<vmem_shared>> -> memref<128x128xf32, #tpu.memory_space<vmem_shared>>
    %dma_wait3A_167 = arith.constant 0 : i32
    %dma_wait3A_168 = tpu.memref_slice %arg8[%add3A_92, %dma_wait3A_167] : memref<10112x128xf32, #tpu.memory_space<vmem_shared>> -> memref<128x128xf32, #tpu.memory_space<vmem_shared>>
    %dma_wait3A_169 = arith.constant 0 : i32
    %dma_wait3A_170 = arith.constant 0 : i32
    %dma_wait3A_171 = tpu.memref_slice %arg7[%dma_wait3A_160, %dma_wait3A_169, %dma_wait3A_170] : memref<2x128x128xf32, #tpu.memory_space<vmem>> -> memref<1x128x128xf32, #tpu.memory_space<vmem>>
    %dma_wait3A_172 = tpu.memref_squeeze %dma_wait3A_171 : memref<1x128x128xf32, #tpu.memory_space<vmem>> -> memref<128x128xf32, #tpu.memory_space<vmem>>
    tpu.wait_dma2 semaphore(%arg10 : memref<!tpu.dma_semaphore, #tpu.memory_space<semaphore_mem>>) src(%dma_wait3A_172 : memref<128x128xf32, #tpu.memory_space<vmem>>) dst(%dma_wait3A_168 : memref<128x128xf32, #tpu.memory_space<vmem_shared>>)
    %dma_wait3A_173 = arith.constant 0 : i32
    %dma_wait3A_174 = arith.constant 0 : i32
    %dma_wait3A_175 = arith.constant 0 : i32
    %dma_wait3A_176 = tpu.memref_slice %arg7[%dma_wait3A_173, %dma_wait3A_174, %dma_wait3A_175] : memref<2x128x128xf32, #tpu.memory_space<vmem>> -> memref<1x120x128xf32, #tpu.memory_space<vmem>>
    %dma_wait3A_177 = tpu.memref_squeeze %dma_wait3A_176 : memref<1x120x128xf32, #tpu.memory_space<vmem>> -> memref<120x128xf32, #tpu.memory_space<vmem>>
    %dma_wait3A_178 = arith.constant 0 : i32
    %dma_wait3A_179 = tpu.memref_slice %arg8[%add3A_107, %dma_wait3A_178] : memref<10112x128xf32, #tpu.memory_space<vmem_shared>> -> memref<120x128xf32, #tpu.memory_space<vmem_shared>>
    %dma_wait3A_180 = arith.constant 0 : i32
    %dma_wait3A_181 = tpu.memref_slice %arg8[%add3A_107, %dma_wait3A_180] : memref<10112x128xf32, #tpu.memory_space<vmem_shared>> -> memref<120x128xf32, #tpu.memory_space<vmem_shared>>
    %dma_wait3A_182 = arith.constant 0 : i32
    %dma_wait3A_183 = arith.constant 0 : i32
    %dma_wait3A_184 = tpu.memref_slice %arg7[%dma_wait3A_173, %dma_wait3A_182, %dma_wait3A_183] : memref<2x128x128xf32, #tpu.memory_space<vmem>> -> memref<1x120x128xf32, #tpu.memory_space<vmem>>
    %dma_wait3A_185 = tpu.memref_squeeze %dma_wait3A_184 : memref<1x120x128xf32, #tpu.memory_space<vmem>> -> memref<120x128xf32, #tpu.memory_space<vmem>>
    tpu.wait_dma2 semaphore(%arg9 : memref<!tpu.dma_semaphore, #tpu.memory_space<semaphore_mem>>) src(%dma_wait3A_185 : memref<120x128xf32, #tpu.memory_space<vmem>>) dst(%dma_wait3A_181 : memref<120x128xf32, #tpu.memory_space<vmem_shared>>)
    %barrier3A = arith.constant 0 : index
    tpu.barrier barrier_id(%barrier3A)
    %dma_start3A_186 = arith.constant 0 : i32
    %dma_start3A_187 = arith.constant 0 : i32
    %dma_start3A_188 = arith.constant 0 : i32
    %dma_start3A_189 = arith.constant 0 : i32
    %dma_start3A_190 = tpu.memref_slice %arg7[%dma_start3A_187, %dma_start3A_188, %dma_start3A_189] : memref<2x128x128xf32, #tpu.memory_space<vmem>> -> memref<1x128x128xf32, #tpu.memory_space<vmem>>
    %dma_start3A_191 = tpu.memref_squeeze %dma_start3A_190 : memref<1x128x128xf32, #tpu.memory_space<vmem>> -> memref<128x128xf32, #tpu.memory_space<vmem>>
    %dma_start3A_192 = arith.constant 0 : i32
    %dma_start3A_193 = tpu.memref_slice %arg5[%dma_start3A_186, %dma_start3A_192] : memref<40x128xi32, #tpu.memory_space<vmem>> -> memref<1x128xi32, #tpu.memory_space<vmem>>
    %dma_start3A_194 = tpu.memref_squeeze %dma_start3A_193 : memref<1x128xi32, #tpu.memory_space<vmem>> -> memref<128xi32, #tpu.memory_space<vmem>>
    %dma_start3A_195 = arith.constant 0 : i32
    %dma_start3A_196 = arith.constant 0 : i32
    %dma_start3A_197 = tpu.memref_slice %arg2[%dma_start3A_195, %dma_start3A_196] : memref<10000x128xf32, #tpu.memory_space<hbm>> -> memref<10000x128xf32, #tpu.memory_space<hbm>>
    tpu.enqueue_indirect_dma source(%dma_start3A_197 : memref<10000x128xf32, #tpu.memory_space<hbm>>) target(%dma_start3A_191 : memref<128x128xf32, #tpu.memory_space<vmem>>) offsets(%dma_start3A_194 : memref<128xi32, #tpu.memory_space<vmem>>) semaphore(%arg9 : memref<!tpu.dma_semaphore, #tpu.memory_space<semaphore_mem>>)
    %dma_start3A_198 = arith.constant 1 : i32
    %dma_start3A_199 = arith.constant 1 : i32
    %dma_start3A_200 = arith.constant 0 : i32
    %dma_start3A_201 = arith.constant 0 : i32
    %dma_start3A_202 = tpu.memref_slice %arg7[%dma_start3A_199, %dma_start3A_200, %dma_start3A_201] : memref<2x128x128xf32, #tpu.memory_space<vmem>> -> memref<1x128x128xf32, #tpu.memory_space<vmem>>
    %dma_start3A_203 = tpu.memref_squeeze %dma_start3A_202 : memref<1x128x128xf32, #tpu.memory_space<vmem>> -> memref<128x128xf32, #tpu.memory_space<vmem>>
    %dma_start3A_204 = arith.constant 0 : i32
    %dma_start3A_205 = tpu.memref_slice %arg5[%dma_start3A_198, %dma_start3A_204] : memref<40x128xi32, #tpu.memory_space<vmem>> -> memref<1x128xi32, #tpu.memory_space<vmem>>
    %dma_start3A_206 = tpu.memref_squeeze %dma_start3A_205 : memref<1x128xi32, #tpu.memory_space<vmem>> -> memref<128xi32, #tpu.memory_space<vmem>>
    %dma_start3A_207 = arith.constant 0 : i32
    %dma_start3A_208 = arith.constant 0 : i32
    %dma_start3A_209 = tpu.memref_slice %arg2[%dma_start3A_207, %dma_start3A_208] : memref<10000x128xf32, #tpu.memory_space<hbm>> -> memref<10000x128xf32, #tpu.memory_space<hbm>>
    tpu.enqueue_indirect_dma source(%dma_start3A_209 : memref<10000x128xf32, #tpu.memory_space<hbm>>) target(%dma_start3A_203 : memref<128x128xf32, #tpu.memory_space<vmem>>) offsets(%dma_start3A_206 : memref<128xi32, #tpu.memory_space<vmem>>) semaphore(%arg10 : memref<!tpu.dma_semaphore, #tpu.memory_space<semaphore_mem>>)
    %scan3A_210 = arith.constant 0 : i32
    %scan3A_211 = arith.constant 20 : i32
    %scan3A_212 = arith.addi %scan3A_210, %scan3A_211 : i32
    %scan3A_213 = arith.constant 1 : i32
    scf.for %scan3A_248 = %scan3A_210 to %scan3A_212 step %scan3A_213  : i32 {
      %mul3A_249 = arith.constant 1 : i32
      %mul3A_250 = arith.muli %scan3A_248, %mul3A_249 : i32
      %add3A_251 = arith.constant 0 : i32
      %add3A_252 = arith.addi %add3A_251, %mul3A_250 : i32
      %mul3A_253 = arith.constant 2 : i32
      %mul3A_254 = arith.muli %add3A_252, %mul3A_253 : i32
      %add3A_255 = arith.constant 0 : i32
      %add3A_256 = arith.addi %mul3A_254, %add3A_255 : i32
      %dma_wait3A_257 = arith.constant 0 : i32
      %dma_wait3A_258 = arith.constant 0 : i32
      %dma_wait3A_259 = arith.constant 0 : i32
      %dma_wait3A_260 = arith.constant 0 : i32
      %dma_wait3A_261 = tpu.memref_slice %arg7[%dma_wait3A_258, %dma_wait3A_259, %dma_wait3A_260] : memref<2x128x128xf32, #tpu.memory_space<vmem>> -> memref<1x128x128xf32, #tpu.memory_space<vmem>>
      %dma_wait3A_262 = tpu.memref_squeeze %dma_wait3A_261 : memref<1x128x128xf32, #tpu.memory_space<vmem>> -> memref<128x128xf32, #tpu.memory_space<vmem>>
      %dma_wait3A_263 = arith.constant 0 : i32
      %dma_wait3A_264 = tpu.memref_slice %arg5[%dma_wait3A_257, %dma_wait3A_263] : memref<40x128xi32, #tpu.memory_space<vmem>> -> memref<1x128xi32, #tpu.memory_space<vmem>>
      %dma_wait3A_265 = tpu.memref_squeeze %dma_wait3A_264 : memref<1x128xi32, #tpu.memory_space<vmem>> -> memref<128xi32, #tpu.memory_space<vmem>>
      %dma_wait3A_266 = arith.constant 0 : i32
      %dma_wait3A_267 = arith.constant 0 : i32
      %dma_wait3A_268 = tpu.memref_slice %arg2[%dma_wait3A_266, %dma_wait3A_267] : memref<10000x128xf32, #tpu.memory_space<hbm>> -> memref<10000x128xf32, #tpu.memory_space<hbm>>
      tpu.wait_indirect_dma semaphore(%arg9 : memref<!tpu.dma_semaphore, #tpu.memory_space<semaphore_mem>>) src(%dma_wait3A_268 : memref<10000x128xf32, #tpu.memory_space<hbm>>) dst(%dma_wait3A_262 : memref<128x128xf32, #tpu.memory_space<vmem>>)
      %run_scoped3A_269 = arith.constant 0 : i32
      "tpu.region"() ({
        %run_scoped3A_296 = tpu.sem_alloc : memref<!tpu.dma_semaphore, #tpu.memory_space<semaphore_mem>>
        %dma_start3A_297 = arith.constant 0 : i32
        %dma_start3A_298 = arith.constant 0 : i32
        %dma_start3A_299 = tpu.memref_slice %arg7[%run_scoped3A_269, %dma_start3A_297, %dma_start3A_298] : memref<2x128x128xf32, #tpu.memory_space<vmem>> -> memref<1x128x128xf32, #tpu.memory_space<vmem>>
        %dma_start3A_300 = tpu.memref_squeeze %dma_start3A_299 : memref<1x128x128xf32, #tpu.memory_space<vmem>> -> memref<128x128xf32, #tpu.memory_space<vmem>>
        %dma_start3A_301 = arith.constant 0 : i32
        %dma_start3A_302 = tpu.memref_slice %arg6[%add3A_256, %dma_start3A_301] : memref<40x128xi32, #tpu.memory_space<vmem>> -> memref<1x128xi32, #tpu.memory_space<vmem>>
        %dma_start3A_303 = tpu.memref_squeeze %dma_start3A_302 : memref<1x128xi32, #tpu.memory_space<vmem>> -> memref<128xi32, #tpu.memory_space<vmem>>
        %dma_start3A_304 = arith.constant 0 : i32
        %dma_start3A_305 = arith.constant 0 : i32
        %dma_start3A_306 = tpu.memref_slice %arg8[%dma_start3A_304, %dma_start3A_305] : memref<10112x128xf32, #tpu.memory_space<vmem_shared>> -> memref<10112x128xf32, #tpu.memory_space<vmem_shared>>
        tpu.enqueue_indirect_dma source(%dma_start3A_300 : memref<128x128xf32, #tpu.memory_space<vmem>>) target(%dma_start3A_306 : memref<10112x128xf32, #tpu.memory_space<vmem_shared>>) offsets(%dma_start3A_303 : memref<128xi32, #tpu.memory_space<vmem>>) semaphore(%run_scoped3A_296 : memref<!tpu.dma_semaphore, #tpu.memory_space<semaphore_mem>>) {add = true}
        %dma_wait3A_307 = arith.constant 0 : i32
        %dma_wait3A_308 = arith.constant 0 : i32
        %dma_wait3A_309 = tpu.memref_slice %arg7[%run_scoped3A_269, %dma_wait3A_307, %dma_wait3A_308] : memref<2x128x128xf32, #tpu.memory_space<vmem>> -> memref<1x128x128xf32, #tpu.memory_space<vmem>>
        %dma_wait3A_310 = tpu.memref_squeeze %dma_wait3A_309 : memref<1x128x128xf32, #tpu.memory_space<vmem>> -> memref<128x128xf32, #tpu.memory_space<vmem>>
        %dma_wait3A_311 = arith.constant 0 : i32
        %dma_wait3A_312 = tpu.memref_slice %arg6[%add3A_256, %dma_wait3A_311] : memref<40x128xi32, #tpu.memory_space<vmem>> -> memref<1x128xi32, #tpu.memory_space<vmem>>
        %dma_wait3A_313 = tpu.memref_squeeze %dma_wait3A_312 : memref<1x128xi32, #tpu.memory_space<vmem>> -> memref<128xi32, #tpu.memory_space<vmem>>
        %dma_wait3A_314 = arith.constant 0 : i32
        %dma_wait3A_315 = arith.constant 0 : i32
        %dma_wait3A_316 = tpu.memref_slice %arg8[%dma_wait3A_314, %dma_wait3A_315] : memref<10112x128xf32, #tpu.memory_space<vmem_shared>> -> memref<10112x128xf32, #tpu.memory_space<vmem_shared>>
        tpu.wait_indirect_dma semaphore(%run_scoped3A_296 : memref<!tpu.dma_semaphore, #tpu.memory_space<semaphore_mem>>) src(%dma_wait3A_310 : memref<128x128xf32, #tpu.memory_space<vmem>>) dst(%dma_wait3A_316 : memref<10112x128xf32, #tpu.memory_space<vmem_shared>>)
        tpu.yield
      }) : () -> ()
      %add3A_270 = arith.constant 2 : i32
      %add3A_271 = arith.addi %add3A_256, %add3A_270 : i32
      %lt3A = arith.constant 40 : i32
      %lt3A_272 = arith.cmpi slt, %add3A_271, %lt3A : i32
      %convert_element_type3A = arith.extui %lt3A_272 : i1 to i32
      %cond3A = arith.constant 0 : i32
      %cond3A_273 = arith.cmpi ne, %convert_element_type3A, %cond3A : i32
      scf.if %cond3A_273 {
        %add3A_296 = arith.constant 2 : i32
        %add3A_297 = arith.addi %add3A_256, %add3A_296 : i32
        %dma_start3A_298 = arith.constant 0 : i32
        %dma_start3A_299 = arith.constant 0 : i32
        %dma_start3A_300 = arith.constant 0 : i32
        %dma_start3A_301 = tpu.memref_slice %arg7[%dma_start3A_298, %dma_start3A_299, %dma_start3A_300] : memref<2x128x128xf32, #tpu.memory_space<vmem>> -> memref<1x128x128xf32, #tpu.memory_space<vmem>>
        %dma_start3A_302 = tpu.memref_squeeze %dma_start3A_301 : memref<1x128x128xf32, #tpu.memory_space<vmem>> -> memref<128x128xf32, #tpu.memory_space<vmem>>
        %dma_start3A_303 = arith.constant 0 : i32
        %dma_start3A_304 = tpu.memref_slice %arg5[%add3A_297, %dma_start3A_303] : memref<40x128xi32, #tpu.memory_space<vmem>> -> memref<1x128xi32, #tpu.memory_space<vmem>>
        %dma_start3A_305 = tpu.memref_squeeze %dma_start3A_304 : memref<1x128xi32, #tpu.memory_space<vmem>> -> memref<128xi32, #tpu.memory_space<vmem>>
        %dma_start3A_306 = arith.constant 0 : i32
        %dma_start3A_307 = arith.constant 0 : i32
        %dma_start3A_308 = tpu.memref_slice %arg2[%dma_start3A_306, %dma_start3A_307] : memref<10000x128xf32, #tpu.memory_space<hbm>> -> memref<10000x128xf32, #tpu.memory_space<hbm>>
        tpu.enqueue_indirect_dma source(%dma_start3A_308 : memref<10000x128xf32, #tpu.memory_space<hbm>>) target(%dma_start3A_302 : memref<128x128xf32, #tpu.memory_space<vmem>>) offsets(%dma_start3A_305 : memref<128xi32, #tpu.memory_space<vmem>>) semaphore(%arg9 : memref<!tpu.dma_semaphore, #tpu.memory_space<semaphore_mem>>)
      } else {
      }
      %add3A_274 = arith.constant 1 : i32
      %add3A_275 = arith.addi %mul3A_254, %add3A_274 : i32
      %dma_wait3A_276 = arith.constant 0 : i32
      %dma_wait3A_277 = arith.constant 1 : i32
      %dma_wait3A_278 = arith.constant 0 : i32
      %dma_wait3A_279 = arith.constant 0 : i32
      %dma_wait3A_280 = tpu.memref_slice %arg7[%dma_wait3A_277, %dma_wait3A_278, %dma_wait3A_279] : memref<2x128x128xf32, #tpu.memory_space<vmem>> -> memref<1x128x128xf32, #tpu.memory_space<vmem>>
      %dma_wait3A_281 = tpu.memref_squeeze %dma_wait3A_280 : memref<1x128x128xf32, #tpu.memory_space<vmem>> -> memref<128x128xf32, #tpu.memory_space<vmem>>
      %dma_wait3A_282 = arith.constant 0 : i32
      %dma_wait3A_283 = tpu.memref_slice %arg5[%dma_wait3A_276, %dma_wait3A_282] : memref<40x128xi32, #tpu.memory_space<vmem>> -> memref<1x128xi32, #tpu.memory_space<vmem>>
      %dma_wait3A_284 = tpu.memref_squeeze %dma_wait3A_283 : memref<1x128xi32, #tpu.memory_space<vmem>> -> memref<128xi32, #tpu.memory_space<vmem>>
      %dma_wait3A_285 = arith.constant 0 : i32
      %dma_wait3A_286 = arith.constant 0 : i32
      %dma_wait3A_287 = tpu.memref_slice %arg2[%dma_wait3A_285, %dma_wait3A_286] : memref<10000x128xf32, #tpu.memory_space<hbm>> -> memref<10000x128xf32, #tpu.memory_space<hbm>>
      tpu.wait_indirect_dma semaphore(%arg10 : memref<!tpu.dma_semaphore, #tpu.memory_space<semaphore_mem>>) src(%dma_wait3A_287 : memref<10000x128xf32, #tpu.memory_space<hbm>>) dst(%dma_wait3A_281 : memref<128x128xf32, #tpu.memory_space<vmem>>)
      %run_scoped3A_288 = arith.constant 1 : i32
      "tpu.region"() ({
        %run_scoped3A_296 = tpu.sem_alloc : memref<!tpu.dma_semaphore, #tpu.memory_space<semaphore_mem>>
        %dma_start3A_297 = arith.constant 0 : i32
        %dma_start3A_298 = arith.constant 0 : i32
        %dma_start3A_299 = tpu.memref_slice %arg7[%run_scoped3A_288, %dma_start3A_297, %dma_start3A_298] : memref<2x128x128xf32, #tpu.memory_space<vmem>> -> memref<1x128x128xf32, #tpu.memory_space<vmem>>
        %dma_start3A_300 = tpu.memref_squeeze %dma_start3A_299 : memref<1x128x128xf32, #tpu.memory_space<vmem>> -> memref<128x128xf32, #tpu.memory_space<vmem>>
        %dma_start3A_301 = arith.constant 0 : i32
        %dma_start3A_302 = tpu.memref_slice %arg6[%add3A_275, %dma_start3A_301] : memref<40x128xi32, #tpu.memory_space<vmem>> -> memref<1x128xi32, #tpu.memory_space<vmem>>
        %dma_start3A_303 = tpu.memref_squeeze %dma_start3A_302 : memref<1x128xi32, #tpu.memory_space<vmem>> -> memref<128xi32, #tpu.memory_space<vmem>>
        %dma_start3A_304 = arith.constant 0 : i32
        %dma_start3A_305 = arith.constant 0 : i32
        %dma_start3A_306 = tpu.memref_slice %arg8[%dma_start3A_304, %dma_start3A_305] : memref<10112x128xf32, #tpu.memory_space<vmem_shared>> -> memref<10112x128xf32, #tpu.memory_space<vmem_shared>>
        tpu.enqueue_indirect_dma source(%dma_start3A_300 : memref<128x128xf32, #tpu.memory_space<vmem>>) target(%dma_start3A_306 : memref<10112x128xf32, #tpu.memory_space<vmem_shared>>) offsets(%dma_start3A_303 : memref<128xi32, #tpu.memory_space<vmem>>) semaphore(%run_scoped3A_296 : memref<!tpu.dma_semaphore, #tpu.memory_space<semaphore_mem>>) {add = true}
        %dma_wait3A_307 = arith.constant 0 : i32
        %dma_wait3A_308 = arith.constant 0 : i32
        %dma_wait3A_309 = tpu.memref_slice %arg7[%run_scoped3A_288, %dma_wait3A_307, %dma_wait3A_308] : memref<2x128x128xf32, #tpu.memory_space<vmem>> -> memref<1x128x128xf32, #tpu.memory_space<vmem>>
        %dma_wait3A_310 = tpu.memref_squeeze %dma_wait3A_309 : memref<1x128x128xf32, #tpu.memory_space<vmem>> -> memref<128x128xf32, #tpu.memory_space<vmem>>
        %dma_wait3A_311 = arith.constant 0 : i32
        %dma_wait3A_312 = tpu.memref_slice %arg6[%add3A_275, %dma_wait3A_311] : memref<40x128xi32, #tpu.memory_space<vmem>> -> memref<1x128xi32, #tpu.memory_space<vmem>>
        %dma_wait3A_313 = tpu.memref_squeeze %dma_wait3A_312 : memref<1x128xi32, #tpu.memory_space<vmem>> -> memref<128xi32, #tpu.memory_space<vmem>>
        %dma_wait3A_314 = arith.constant 0 : i32
        %dma_wait3A_315 = arith.constant 0 : i32
        %dma_wait3A_316 = tpu.memref_slice %arg8[%dma_wait3A_314, %dma_wait3A_315] : memref<10112x128xf32, #tpu.memory_space<vmem_shared>> -> memref<10112x128xf32, #tpu.memory_space<vmem_shared>>
        tpu.wait_indirect_dma semaphore(%run_scoped3A_296 : memref<!tpu.dma_semaphore, #tpu.memory_space<semaphore_mem>>) src(%dma_wait3A_310 : memref<128x128xf32, #tpu.memory_space<vmem>>) dst(%dma_wait3A_316 : memref<10112x128xf32, #tpu.memory_space<vmem_shared>>)
        tpu.yield
      }) : () -> ()
      %add3A_289 = arith.constant 2 : i32
      %add3A_290 = arith.addi %add3A_275, %add3A_289 : i32
      %lt3A_291 = arith.constant 40 : i32
      %lt3A_292 = arith.cmpi slt, %add3A_290, %lt3A_291 : i32
      %convert_element_type3A_293 = arith.extui %lt3A_292 : i1 to i32
      %cond3A_294 = arith.constant 0 : i32
      %cond3A_295 = arith.cmpi ne, %convert_element_type3A_293, %cond3A_294 : i32
      scf.if %cond3A_295 {
        %add3A_296 = arith.constant 2 : i32
        %add3A_297 = arith.addi %add3A_275, %add3A_296 : i32
        %dma_start3A_298 = arith.constant 1 : i32
        %dma_start3A_299 = arith.constant 0 : i32
        %dma_start3A_300 = arith.constant 0 : i32
        %dma_start3A_301 = tpu.memref_slice %arg7[%dma_start3A_298, %dma_start3A_299, %dma_start3A_300] : memref<2x128x128xf32, #tpu.memory_space<vmem>> -> memref<1x128x128xf32, #tpu.memory_space<vmem>>
        %dma_start3A_302 = tpu.memref_squeeze %dma_start3A_301 : memref<1x128x128xf32, #tpu.memory_space<vmem>> -> memref<128x128xf32, #tpu.memory_space<vmem>>
        %dma_start3A_303 = arith.constant 0 : i32
        %dma_start3A_304 = tpu.memref_slice %arg5[%add3A_297, %dma_start3A_303] : memref<40x128xi32, #tpu.memory_space<vmem>> -> memref<1x128xi32, #tpu.memory_space<vmem>>
        %dma_start3A_305 = tpu.memref_squeeze %dma_start3A_304 : memref<1x128xi32, #tpu.memory_space<vmem>> -> memref<128xi32, #tpu.memory_space<vmem>>
        %dma_start3A_306 = arith.constant 0 : i32
        %dma_start3A_307 = arith.constant 0 : i32
        %dma_start3A_308 = tpu.memref_slice %arg2[%dma_start3A_306, %dma_start3A_307] : memref<10000x128xf32, #tpu.memory_space<hbm>> -> memref<10000x128xf32, #tpu.memory_space<hbm>>
        tpu.enqueue_indirect_dma source(%dma_start3A_308 : memref<10000x128xf32, #tpu.memory_space<hbm>>) target(%dma_start3A_302 : memref<128x128xf32, #tpu.memory_space<vmem>>) offsets(%dma_start3A_305 : memref<128xi32, #tpu.memory_space<vmem>>) semaphore(%arg10 : memref<!tpu.dma_semaphore, #tpu.memory_space<semaphore_mem>>)
      } else {
      }
    }
    %scan3A_214 = arith.constant 20 : i32
    %run_scoped3A = arith.constant 0 : i32
    %run_scoped3A_215 = arith.constant 1 : i32
    "tpu.region"() ({
      %run_scoped3A_248 = tpu.sem_alloc : memref<!tpu.dma_semaphore, #tpu.memory_space<semaphore_mem>>
      %dma_start3A_249 = arith.constant 0 : i32
      %dma_start3A_250 = arith.constant 0 : i32
      %dma_start3A_251 = tpu.memref_slice %arg3[%run_scoped3A, %add3A, %run_scoped3A_215, %dma_start3A_249, %dma_start3A_250] : memref<2x32x2x40x128xi32, #tpu.memory_space<hbm>> -> memref<1x1x1x40x128xi32, #tpu.memory_space<hbm>>
      %dma_start3A_252 = tpu.memref_squeeze %dma_start3A_251 : memref<1x1x1x40x128xi32, #tpu.memory_space<hbm>> -> memref<40x128xi32, #tpu.memory_space<hbm>>
      %dma_start3A_253 = arith.constant 0 : i32
      %dma_start3A_254 = arith.constant 0 : i32
      %dma_start3A_255 = tpu.memref_slice %arg3[%run_scoped3A, %add3A, %run_scoped3A_215, %dma_start3A_253, %dma_start3A_254] : memref<2x32x2x40x128xi32, #tpu.memory_space<hbm>> -> memref<1x1x1x40x128xi32, #tpu.memory_space<hbm>>
      %dma_start3A_256 = tpu.memref_squeeze %dma_start3A_255 : memref<1x1x1x40x128xi32, #tpu.memory_space<hbm>> -> memref<40x128xi32, #tpu.memory_space<hbm>>
      tpu.enqueue_dma source(%dma_start3A_256 : memref<40x128xi32, #tpu.memory_space<hbm>>) target(%arg5 : memref<40x128xi32, #tpu.memory_space<vmem>>) target_semaphore(%run_scoped3A_248 : memref<!tpu.dma_semaphore, #tpu.memory_space<semaphore_mem>>)
      %dma_wait3A_257 = arith.constant 0 : i32
      %dma_wait3A_258 = arith.constant 0 : i32
      %dma_wait3A_259 = tpu.memref_slice %arg3[%run_scoped3A, %add3A, %run_scoped3A_215, %dma_wait3A_257, %dma_wait3A_258] : memref<2x32x2x40x128xi32, #tpu.memory_space<hbm>> -> memref<1x1x1x40x128xi32, #tpu.memory_space<hbm>>
      %dma_wait3A_260 = tpu.memref_squeeze %dma_wait3A_259 : memref<1x1x1x40x128xi32, #tpu.memory_space<hbm>> -> memref<40x128xi32, #tpu.memory_space<hbm>>
      %dma_wait3A_261 = arith.constant 0 : i32
      %dma_wait3A_262 = arith.constant 0 : i32
      %dma_wait3A_263 = tpu.memref_slice %arg3[%run_scoped3A, %add3A, %run_scoped3A_215, %dma_wait3A_261, %dma_wait3A_262] : memref<2x32x2x40x128xi32, #tpu.memory_space<hbm>> -> memref<1x1x1x40x128xi32, #tpu.memory_space<hbm>>
      %dma_wait3A_264 = tpu.memref_squeeze %dma_wait3A_263 : memref<1x1x1x40x128xi32, #tpu.memory_space<hbm>> -> memref<40x128xi32, #tpu.memory_space<hbm>>
      tpu.wait_dma2 semaphore(%run_scoped3A_248 : memref<!tpu.dma_semaphore, #tpu.memory_space<semaphore_mem>>) src(%dma_wait3A_264 : memref<40x128xi32, #tpu.memory_space<hbm>>) dst(%arg5 : memref<40x128xi32, #tpu.memory_space<vmem>>)
      tpu.yield
    }) : () -> ()
    %run_scoped3A_216 = arith.constant 1 : i32
    %run_scoped3A_217 = arith.constant 1 : i32
    "tpu.region"() ({
      %run_scoped3A_248 = tpu.sem_alloc : memref<!tpu.dma_semaphore, #tpu.memory_space<semaphore_mem>>
      %dma_start3A_249 = arith.constant 0 : i32
      %dma_start3A_250 = arith.constant 0 : i32
      %dma_start3A_251 = tpu.memref_slice %arg3[%run_scoped3A_216, %add3A, %run_scoped3A_217, %dma_start3A_249, %dma_start3A_250] : memref<2x32x2x40x128xi32, #tpu.memory_space<hbm>> -> memref<1x1x1x40x128xi32, #tpu.memory_space<hbm>>
      %dma_start3A_252 = tpu.memref_squeeze %dma_start3A_251 : memref<1x1x1x40x128xi32, #tpu.memory_space<hbm>> -> memref<40x128xi32, #tpu.memory_space<hbm>>
      %dma_start3A_253 = arith.constant 0 : i32
      %dma_start3A_254 = arith.constant 0 : i32
      %dma_start3A_255 = tpu.memref_slice %arg3[%run_scoped3A_216, %add3A, %run_scoped3A_217, %dma_start3A_253, %dma_start3A_254] : memref<2x32x2x40x128xi32, #tpu.memory_space<hbm>> -> memref<1x1x1x40x128xi32, #tpu.memory_space<hbm>>
      %dma_start3A_256 = tpu.memref_squeeze %dma_start3A_255 : memref<1x1x1x40x128xi32, #tpu.memory_space<hbm>> -> memref<40x128xi32, #tpu.memory_space<hbm>>
      tpu.enqueue_dma source(%dma_start3A_256 : memref<40x128xi32, #tpu.memory_space<hbm>>) target(%arg6 : memref<40x128xi32, #tpu.memory_space<vmem>>) target_semaphore(%run_scoped3A_248 : memref<!tpu.dma_semaphore, #tpu.memory_space<semaphore_mem>>)
      %dma_wait3A_257 = arith.constant 0 : i32
      %dma_wait3A_258 = arith.constant 0 : i32
      %dma_wait3A_259 = tpu.memref_slice %arg3[%run_scoped3A_216, %add3A, %run_scoped3A_217, %dma_wait3A_257, %dma_wait3A_258] : memref<2x32x2x40x128xi32, #tpu.memory_space<hbm>> -> memref<1x1x1x40x128xi32, #tpu.memory_space<hbm>>
      %dma_wait3A_260 = tpu.memref_squeeze %dma_wait3A_259 : memref<1x1x1x40x128xi32, #tpu.memory_space<hbm>> -> memref<40x128xi32, #tpu.memory_space<hbm>>
      %dma_wait3A_261 = arith.constant 0 : i32
      %dma_wait3A_262 = arith.constant 0 : i32
      %dma_wait3A_263 = tpu.memref_slice %arg3[%run_scoped3A_216, %add3A, %run_scoped3A_217, %dma_wait3A_261, %dma_wait3A_262] : memref<2x32x2x40x128xi32, #tpu.memory_space<hbm>> -> memref<1x1x1x40x128xi32, #tpu.memory_space<hbm>>
      %dma_wait3A_264 = tpu.memref_squeeze %dma_wait3A_263 : memref<1x1x1x40x128xi32, #tpu.memory_space<hbm>> -> memref<40x128xi32, #tpu.memory_space<hbm>>
      tpu.wait_dma2 semaphore(%run_scoped3A_248 : memref<!tpu.dma_semaphore, #tpu.memory_space<semaphore_mem>>) src(%dma_wait3A_264 : memref<40x128xi32, #tpu.memory_space<hbm>>) dst(%arg6 : memref<40x128xi32, #tpu.memory_space<vmem>>)
      tpu.yield
    }) : () -> ()
    %dma_start3A_218 = arith.constant 0 : i32
    %dma_start3A_219 = arith.constant 0 : i32
    %dma_start3A_220 = arith.constant 0 : i32
    %dma_start3A_221 = arith.constant 0 : i32
    %dma_start3A_222 = tpu.memref_slice %arg7[%dma_start3A_219, %dma_start3A_220, %dma_start3A_221] : memref<2x128x128xf32, #tpu.memory_space<vmem>> -> memref<1x128x128xf32, #tpu.memory_space<vmem>>
    %dma_start3A_223 = tpu.memref_squeeze %dma_start3A_222 : memref<1x128x128xf32, #tpu.memory_space<vmem>> -> memref<128x128xf32, #tpu.memory_space<vmem>>
    %dma_start3A_224 = arith.constant 0 : i32
    %dma_start3A_225 = tpu.memref_slice %arg5[%dma_start3A_218, %dma_start3A_224] : memref<40x128xi32, #tpu.memory_space<vmem>> -> memref<1x128xi32, #tpu.memory_space<vmem>>
    %dma_start3A_226 = tpu.memref_squeeze %dma_start3A_225 : memref<1x128xi32, #tpu.memory_space<vmem>> -> memref<128xi32, #tpu.memory_space<vmem>>
    %dma_start3A_227 = arith.constant 0 : i32
    %dma_start3A_228 = arith.constant 0 : i32
    %dma_start3A_229 = tpu.memref_slice %arg2[%dma_start3A_227, %dma_start3A_228] : memref<10000x128xf32, #tpu.memory_space<hbm>> -> memref<10000x128xf32, #tpu.memory_space<hbm>>
    tpu.enqueue_indirect_dma source(%dma_start3A_229 : memref<10000x128xf32, #tpu.memory_space<hbm>>) target(%dma_start3A_223 : memref<128x128xf32, #tpu.memory_space<vmem>>) offsets(%dma_start3A_226 : memref<128xi32, #tpu.memory_space<vmem>>) semaphore(%arg9 : memref<!tpu.dma_semaphore, #tpu.memory_space<semaphore_mem>>)
    %dma_start3A_230 = arith.constant 1 : i32
    %dma_start3A_231 = arith.constant 1 : i32
    %dma_start3A_232 = arith.constant 0 : i32
    %dma_start3A_233 = arith.constant 0 : i32
    %dma_start3A_234 = tpu.memref_slice %arg7[%dma_start3A_231, %dma_start3A_232, %dma_start3A_233] : memref<2x128x128xf32, #tpu.memory_space<vmem>> -> memref<1x128x128xf32, #tpu.memory_space<vmem>>
    %dma_start3A_235 = tpu.memref_squeeze %dma_start3A_234 : memref<1x128x128xf32, #tpu.memory_space<vmem>> -> memref<128x128xf32, #tpu.memory_space<vmem>>
    %dma_start3A_236 = arith.constant 0 : i32
    %dma_start3A_237 = tpu.memref_slice %arg5[%dma_start3A_230, %dma_start3A_236] : memref<40x128xi32, #tpu.memory_space<vmem>> -> memref<1x128xi32, #tpu.memory_space<vmem>>
    %dma_start3A_238 = tpu.memref_squeeze %dma_start3A_237 : memref<1x128xi32, #tpu.memory_space<vmem>> -> memref<128xi32, #tpu.memory_space<vmem>>
    %dma_start3A_239 = arith.constant 0 : i32
    %dma_start3A_240 = arith.constant 0 : i32
    %dma_start3A_241 = tpu.memref_slice %arg2[%dma_start3A_239, %dma_start3A_240] : memref<10000x128xf32, #tpu.memory_space<hbm>> -> memref<10000x128xf32, #tpu.memory_space<hbm>>
    tpu.enqueue_indirect_dma source(%dma_start3A_241 : memref<10000x128xf32, #tpu.memory_space<hbm>>) target(%dma_start3A_235 : memref<128x128xf32, #tpu.memory_space<vmem>>) offsets(%dma_start3A_238 : memref<128xi32, #tpu.memory_space<vmem>>) semaphore(%arg10 : memref<!tpu.dma_semaphore, #tpu.memory_space<semaphore_mem>>)
    %scan3A_242 = arith.constant 0 : i32
    %scan3A_243 = arith.constant 20 : i32
    %scan3A_244 = arith.addi %scan3A_242, %scan3A_243 : i32
    %scan3A_245 = arith.constant 1 : i32
    scf.for %scan3A_248 = %scan3A_242 to %scan3A_244 step %scan3A_245  : i32 {
      %mul3A_249 = arith.constant 1 : i32
      %mul3A_250 = arith.muli %scan3A_248, %mul3A_249 : i32
      %add3A_251 = arith.constant 0 : i32
      %add3A_252 = arith.addi %add3A_251, %mul3A_250 : i32
      %mul3A_253 = arith.constant 2 : i32
      %mul3A_254 = arith.muli %add3A_252, %mul3A_253 : i32
      %add3A_255 = arith.constant 0 : i32
      %add3A_256 = arith.addi %mul3A_254, %add3A_255 : i32
      %dma_wait3A_257 = arith.constant 0 : i32
      %dma_wait3A_258 = arith.constant 0 : i32
      %dma_wait3A_259 = arith.constant 0 : i32
      %dma_wait3A_260 = arith.constant 0 : i32
      %dma_wait3A_261 = tpu.memref_slice %arg7[%dma_wait3A_258, %dma_wait3A_259, %dma_wait3A_260] : memref<2x128x128xf32, #tpu.memory_space<vmem>> -> memref<1x128x128xf32, #tpu.memory_space<vmem>>
      %dma_wait3A_262 = tpu.memref_squeeze %dma_wait3A_261 : memref<1x128x128xf32, #tpu.memory_space<vmem>> -> memref<128x128xf32, #tpu.memory_space<vmem>>
      %dma_wait3A_263 = arith.constant 0 : i32
      %dma_wait3A_264 = tpu.memref_slice %arg5[%dma_wait3A_257, %dma_wait3A_263] : memref<40x128xi32, #tpu.memory_space<vmem>> -> memref<1x128xi32, #tpu.memory_space<vmem>>
      %dma_wait3A_265 = tpu.memref_squeeze %dma_wait3A_264 : memref<1x128xi32, #tpu.memory_space<vmem>> -> memref<128xi32, #tpu.memory_space<vmem>>
      %dma_wait3A_266 = arith.constant 0 : i32
      %dma_wait3A_267 = arith.constant 0 : i32
      %dma_wait3A_268 = tpu.memref_slice %arg2[%dma_wait3A_266, %dma_wait3A_267] : memref<10000x128xf32, #tpu.memory_space<hbm>> -> memref<10000x128xf32, #tpu.memory_space<hbm>>
      tpu.wait_indirect_dma semaphore(%arg9 : memref<!tpu.dma_semaphore, #tpu.memory_space<semaphore_mem>>) src(%dma_wait3A_268 : memref<10000x128xf32, #tpu.memory_space<hbm>>) dst(%dma_wait3A_262 : memref<128x128xf32, #tpu.memory_space<vmem>>)
      %run_scoped3A_269 = arith.constant 0 : i32
      "tpu.region"() ({
        %run_scoped3A_296 = tpu.sem_alloc : memref<!tpu.dma_semaphore, #tpu.memory_space<semaphore_mem>>
        %dma_start3A_297 = arith.constant 0 : i32
        %dma_start3A_298 = arith.constant 0 : i32
        %dma_start3A_299 = tpu.memref_slice %arg7[%run_scoped3A_269, %dma_start3A_297, %dma_start3A_298] : memref<2x128x128xf32, #tpu.memory_space<vmem>> -> memref<1x128x128xf32, #tpu.memory_space<vmem>>
        %dma_start3A_300 = tpu.memref_squeeze %dma_start3A_299 : memref<1x128x128xf32, #tpu.memory_space<vmem>> -> memref<128x128xf32, #tpu.memory_space<vmem>>
        %dma_start3A_301 = arith.constant 0 : i32
        %dma_start3A_302 = tpu.memref_slice %arg6[%add3A_256, %dma_start3A_301] : memref<40x128xi32, #tpu.memory_space<vmem>> -> memref<1x128xi32, #tpu.memory_space<vmem>>
        %dma_start3A_303 = tpu.memref_squeeze %dma_start3A_302 : memref<1x128xi32, #tpu.memory_space<vmem>> -> memref<128xi32, #tpu.memory_space<vmem>>
        %dma_start3A_304 = arith.constant 0 : i32
        %dma_start3A_305 = arith.constant 0 : i32
        %dma_start3A_306 = tpu.memref_slice %arg8[%dma_start3A_304, %dma_start3A_305] : memref<10112x128xf32, #tpu.memory_space<vmem_shared>> -> memref<10112x128xf32, #tpu.memory_space<vmem_shared>>
        tpu.enqueue_indirect_dma source(%dma_start3A_300 : memref<128x128xf32, #tpu.memory_space<vmem>>) target(%dma_start3A_306 : memref<10112x128xf32, #tpu.memory_space<vmem_shared>>) offsets(%dma_start3A_303 : memref<128xi32, #tpu.memory_space<vmem>>) semaphore(%run_scoped3A_296 : memref<!tpu.dma_semaphore, #tpu.memory_space<semaphore_mem>>) {add = true}
        %dma_wait3A_307 = arith.constant 0 : i32
        %dma_wait3A_308 = arith.constant 0 : i32
        %dma_wait3A_309 = tpu.memref_slice %arg7[%run_scoped3A_269, %dma_wait3A_307, %dma_wait3A_308] : memref<2x128x128xf32, #tpu.memory_space<vmem>> -> memref<1x128x128xf32, #tpu.memory_space<vmem>>
        %dma_wait3A_310 = tpu.memref_squeeze %dma_wait3A_309 : memref<1x128x128xf32, #tpu.memory_space<vmem>> -> memref<128x128xf32, #tpu.memory_space<vmem>>
        %dma_wait3A_311 = arith.constant 0 : i32
        %dma_wait3A_312 = tpu.memref_slice %arg6[%add3A_256, %dma_wait3A_311] : memref<40x128xi32, #tpu.memory_space<vmem>> -> memref<1x128xi32, #tpu.memory_space<vmem>>
        %dma_wait3A_313 = tpu.memref_squeeze %dma_wait3A_312 : memref<1x128xi32, #tpu.memory_space<vmem>> -> memref<128xi32, #tpu.memory_space<vmem>>
        %dma_wait3A_314 = arith.constant 0 : i32
        %dma_wait3A_315 = arith.constant 0 : i32
        %dma_wait3A_316 = tpu.memref_slice %arg8[%dma_wait3A_314, %dma_wait3A_315] : memref<10112x128xf32, #tpu.memory_space<vmem_shared>> -> memref<10112x128xf32, #tpu.memory_space<vmem_shared>>
        tpu.wait_indirect_dma semaphore(%run_scoped3A_296 : memref<!tpu.dma_semaphore, #tpu.memory_space<semaphore_mem>>) src(%dma_wait3A_310 : memref<128x128xf32, #tpu.memory_space<vmem>>) dst(%dma_wait3A_316 : memref<10112x128xf32, #tpu.memory_space<vmem_shared>>)
        tpu.yield
      }) : () -> ()
      %add3A_270 = arith.constant 2 : i32
      %add3A_271 = arith.addi %add3A_256, %add3A_270 : i32
      %lt3A = arith.constant 40 : i32
      %lt3A_272 = arith.cmpi slt, %add3A_271, %lt3A : i32
      %convert_element_type3A = arith.extui %lt3A_272 : i1 to i32
      %cond3A = arith.constant 0 : i32
      %cond3A_273 = arith.cmpi ne, %convert_element_type3A, %cond3A : i32
      scf.if %cond3A_273 {
        %add3A_296 = arith.constant 2 : i32
        %add3A_297 = arith.addi %add3A_256, %add3A_296 : i32
        %dma_start3A_298 = arith.constant 0 : i32
        %dma_start3A_299 = arith.constant 0 : i32
        %dma_start3A_300 = arith.constant 0 : i32
        %dma_start3A_301 = tpu.memref_slice %arg7[%dma_start3A_298, %dma_start3A_299, %dma_start3A_300] : memref<2x128x128xf32, #tpu.memory_space<vmem>> -> memref<1x128x128xf32, #tpu.memory_space<vmem>>
        %dma_start3A_302 = tpu.memref_squeeze %dma_start3A_301 : memref<1x128x128xf32, #tpu.memory_space<vmem>> -> memref<128x128xf32, #tpu.memory_space<vmem>>
        %dma_start3A_303 = arith.constant 0 : i32
        %dma_start3A_304 = tpu.memref_slice %arg5[%add3A_297, %dma_start3A_303] : memref<40x128xi32, #tpu.memory_space<vmem>> -> memref<1x128xi32, #tpu.memory_space<vmem>>
        %dma_start3A_305 = tpu.memref_squeeze %dma_start3A_304 : memref<1x128xi32, #tpu.memory_space<vmem>> -> memref<128xi32, #tpu.memory_space<vmem>>
        %dma_start3A_306 = arith.constant 0 : i32
        %dma_start3A_307 = arith.constant 0 : i32
        %dma_start3A_308 = tpu.memref_slice %arg2[%dma_start3A_306, %dma_start3A_307] : memref<10000x128xf32, #tpu.memory_space<hbm>> -> memref<10000x128xf32, #tpu.memory_space<hbm>>
        tpu.enqueue_indirect_dma source(%dma_start3A_308 : memref<10000x128xf32, #tpu.memory_space<hbm>>) target(%dma_start3A_302 : memref<128x128xf32, #tpu.memory_space<vmem>>) offsets(%dma_start3A_305 : memref<128xi32, #tpu.memory_space<vmem>>) semaphore(%arg9 : memref<!tpu.dma_semaphore, #tpu.memory_space<semaphore_mem>>)
      } else {
      }
      %add3A_274 = arith.constant 1 : i32
      %add3A_275 = arith.addi %mul3A_254, %add3A_274 : i32
      %dma_wait3A_276 = arith.constant 0 : i32
      %dma_wait3A_277 = arith.constant 1 : i32
      %dma_wait3A_278 = arith.constant 0 : i32
      %dma_wait3A_279 = arith.constant 0 : i32
      %dma_wait3A_280 = tpu.memref_slice %arg7[%dma_wait3A_277, %dma_wait3A_278, %dma_wait3A_279] : memref<2x128x128xf32, #tpu.memory_space<vmem>> -> memref<1x128x128xf32, #tpu.memory_space<vmem>>
      %dma_wait3A_281 = tpu.memref_squeeze %dma_wait3A_280 : memref<1x128x128xf32, #tpu.memory_space<vmem>> -> memref<128x128xf32, #tpu.memory_space<vmem>>
      %dma_wait3A_282 = arith.constant 0 : i32
      %dma_wait3A_283 = tpu.memref_slice %arg5[%dma_wait3A_276, %dma_wait3A_282] : memref<40x128xi32, #tpu.memory_space<vmem>> -> memref<1x128xi32, #tpu.memory_space<vmem>>
      %dma_wait3A_284 = tpu.memref_squeeze %dma_wait3A_283 : memref<1x128xi32, #tpu.memory_space<vmem>> -> memref<128xi32, #tpu.memory_space<vmem>>
      %dma_wait3A_285 = arith.constant 0 : i32
      %dma_wait3A_286 = arith.constant 0 : i32
      %dma_wait3A_287 = tpu.memref_slice %arg2[%dma_wait3A_285, %dma_wait3A_286] : memref<10000x128xf32, #tpu.memory_space<hbm>> -> memref<10000x128xf32, #tpu.memory_space<hbm>>
      tpu.wait_indirect_dma semaphore(%arg10 : memref<!tpu.dma_semaphore, #tpu.memory_space<semaphore_mem>>) src(%dma_wait3A_287 : memref<10000x128xf32, #tpu.memory_space<hbm>>) dst(%dma_wait3A_281 : memref<128x128xf32, #tpu.memory_space<vmem>>)
      %run_scoped3A_288 = arith.constant 1 : i32
      "tpu.region"() ({
        %run_scoped3A_296 = tpu.sem_alloc : memref<!tpu.dma_semaphore, #tpu.memory_space<semaphore_mem>>
        %dma_start3A_297 = arith.constant 0 : i32
        %dma_start3A_298 = arith.constant 0 : i32
        %dma_start3A_299 = tpu.memref_slice %arg7[%run_scoped3A_288, %dma_start3A_297, %dma_start3A_298] : memref<2x128x128xf32, #tpu.memory_space<vmem>> -> memref<1x128x128xf32, #tpu.memory_space<vmem>>
        %dma_start3A_300 = tpu.memref_squeeze %dma_start3A_299 : memref<1x128x128xf32, #tpu.memory_space<vmem>> -> memref<128x128xf32, #tpu.memory_space<vmem>>
        %dma_start3A_301 = arith.constant 0 : i32
        %dma_start3A_302 = tpu.memref_slice %arg6[%add3A_275, %dma_start3A_301] : memref<40x128xi32, #tpu.memory_space<vmem>> -> memref<1x128xi32, #tpu.memory_space<vmem>>
        %dma_start3A_303 = tpu.memref_squeeze %dma_start3A_302 : memref<1x128xi32, #tpu.memory_space<vmem>> -> memref<128xi32, #tpu.memory_space<vmem>>
        %dma_start3A_304 = arith.constant 0 : i32
        %dma_start3A_305 = arith.constant 0 : i32
        %dma_start3A_306 = tpu.memref_slice %arg8[%dma_start3A_304, %dma_start3A_305] : memref<10112x128xf32, #tpu.memory_space<vmem_shared>> -> memref<10112x128xf32, #tpu.memory_space<vmem_shared>>
        tpu.enqueue_indirect_dma source(%dma_start3A_300 : memref<128x128xf32, #tpu.memory_space<vmem>>) target(%dma_start3A_306 : memref<10112x128xf32, #tpu.memory_space<vmem_shared>>) offsets(%dma_start3A_303 : memref<128xi32, #tpu.memory_space<vmem>>) semaphore(%run_scoped3A_296 : memref<!tpu.dma_semaphore, #tpu.memory_space<semaphore_mem>>) {add = true}
        %dma_wait3A_307 = arith.constant 0 : i32
        %dma_wait3A_308 = arith.constant 0 : i32
        %dma_wait3A_309 = tpu.memref_slice %arg7[%run_scoped3A_288, %dma_wait3A_307, %dma_wait3A_308] : memref<2x128x128xf32, #tpu.memory_space<vmem>> -> memref<1x128x128xf32, #tpu.memory_space<vmem>>
        %dma_wait3A_310 = tpu.memref_squeeze %dma_wait3A_309 : memref<1x128x128xf32, #tpu.memory_space<vmem>> -> memref<128x128xf32, #tpu.memory_space<vmem>>
        %dma_wait3A_311 = arith.constant 0 : i32
        %dma_wait3A_312 = tpu.memref_slice %arg6[%add3A_275, %dma_wait3A_311] : memref<40x128xi32, #tpu.memory_space<vmem>> -> memref<1x128xi32, #tpu.memory_space<vmem>>
        %dma_wait3A_313 = tpu.memref_squeeze %dma_wait3A_312 : memref<1x128xi32, #tpu.memory_space<vmem>> -> memref<128xi32, #tpu.memory_space<vmem>>
        %dma_wait3A_314 = arith.constant 0 : i32
        %dma_wait3A_315 = arith.constant 0 : i32
        %dma_wait3A_316 = tpu.memref_slice %arg8[%dma_wait3A_314, %dma_wait3A_315] : memref<10112x128xf32, #tpu.memory_space<vmem_shared>> -> memref<10112x128xf32, #tpu.memory_space<vmem_shared>>
        tpu.wait_indirect_dma semaphore(%run_scoped3A_296 : memref<!tpu.dma_semaphore, #tpu.memory_space<semaphore_mem>>) src(%dma_wait3A_310 : memref<128x128xf32, #tpu.memory_space<vmem>>) dst(%dma_wait3A_316 : memref<10112x128xf32, #tpu.memory_space<vmem_shared>>)
        tpu.yield
      }) : () -> ()
      %add3A_289 = arith.constant 2 : i32
      %add3A_290 = arith.addi %add3A_275, %add3A_289 : i32
      %lt3A_291 = arith.constant 40 : i32
      %lt3A_292 = arith.cmpi slt, %add3A_290, %lt3A_291 : i32
      %convert_element_type3A_293 = arith.extui %lt3A_292 : i1 to i32
      %cond3A_294 = arith.constant 0 : i32
      %cond3A_295 = arith.cmpi ne, %convert_element_type3A_293, %cond3A_294 : i32
      scf.if %cond3A_295 {
        %add3A_296 = arith.constant 2 : i32
        %add3A_297 = arith.addi %add3A_275, %add3A_296 : i32
        %dma_start3A_298 = arith.constant 1 : i32
        %dma_start3A_299 = arith.constant 0 : i32
        %dma_start3A_300 = arith.constant 0 : i32
        %dma_start3A_301 = tpu.memref_slice %arg7[%dma_start3A_298, %dma_start3A_299, %dma_start3A_300] : memref<2x128x128xf32, #tpu.memory_space<vmem>> -> memref<1x128x128xf32, #tpu.memory_space<vmem>>
        %dma_start3A_302 = tpu.memref_squeeze %dma_start3A_301 : memref<1x128x128xf32, #tpu.memory_space<vmem>> -> memref<128x128xf32, #tpu.memory_space<vmem>>
        %dma_start3A_303 = arith.constant 0 : i32
        %dma_start3A_304 = tpu.memref_slice %arg5[%add3A_297, %dma_start3A_303] : memref<40x128xi32, #tpu.memory_space<vmem>> -> memref<1x128xi32, #tpu.memory_space<vmem>>
        %dma_start3A_305 = tpu.memref_squeeze %dma_start3A_304 : memref<1x128xi32, #tpu.memory_space<vmem>> -> memref<128xi32, #tpu.memory_space<vmem>>
        %dma_start3A_306 = arith.constant 0 : i32
        %dma_start3A_307 = arith.constant 0 : i32
        %dma_start3A_308 = tpu.memref_slice %arg2[%dma_start3A_306, %dma_start3A_307] : memref<10000x128xf32, #tpu.memory_space<hbm>> -> memref<10000x128xf32, #tpu.memory_space<hbm>>
        tpu.enqueue_indirect_dma source(%dma_start3A_308 : memref<10000x128xf32, #tpu.memory_space<hbm>>) target(%dma_start3A_302 : memref<128x128xf32, #tpu.memory_space<vmem>>) offsets(%dma_start3A_305 : memref<128xi32, #tpu.memory_space<vmem>>) semaphore(%arg10 : memref<!tpu.dma_semaphore, #tpu.memory_space<semaphore_mem>>)
      } else {
      }
    }
    %scan3A_246 = arith.constant 20 : i32
    %barrier3A_247 = arith.constant 0 : index
    tpu.barrier barrier_id(%barrier3A_247)
    "tpu.region"() ({
      %run_scoped3A_248 = tpu.sem_alloc : memref<!tpu.dma_semaphore, #tpu.memory_space<semaphore_mem>>
      %dma_start3A_249 = arith.constant 0 : i32
      %dma_start3A_250 = tpu.memref_slice %arg4[%arg0, %mul3A_45, %dma_start3A_249] : memref<2x10112x128xf32, #tpu.memory_space<hbm>> -> memref<1x632x128xf32, #tpu.memory_space<hbm>>
      %dma_start3A_251 = tpu.memref_squeeze %dma_start3A_250 : memref<1x632x128xf32, #tpu.memory_space<hbm>> -> memref<632x128xf32, #tpu.memory_space<hbm>>
      %dma_start3A_252 = arith.constant 0 : i32
      %dma_start3A_253 = tpu.memref_slice %arg8[%mul3A_45, %dma_start3A_252] : memref<10112x128xf32, #tpu.memory_space<vmem_shared>> -> memref<632x128xf32, #tpu.memory_space<vmem_shared>>
      tpu.enqueue_dma source(%dma_start3A_253 : memref<632x128xf32, #tpu.memory_space<vmem_shared>>) target(%dma_start3A_251 : memref<632x128xf32, #tpu.memory_space<hbm>>) target_semaphore(%run_scoped3A_248 : memref<!tpu.dma_semaphore, #tpu.memory_space<semaphore_mem>>)
      %dma_wait3A_254 = arith.constant 0 : i32
      %dma_wait3A_255 = tpu.memref_slice %arg4[%arg0, %mul3A_45, %dma_wait3A_254] : memref<2x10112x128xf32, #tpu.memory_space<hbm>> -> memref<1x632x128xf32, #tpu.memory_space<hbm>>
      %dma_wait3A_256 = tpu.memref_squeeze %dma_wait3A_255 : memref<1x632x128xf32, #tpu.memory_space<hbm>> -> memref<632x128xf32, #tpu.memory_space<hbm>>
      %dma_wait3A_257 = arith.constant 0 : i32
      %dma_wait3A_258 = tpu.memref_slice %arg8[%mul3A_45, %dma_wait3A_257] : memref<10112x128xf32, #tpu.memory_space<vmem_shared>> -> memref<632x128xf32, #tpu.memory_space<vmem_shared>>
      tpu.wait_dma2 semaphore(%run_scoped3A_248 : memref<!tpu.dma_semaphore, #tpu.memory_space<semaphore_mem>>) src(%dma_wait3A_258 : memref<632x128xf32, #tpu.memory_space<vmem_shared>>) dst(%dma_wait3A_256 : memref<632x128xf32, #tpu.memory_space<hbm>>)
      tpu.yield
    }) : () -> ()
    return
  }
}

module attributes {stable_mosaic.version = 14 : i64} {
  func.func @_root_body(%arg0: i32, %arg1: memref<2000x128xf32, #tpu.memory_space<vmem>>, %arg2: memref<128x128xf32, #tpu.memory_space<vmem>>, %arg3: memref<1x128xf32, #tpu.memory_space<vmem>>, %arg4: memref<2000x128xf32, #tpu.memory_space<vmem>>) attributes {dimension_semantics = [#tpu.dimension_semantics<arbitrary>], iteration_bounds = array<i64: 5>, scalar_prefetch = 0 : i64, scratch_operands = 0 : i64, tpu.core_type = #tpu.core_type<tc>, window_params = [{transform_indices = @transform_0, window_bounds = array<i64: 2000, 128>}, {pipeline_mode = #tpu.pipeline_mode<synchronous>, transform_indices = @transform_1, window_bounds = array<i64: 128, 128>}, {pipeline_mode = #tpu.pipeline_mode<synchronous>, transform_indices = @transform_2, window_bounds = array<i64: 1, 128>}, {transform_indices = @transform_3, window_bounds = array<i64: 2000, 128>}]} {
    %get3A = arith.constant 0 : index
    %get3A_0 = arith.constant 0 : index
    %get3A_1 = vector.load %arg1[%get3A, %get3A_0] : memref<2000x128xf32, #tpu.memory_space<vmem>>, vector<2000x128xf32>
    %get3A_2 = arith.constant 0 : index
    %get3A_3 = arith.constant 0 : index
    %get3A_4 = vector.load %arg2[%get3A_2, %get3A_3] : memref<128x128xf32, #tpu.memory_space<vmem>>, vector<128x128xf32>
    %dot_general3A = arith.constant dense<0.000000e+00> : vector<2000x128xf32>
    %dot_general3A_5 = tpu.matmul %get3A_1, %get3A_4, %dot_general3A {dimension_numbers = #tpu.dot_dimension_numbers<[1], [1], [0], [0], [0, 0, 1, 0], [], []>, transpose_lhs_hint = false} : vector<2000x128xf32>, vector<128x128xf32>, vector<2000x128xf32> -> vector<2000x128xf32>
    %get3A_6 = arith.constant 0 : index
    %get3A_7 = arith.constant 0 : index
    %get3A_8 = vector.load %arg3[%get3A_6, %get3A_7] : memref<1x128xf32, #tpu.memory_space<vmem>>, vector<1x128xf32>
    %add3A = vector.broadcast %get3A_8 : vector<1x128xf32> to vector<2000x128xf32>
    %add3A_9 = arith.addf %dot_general3A_5, %add3A : vector<2000x128xf32>
    %swap3A = arith.constant 0 : index
    %swap3A_10 = arith.constant 0 : index
    %swap3A_11 = vector.load %arg4[%swap3A, %swap3A_10] : memref<2000x128xf32, #tpu.memory_space<vmem>>, vector<2000x128xf32>
    tpu.vector_store %arg4[%swap3A, %swap3A_10], %add3A_9 {strides = array<i32>} : memref<2000x128xf32, #tpu.memory_space<vmem>>, vector<2000x128xf32>,
    return
  }
  func.func @transform_0(%arg0: i32) -> (i32, i32) {
    %c0_i32 = arith.constant 0 : i32
    %c0_i32_0 = arith.constant 0 : i32
    return %arg0, %c0_i32 : i32, i32
  }
  func.func @transform_1(%arg0: i32) -> (i32, i32) {
    %c0_i32 = arith.constant 0 : i32
    %c0_i32_0 = arith.constant 0 : i32
    %c0_i32_1 = arith.constant 0 : i32
    return %c0_i32, %c0_i32_0 : i32, i32
  }
  func.func @transform_2(%arg0: i32) -> (i32, i32) {
    %c0_i32 = arith.constant 0 : i32
    %c0_i32_0 = arith.constant 0 : i32
    %c0_i32_1 = arith.constant 0 : i32
    return %c0_i32, %c0_i32_0 : i32, i32
  }
  func.func @transform_3(%arg0: i32) -> (i32, i32) {
    %c0_i32 = arith.constant 0 : i32
    %c0_i32_0 = arith.constant 0 : i32
    return %arg0, %c0_i32 : i32, i32
  }
}

module attributes {stable_mosaic.version = 14 : i64} {
  func.func @_combine2_body(%arg0: i32, %arg1: memref<2x2000x128xf32, #tpu.memory_space<vmem>>, %arg2: memref<2000x128xf32, #tpu.memory_space<vmem>>, %arg3: memref<128x128xf32, #tpu.memory_space<vmem>>, %arg4: memref<128x64xf32, #tpu.memory_space<vmem>>, %arg5: memref<1x64xf32, #tpu.memory_space<vmem>>, %arg6: memref<64x1xf32, #tpu.memory_space<vmem>>, %arg7: memref<1x1xf32, #tpu.memory_space<vmem>>, %arg8: memref<2000x1xf32, #tpu.memory_space<vmem>>) attributes {dimension_semantics = [#tpu.dimension_semantics<arbitrary>], iteration_bounds = array<i64: 5>, scalar_prefetch = 0 : i64, scratch_operands = 0 : i64, tpu.core_type = #tpu.core_type<tc>, window_params = [{transform_indices = @transform_0, window_bounds = array<i64: 2, 2000, 128>}, {transform_indices = @transform_1, window_bounds = array<i64: 2000, 128>}, {pipeline_mode = #tpu.pipeline_mode<synchronous>, transform_indices = @transform_2, window_bounds = array<i64: 128, 128>}, {pipeline_mode = #tpu.pipeline_mode<synchronous>, transform_indices = @transform_3, window_bounds = array<i64: 128, 64>}, {pipeline_mode = #tpu.pipeline_mode<synchronous>, transform_indices = @transform_4, window_bounds = array<i64: 1, 64>}, {pipeline_mode = #tpu.pipeline_mode<synchronous>, transform_indices = @transform_5, window_bounds = array<i64: 64, 1>}, {pipeline_mode = #tpu.pipeline_mode<synchronous>, transform_indices = @transform_6, window_bounds = array<i64: 1, 1>}, {transform_indices = @transform_7, window_bounds = array<i64: 2000, 1>}]} {
    %get3A = arith.constant 0 : index
    %get3A_0 = arith.constant 0 : index
    %get3A_1 = arith.constant 0 : index
    %get3A_2 = vector.load %arg1[%get3A, %get3A_0, %get3A_1] : memref<2x2000x128xf32, #tpu.memory_space<vmem>>, vector<1x2000x128xf32>
    %get3A_3 = vector.shape_cast %get3A_2 : vector<1x2000x128xf32> to vector<2000x128xf32>
    %get3A_4 = arith.constant 1 : index
    %get3A_5 = arith.constant 0 : index
    %get3A_6 = arith.constant 0 : index
    %get3A_7 = vector.load %arg1[%get3A_4, %get3A_5, %get3A_6] : memref<2x2000x128xf32, #tpu.memory_space<vmem>>, vector<1x2000x128xf32>
    %get3A_8 = vector.shape_cast %get3A_7 : vector<1x2000x128xf32> to vector<2000x128xf32>
    %add3A = arith.addf %get3A_3, %get3A_8 : vector<2000x128xf32>
    %get3A_9 = arith.constant 0 : index
    %get3A_10 = arith.constant 0 : index
    %get3A_11 = vector.load %arg3[%get3A_9, %get3A_10] : memref<128x128xf32, #tpu.memory_space<vmem>>, vector<128x128xf32>
    %dot_general3A = arith.constant dense<0.000000e+00> : vector<2000x128xf32>
    %dot_general3A_12 = tpu.matmul %add3A, %get3A_11, %dot_general3A {dimension_numbers = #tpu.dot_dimension_numbers<[1], [1], [0], [0], [0, 0, 1, 0], [], []>, transpose_lhs_hint = false} : vector<2000x128xf32>, vector<128x128xf32>, vector<2000x128xf32> -> vector<2000x128xf32>
    %get3A_13 = arith.constant 0 : index
    %get3A_14 = arith.constant 0 : index
    %get3A_15 = vector.load %arg2[%get3A_13, %get3A_14] : memref<2000x128xf32, #tpu.memory_space<vmem>>, vector<2000x128xf32>
    %add3A_16 = arith.addf %dot_general3A_12, %get3A_15 : vector<2000x128xf32>
    %max3A = arith.constant 0.000000e+00 : f32
    %max3A_17 = vector.broadcast %max3A : f32 to vector<2000x128xf32>
    %max3A_18 = arith.maximumf %add3A_16, %max3A_17 : vector<2000x128xf32>
    %get3A_19 = arith.constant 0 : index
    %get3A_20 = arith.constant 0 : index
    %get3A_21 = vector.load %arg4[%get3A_19, %get3A_20] : memref<128x64xf32, #tpu.memory_space<vmem>>, vector<128x64xf32>
    %dot_general3A_22 = arith.constant dense<0.000000e+00> : vector<2000x64xf32>
    %dot_general3A_23 = tpu.matmul %max3A_18, %get3A_21, %dot_general3A_22 {dimension_numbers = #tpu.dot_dimension_numbers<[1], [0], [0], [1], [0, 0, 1, 1], [], []>, transpose_lhs_hint = false} : vector<2000x128xf32>, vector<128x64xf32>, vector<2000x64xf32> -> vector<2000x64xf32>
    %get3A_24 = arith.constant 0 : index
    %get3A_25 = arith.constant 0 : index
    %get3A_26 = vector.load %arg5[%get3A_24, %get3A_25] : memref<1x64xf32, #tpu.memory_space<vmem>>, vector<1x64xf32>
    %add3A_27 = vector.broadcast %get3A_26 : vector<1x64xf32> to vector<2000x64xf32>
    %add3A_28 = arith.addf %dot_general3A_23, %add3A_27 : vector<2000x64xf32>
    %max3A_29 = arith.constant 0.000000e+00 : f32
    %max3A_30 = vector.broadcast %max3A_29 : f32 to vector<2000x64xf32>
    %max3A_31 = arith.maximumf %add3A_28, %max3A_30 : vector<2000x64xf32>
    %get3A_32 = arith.constant 0 : index
    %get3A_33 = arith.constant 0 : index
    %get3A_34 = vector.load %arg6[%get3A_32, %get3A_33] : memref<64x1xf32, #tpu.memory_space<vmem>>, vector<64x1xf32>
    %dot_general3A_35 = arith.constant dense<0.000000e+00> : vector<2000x1xf32>
    %dot_general3A_36 = tpu.matmul %max3A_31, %get3A_34, %dot_general3A_35 {dimension_numbers = #tpu.dot_dimension_numbers<[1], [0], [0], [1], [0, 0, 1, 1], [], []>, transpose_lhs_hint = false} : vector<2000x64xf32>, vector<64x1xf32>, vector<2000x1xf32> -> vector<2000x1xf32>
    %get3A_37 = arith.constant 0 : index
    %get3A_38 = arith.constant 0 : index
    %get3A_39 = vector.load %arg7[%get3A_37, %get3A_38] : memref<1x1xf32, #tpu.memory_space<vmem>>, vector<1x1xf32>
    %add3A_40 = vector.broadcast %get3A_39 : vector<1x1xf32> to vector<2000x1xf32>
    %add3A_41 = arith.addf %dot_general3A_36, %add3A_40 : vector<2000x1xf32>
    %swap3A = arith.constant 0 : index
    %swap3A_42 = arith.constant 0 : index
    %swap3A_43 = vector.load %arg8[%swap3A, %swap3A_42] : memref<2000x1xf32, #tpu.memory_space<vmem>>, vector<2000x1xf32>
    tpu.vector_store %arg8[%swap3A, %swap3A_42], %add3A_41 {strides = array<i32>} : memref<2000x1xf32, #tpu.memory_space<vmem>>, vector<2000x1xf32>,
    return
  }
  func.func @transform_0(%arg0: i32) -> (i32, i32, i32) {
    %c0_i32 = arith.constant 0 : i32
    %c0_i32_0 = arith.constant 0 : i32
    %c0_i32_1 = arith.constant 0 : i32
    return %c0_i32, %arg0, %c0_i32_0 : i32, i32, i32
  }
  func.func @transform_1(%arg0: i32) -> (i32, i32) {
    %c0_i32 = arith.constant 0 : i32
    %c0_i32_0 = arith.constant 0 : i32
    return %arg0, %c0_i32 : i32, i32
  }
  func.func @transform_2(%arg0: i32) -> (i32, i32) {
    %c0_i32 = arith.constant 0 : i32
    %c0_i32_0 = arith.constant 0 : i32
    %c0_i32_1 = arith.constant 0 : i32
    return %c0_i32, %c0_i32_0 : i32, i32
  }
  func.func @transform_3(%arg0: i32) -> (i32, i32) {
    %c0_i32 = arith.constant 0 : i32
    %c0_i32_0 = arith.constant 0 : i32
    %c0_i32_1 = arith.constant 0 : i32
    return %c0_i32, %c0_i32_0 : i32, i32
  }
  func.func @transform_4(%arg0: i32) -> (i32, i32) {
    %c0_i32 = arith.constant 0 : i32
    %c0_i32_0 = arith.constant 0 : i32
    %c0_i32_1 = arith.constant 0 : i32
    return %c0_i32, %c0_i32_0 : i32, i32
  }
  func.func @transform_5(%arg0: i32) -> (i32, i32) {
    %c0_i32 = arith.constant 0 : i32
    %c0_i32_0 = arith.constant 0 : i32
    %c0_i32_1 = arith.constant 0 : i32
    return %c0_i32, %c0_i32_0 : i32, i32
  }
  func.func @transform_6(%arg0: i32) -> (i32, i32) {
    %c0_i32 = arith.constant 0 : i32
    %c0_i32_0 = arith.constant 0 : i32
    %c0_i32_1 = arith.constant 0 : i32
    return %c0_i32, %c0_i32_0 : i32, i32
  }
  func.func @transform_7(%arg0: i32) -> (i32, i32) {
    %c0_i32 = arith.constant 0 : i32
    %c0_i32_0 = arith.constant 0 : i32
    return %arg0, %c0_i32 : i32, i32
  }
}

module attributes {stable_mosaic.version = 14 : i64} {
  func.func @_combine1_body(%arg0: i32, %arg1: memref<2x2000x128xf32, #tpu.memory_space<vmem>>, %arg2: memref<2000x128xf32, #tpu.memory_space<vmem>>, %arg3: memref<128x128xf32, #tpu.memory_space<vmem>>, %arg4: memref<2000x128xf32, #tpu.memory_space<vmem>>) attributes {dimension_semantics = [#tpu.dimension_semantics<arbitrary>], iteration_bounds = array<i64: 5>, scalar_prefetch = 0 : i64, scratch_operands = 0 : i64, tpu.core_type = #tpu.core_type<tc>, window_params = [{transform_indices = @transform_0, window_bounds = array<i64: 2, 2000, 128>}, {transform_indices = @transform_1, window_bounds = array<i64: 2000, 128>}, {pipeline_mode = #tpu.pipeline_mode<synchronous>, transform_indices = @transform_2, window_bounds = array<i64: 128, 128>}, {transform_indices = @transform_3, window_bounds = array<i64: 2000, 128>}]} {
    %get3A = arith.constant 0 : index
    %get3A_0 = arith.constant 0 : index
    %get3A_1 = arith.constant 0 : index
    %get3A_2 = vector.load %arg1[%get3A, %get3A_0, %get3A_1] : memref<2x2000x128xf32, #tpu.memory_space<vmem>>, vector<1x2000x128xf32>
    %get3A_3 = vector.shape_cast %get3A_2 : vector<1x2000x128xf32> to vector<2000x128xf32>
    %get3A_4 = arith.constant 1 : index
    %get3A_5 = arith.constant 0 : index
    %get3A_6 = arith.constant 0 : index
    %get3A_7 = vector.load %arg1[%get3A_4, %get3A_5, %get3A_6] : memref<2x2000x128xf32, #tpu.memory_space<vmem>>, vector<1x2000x128xf32>
    %get3A_8 = vector.shape_cast %get3A_7 : vector<1x2000x128xf32> to vector<2000x128xf32>
    %add3A = arith.addf %get3A_3, %get3A_8 : vector<2000x128xf32>
    %get3A_9 = arith.constant 0 : index
    %get3A_10 = arith.constant 0 : index
    %get3A_11 = vector.load %arg3[%get3A_9, %get3A_10] : memref<128x128xf32, #tpu.memory_space<vmem>>, vector<128x128xf32>
    %dot_general3A = arith.constant dense<0.000000e+00> : vector<2000x128xf32>
    %dot_general3A_12 = tpu.matmul %add3A, %get3A_11, %dot_general3A {dimension_numbers = #tpu.dot_dimension_numbers<[1], [1], [0], [0], [0, 0, 1, 0], [], []>, transpose_lhs_hint = false} : vector<2000x128xf32>, vector<128x128xf32>, vector<2000x128xf32> -> vector<2000x128xf32>
    %get3A_13 = arith.constant 0 : index
    %get3A_14 = arith.constant 0 : index
    %get3A_15 = vector.load %arg2[%get3A_13, %get3A_14] : memref<2000x128xf32, #tpu.memory_space<vmem>>, vector<2000x128xf32>
    %add3A_16 = arith.addf %dot_general3A_12, %get3A_15 : vector<2000x128xf32>
    %max3A = arith.constant 0.000000e+00 : f32
    %max3A_17 = vector.broadcast %max3A : f32 to vector<2000x128xf32>
    %max3A_18 = arith.maximumf %add3A_16, %max3A_17 : vector<2000x128xf32>
    %swap3A = arith.constant 0 : index
    %swap3A_19 = arith.constant 0 : index
    %swap3A_20 = vector.load %arg4[%swap3A, %swap3A_19] : memref<2000x128xf32, #tpu.memory_space<vmem>>, vector<2000x128xf32>
    tpu.vector_store %arg4[%swap3A, %swap3A_19], %max3A_18 {strides = array<i32>} : memref<2000x128xf32, #tpu.memory_space<vmem>>, vector<2000x128xf32>,
    return
  }
  func.func @transform_0(%arg0: i32) -> (i32, i32, i32) {
    %c0_i32 = arith.constant 0 : i32
    %c0_i32_0 = arith.constant 0 : i32
    %c0_i32_1 = arith.constant 0 : i32
    return %c0_i32, %arg0, %c0_i32_0 : i32, i32, i32
  }
  func.func @transform_1(%arg0: i32) -> (i32, i32) {
    %c0_i32 = arith.constant 0 : i32
    %c0_i32_0 = arith.constant 0 : i32
    return %arg0, %c0_i32 : i32, i32
  }
  func.func @transform_2(%arg0: i32) -> (i32, i32) {
    %c0_i32 = arith.constant 0 : i32
    %c0_i32_0 = arith.constant 0 : i32
    %c0_i32_1 = arith.constant 0 : i32
    return %c0_i32, %c0_i32_0 : i32, i32
  }
  func.func @transform_3(%arg0: i32) -> (i32, i32) {
    %c0_i32 = arith.constant 0 : i32
    %c0_i32_0 = arith.constant 0 : i32
    return %arg0, %c0_i32 : i32, i32
  }
}

</mosaic_0001>

<sc_bundles>
// kernel: kernel.11.cloned.1.call-start
scs
__scs_entry_jumppad:
0x0: {  	(pc) =	sbr.rel $0x88, $3  }
0x1: {  	(tag) =	ssettag $0x0;
	lr =	simm.s32 $0x1  }
0x2: {  	[smem:$0x3F95] =	sst lr;
	_ =	strace $0xD0000000  }
0x3: {  	_ = 	snop  }
0x4: {  	_ = 	snop  }
0x5: {  	_ = 	snop  }
0x6: {  	_ = 	snop  }
0x7: {  	_ = 	snop  }
__scs_overlays_trampoline_lowered:
0x8: {  	[smem:$0x3FA4] =	sst s0  }
0x9: {  	[smem:$0x3FA5] =	sst s1  }
0xa: {  	[smem:$0x3FA6] =	sst s2  }
0xb: {  	[smem:$0x3FA7] =	sst s3  }
0xc: {  	[smem:$0x3FA8] =	sst s4  }
0xd: {  	[smem:$0x3FA9] =	sst s5  }
0xe: {  	[smem:$0x3FAA] =	sst s6  }
0xf: {  	[smem:$0x3FAB] =	sst s7  }
0x10: {  	[smem:$0x3FAC] =	sst s8  }
0x11: {  	[smem:$0x3FAD] =	sst s9;
	s0 =	simm.s32 @!p0 $0x0  }
0x12: {  	s1 =	sld [smem:$0x3F93];
	s0 =	simm.s32 @p0 $0x1  }
0x13: {  	[smem:$0x3FAE] =	sst s0;
	s0 =	simm.s32 @!p1 $0x0  }
0x14: {  	s2 =	sld [smem:$0x3F92];
	s0 =	simm.s32 @p1 $0x1  }
0x15: {  	[smem:$0x3FAF] =	sst s0;
	s0 =	simm.s32 @!p2 $0x0  }
0x16: {  	s3 =	sld [smem:$0x3FDB];
	s0 =	simm.s32 @p2 $0x1  }
0x17: {  	s4 =	simm.s32 $0x1BF5;
	[smem:$0x3FB1] =	sst s0  }
0x18: {  	s0 =	sld [smem:$0x3F94];
	_ =	swait.ge [sflag:s4], $0x0  }
0x19: {  	s7 =	sld [smem:$0x3F95]  }
0x1a: {  	s8 =	sadd.s32 $0xFFFFE003, lr  }
0x1b: {  	s9 =	sadd.s32 $0xFFFFFEF7, lr;
	s5 =	simm.s32 $0xFFFFFFFF;
	p2 =	slt.u32 s8, $0xFFFFF086  }
0x1c: {  	p1 =	slt.u32 s9, $0xF7A;
	s5 =	simm.s32 @!p2 $0x0  }
0x1d: {  	s5 =	simm.s32 @p1 $0x1;
	p0 =	seq.s32 s7, s2  }
0x1e: {  	s7 =	smul.u32 @!p0 $0xF7A, s2;
	p2 =	seq.s32 @!p0 s5, $0x0  }
0x1f: {  	s9 =	smul.u32 $0xF7A, s1;
	s8 =	simm.s32 @!p0 $0x1BF5;
	p2 =	por !p2, p0  }
0x20: {  	[sflag:s8] =	ssyncset.s32 @!p0 $0xFFFFF086;
	s6 =	sadd.s32 @!p0 s3, s7;
	s7 =	simm.s32 @!p0 $0x108  }
0x21: {  	s3 =	sadd.s32 s3, s9;
	s6 =	sadd.s32 @!p0 $0x88, s6;
	s7 =	simm.s32 @p2 $0x1082  }
0x22: {  	[simem:s7], [sflag:s8] =	dma.local @!p0 [hbm:s6], $0xF7A  }
0x23: {  	s9 =	sor.u32 $0xD0000000, s2;
	s6 =	simm.s32 $0x108;
	_ =	swait.ge @!p0 [sflag:s8], $0x0  }
0x24: {  	s3 =	sadd.s32 $0x88, s3;
	s6 =	simm.s32 @!p1 $0x1082;
	[sflag:s4] =	ssyncset.s32 $0xFFFFF086  }
0x25: {  	[simem:s6], [sflag:s4] =	dma.local [hbm:s3], $0xF7A  }
0x26: {  	[smem:$0x3F95] =	sst s1;
	(tag) =	ssettag s2;
	_ =	strace s9  }
0x27: {  	s1 =	sld [smem:$0x3FA5]  }
0x28: {  	s2 =	sld [smem:$0x3FA6]  }
0x29: {  	s4 =	sld [smem:$0x3FA8]  }
0x2a: {  	p0 =	seq.s32 s5, $0x0;
	s5 =	sld [smem:$0x3FA9]  }
0x2b: {  	s6 =	sld [smem:$0x3FAA]  }
0x2c: {  	s7 =	sld [smem:$0x3FAB]  }
0x2d: {  	s3 =	simm.s32 $0x108;
	s8 =	sld [smem:$0x3FAC]  }
0x2e: {  	s3 =	simm.s32 @!p0 $0x1082;
	s9 =	sld [smem:$0x3FAD]  }
0x2f: {  	lr =	sadd.s32 s0, s3;
	s0 =	sld [smem:$0x3FA4]  }
0x30: {  	s3 =	sld [smem:$0x3FA7]  }
0x31: {  	[smem:$0x3FB0] =	sst s10  }
0x32: {  	s10 =	sld [smem:$0x3FAE];
	_ =	sdelay $0x3  }
0x33: {  	p0 =	seq.s32 s10, $0x1;
	s10 =	sld [smem:$0x3FB0];
	_ =	sdelay $0x3  }
0x34: {  	[smem:$0x3FB0] =	sst s10  }
0x35: {  	s10 =	sld [smem:$0x3FAF];
	_ =	sdelay $0x3  }
0x36: {  	p1 =	seq.s32 s10, $0x1;
	s10 =	sld [smem:$0x3FB0];
	_ =	sdelay $0x3  }
0x37: {  	[smem:$0x3FB0] =	sst s10  }
0x38: {  	s10 =	sld [smem:$0x3FB1]  }
0x39: {  	_ = 	snop;
	(pc) =	sbr.ind lr, $3  }
0x3a: {  	_ = 	snop  }
0x3b: {  	_ = 	snop  }
0x3c: {  	p2 =	seq.s32 s10, $0x1;
	s10 =	sld [smem:$0x3FB0]  }
0x3d: {  	_ =	shalt  }
0x3e: {  	_ =	shalt  }
0x3f: {  	_ =	shalt  }
0x40: {  	_ =	shalt  }
0x41: {  	_ =	shalt  }
0x42: {  	_ =	shalt  }
0x43: {  	_ =	shalt  }
0x44: {  	_ =	shalt  }
0x45: {  	_ =	shalt  }
0x46: {  	_ =	shalt  }
0x47: {  	_ =	shalt  }
0x48: {  	_ =	shalt  }
0x49: {  	_ =	shalt  }
0x4a: {  	_ =	shalt  }
0x4b: {  	_ =	shalt  }
0x4c: {  	_ =	shalt  }
0x4d: {  	_ =	shalt  }
0x4e: {  	_ =	shalt  }
0x4f: {  	_ =	shalt  }
0x50: {  	_ =	shalt  }
0x51: {  	_ =	shalt  }
0x52: {  	_ =	shalt  }
0x53: {  	_ =	shalt  }
0x54: {  	_ =	shalt  }
0x55: {  	_ =	shalt  }
0x56: {  	_ =	shalt  }
0x57: {  	_ =	shalt  }
0x58: {  	_ =	shalt  }
0x59: {  	_ =	shalt  }
0x5a: {  	_ =	shalt  }
0x5b: {  	_ =	shalt  }
0x5c: {  	_ =	shalt  }
0x5d: {  	_ =	shalt  }
0x5e: {  	_ =	shalt  }
0x5f: {  	_ =	shalt  }
0x60: {  	_ =	shalt  }
0x61: {  	_ =	shalt  }
0x62: {  	_ =	shalt  }
0x63: {  	_ =	shalt  }
0x64: {  	_ =	shalt  }
0x65: {  	_ =	shalt  }
0x66: {  	_ =	shalt  }
0x67: {  	_ =	shalt  }
0x68: {  	_ =	shalt  }
0x69: {  	_ =	shalt  }
0x6a: {  	_ =	shalt  }
0x6b: {  	_ =	shalt  }
0x6c: {  	_ =	shalt  }
0x6d: {  	_ =	shalt  }
0x6e: {  	_ =	shalt  }
0x6f: {  	_ =	shalt  }
0x70: {  	_ =	shalt  }
0x71: {  	_ =	shalt  }
0x72: {  	_ =	shalt  }
0x73: {  	_ =	shalt  }
0x74: {  	_ =	shalt  }
0x75: {  	_ =	shalt  }
0x76: {  	_ =	shalt  }
0x77: {  	_ =	shalt  }
0x78: {  	_ =	shalt  }
0x79: {  	_ =	shalt  }
0x7a: {  	_ =	shalt  }
0x7b: {  	_ =	shalt  }
0x7c: {  	_ =	shalt  }
0x7d: {  	_ =	shalt  }
0x7e: {  	_ =	shalt  }
0x7f: {  	_ =	shalt  }
0x80: {  	_ =	shalt  }
0x81: {  	_ =	shalt  }
0x82: {  	_ =	shalt  }
0x83: {  	_ =	shalt  }
0x84: {  	_ =	shalt  }
0x85: {  	_ =	shalt  }
0x86: {  	_ =	shalt  }
0x87: {  	_ =	shalt  }
.Lfunc_end0:
.L_simem_size_0:
called_computation.1_lowered:
.L_overlay_start_0:
0x88: {  	s2 =	sld [smem:$0x3FD9]  }
0x89: {  	s3 =	sld [smem:$0x3FFE];
	_ =	sdelay $0x1  }
0x8a: {  	s1 =	srdreg.scid  }
0x8b: {  	s0 =	sand.u32 $0x1, s1  }
0x8c: {  	s16 =	sshll.u32 s0, $0xA;
	s2 =	sadd.s32 s3, s2  }
0x8d: {  	s2 =	sadd.s32 s2, s16  }
0x8e: {  	[smem:$0x3FBC] =	sst s2  }
0x8f: {  	_ = 	snop  }
0x90: {  	(tm) =	ssettm $0x1  }
0x91: {  	s17 =	sld [smem:$0x3FFB];
	_ =	sdelay $0x3  }
0x92: {  	_ =	strace s17  }
0x93: {  	s2 =	sld [smem:$0x3FFC];
	_ =	sdelay $0x3  }
0x94: {  	_ =	strace s2  }
0x95: {  	s2 =	sld [smem:$0x3FFD];
	_ =	sdelay $0x3  }
0x96: {  	_ =	strace s2  }
0x97: {  	_ =	strace $0x8FFFFFFF  }
0x98: {  	s18 =	sld [smem:$0x3FDB];
	_ =	sdelay $0x1  }
0x99: {  	s19 =	simm.s32 $_scs_section_size  }
0x9a: {  	s4 =	simm.s32 $_size__tile_overlayer_lowered;
	s5 =	simm.s32 $_tile_overlayer_lowered  }
0x9b: {  	s22 =	simm.s32 $0x1BFF;
	s21 =	sshll.u32 s5, $0x1;
	s2 =	sadd.s32 s19, s18  }
0x9c: {  	s6 =	simm.s32 $0x0;
	s20 =	sshll.u32 s4, $0x1;
	s4 =	sadd.s32 s21, s2  }
0x9d: {  	[timem:s6], [sflag:s22] =	dma.local [hbm:s4], s20  }
0x9e: {  	_ =	swait.ge [sflag:s22], s20  }
0x9f: {  	s3 =	ssub.s32 $0x0, s20;
	[sflag:s22] =	ssyncset.done $0x0  }
0xa0: {  	[sflag:s22] =	ssyncadd.s32 s3;
	_ =	sdelay $0x1  }
0xa1: {  	s23 =	simm.s32 $0x1B8B  }
0xa2: {  	_ =	swait.ge [sflag:s23], $0x1  }
0xa3: {  	[sflag:s23] =	ssyncset.done $0x0  }
0xa4: {  	s25 =	simm.s32 $0x1B8E;
	s24 =	sld [smem:$0x3FFE];
	[sflag:s23] =	ssyncadd.s32 $0xFFFFFFFF  }
0xa5: {  	s26 =	simm.s32 $execute0_lowered;
	[smem:$0x3FD2] =	sst s25  }
0xa6: {  	s4 =	sshll.u32 s26, $0x1;
	_ =	strace $0x80000049;
	[dreg:$0x1] =	wrdreg $0xFFFFFFFF  }
0xa7: {  	s28 =	simm.s32 $_size_execute0_lowered;
	s2 =	sadd.s32 s2, s4;
	[dreg:$0x0] =	wrdreg $0x0  }
0xa8: {  	s4 =	sshll.u32 s28, $0x1;
	[dreg:$0x2] =	wrdreg s2  }
0xa9: {  	[dreg:$0x3] =	wrdreg s4  }
0xaa: {  	[dreg:$0x4] =	wrdreg $0xC0  }
0xab: {  	_ =	task [dreg:s6], $0x5FFFF  }
0xac: {  	[dreg:$0x1] =	wrdreg $0xFFFFFFFF  }
0xad: {  	[dreg:$0x0] =	wrdreg $0x60  }
0xae: {  	[dreg:$0x2] =	wrdreg s24  }
0xaf: {  	[dreg:$0x3] =	wrdreg $0xA8000  }
0xb0: {  	[dreg:$0x4] =	wrdreg $0x9  }
0xb1: {  	_ =	task.clear_ibuf [dreg:s6], $0x5FFFF;
	_ =	strace $0x90000049  }
0xb2: {  	s29 =	simm.s32 $0x9;
	_ =	strace $0x8000004B  }
0xb3: {  	_ =	swait.ge [sflag:s29], $0x1  }
0xb4: {  	[sflag:s29] =	ssyncadd.s32 $0xFFFFFFFF  }
0xb5: {  	_ =	strace $0x9000004B  }
0xb6: {  	_ =	sfence  }
0xb7: {  	s30 =	sld [smem:$0x0];
	_ =	sdelay $0x2  }
0xb8: {  	s31 =	sshll.u32 s1, $0xD;
	s1 =	sshrl.u32 s1, $0x2  }
0xb9: {  	s3 =	sand.u32 $0x4000, s31;
	s1 =	sadd.s32 s1, s30  }
0xba: {  	s0 =	sor.u32 s3, s0;
	s1 =	sshll.u32 s1, $0x11  }
0xbb: {  	s0 =	sor.u32 s1, s0  }
0xbc: {  	s0 =	sadd.s32 $0x8F2B, s0  }
0xbd: {  	[sflag:s0] =	ssyncadd.remote.s32 $0x1  }
0xbe: {  	_ =	sfence.sel $0xFFFF  }
0xbf: {  	[dreg:$0x0] =	wrdreg $0xFFFFFFFF;
	(pc) =	sbr.abs _section_cstart, $3  }
0xc0: {  	[dreg:$0x1] =	wrdreg $0xFFFFFFFF  }
0xc1: {  	_ =	task.clear_ibuf [dreg:s6], $0x2FFFF;
	_ =	strace $0x9FFFFFFF  }
0xc2: {  	(tm) =	ssettm $0x7FFFFFFF  }
0xc3: {  	_ =	shalt  }
tec
execute0_lowered:
.L_overlay_start_1:
0x0: {  	(tag) =	ssettag $0x1  }
0x1: {  	s6 =	rddreg [dreg:$0x0]  }
0x2: {  	s0 =	srdreg.scid;
	s2 =	rddreg [dreg:$0x1];
	s3 =	simm.s32 $0x0  }
0x3: {  	s16 =	simm.s32 $0x1400;
	s17 =	simm.s32 $0x1;
	s18 =	simm.s32 $0x2  }
0x4: {  	s19 =	simm.s32 $0x2800;
	s20 =	simm.s32 $0x80;
	s21 =	simm.s32 $0x6800  }
0x5: {  	s22 =	simm.s32 $0x3;
	s23 =	simm.s32 $0x2700;
	s24 =	simm.s32 $0x2780  }
0x6: {  	s25 =	simm.s32 $0x0;
	s5 =	sand.u32 $0x1, s0;
	s0 =	stileid.u32  }
0x7: {  	[smem:$0x7FF] =	sst s3;
	s4 =	sadd.s32 $0x16C00, s6;
	s8 =	smul.u32 $0x13C000, s5  }
0x8: {  	s1 =	sshll.u32 s5, $0x4;
	s9 =	smul.u32 $0x13C00, s0;
	s5 =	ssub.s32 $0x2, s5  }
0x9: {  	s28 =	smul.u32 $0x4F000, s0;
	s1 =	sor.u32 s0, s1;
	s30 =	sshrl.u32 s5, $0x1  }
0xa: {  	s7 =	smul.u32 $0x2800, s1;
	s1 =	rddreg [dreg:$0x2];
	_ =	strace $0x8000004A  }
0xb: {  	s8 =	sadd.s32 s9, s8;
	s15 =	ssub.s32 s5, s30;
	s31 =	sshrl.u32 s28, $0x2  }
0xc: {  	s29 =	sshrl.u32 s8, $0x3;
	s15 =	smax.u32 s15, $0x1;
	s7 =	sshrl.u32 s7, $0x3  }
0xd: {  	s14 =	sadd.s32 s29, s6;
	s13 =	sadd.s32 s7, s6;
	s7 =	sadd.s32 s31, s2  }
0xe: {  	s14 =	sadd.s32 $0x3DE00, s14;
	s5 =	sadd.s32 $0x2C00, s13;
	s6 =	sadd.s32 $0xCC00, s13  }
0xf: {  	s8 =	sadd.s32 $0x4000, s7;
	s9 =	sadd.s32 $0x8000, s7;
	s10 =	sadd.s32 $0xC000, s7  }
0x10: {  	v0 =	vimm.f32 $0.0e+00;
	s11 =	sadd.s32 $0x10000, s7;
	s12 =	sadd.s32 $0x2E80, s13;
	s13 =	sadd.s32 $0xCE80, s13  }
.LBB2_1:
0x11: {  	[tilespmem:s3], [sflag:$0x1] =	stream.linear.gather [hbm4b:s5+s3], $0x1400, $0x38;
	[tilespmem:$0x1E400] =	vst v63  }
0x12: {  	s26 =	simm.s32 $0x0;
	s28 =	simm.s32 $0x200  }
0x13: {  	[tilespmem:s16], [sflag:$0x2] =	stream.linear.gather [hbm4b:s6+s3], $0x1400, $0x38;
	[tilespmem:$0x1E400] =	vst v63  }
.LBB2_2:
0x14: {  	p0 =	sne.s32 s28, $0xFE00;
	[tilespmem:s26+$0x2870] =	vst v0  }
0x15: {  	[tilespmem:s26+$0x2800] =	vst v0  }
0x16: {  	[tilespmem:s26+$0x2810] =	vst v0  }
.Ltmp0:
0x17: {  	[tilespmem:s26+$0x2820] =	vst v0;
	(pc) =	sbr.rel @p0 .LBB2_2-.Ltmp0, $4  }
0x18: {  	[tilespmem:s26+$0x2830] =	vst v0  }
0x19: {  	[tilespmem:s26+$0x2840] =	vst v0  }
0x1a: {  	[tilespmem:s26+$0x2850] =	vst v0  }
0x1b: {  	[tilespmem:s26+$0x2860] =	vst v0;
	s26 =	sshra.s32 s28, $0x2;
	s28 =	sadd.s32 $0x200, s28  }
0x1c: {  	[tilespmem:s26+$0x2870] =	vst v0  }
0x1d: {  	[tilespmem:s26+$0x2800] =	vst v0  }
0x1e: {  	[tilespmem:s26+$0x2810] =	vst v0  }
0x1f: {  	[tilespmem:s26+$0x2820] =	vst v0  }
0x20: {  	[tilespmem:s26+$0x2830] =	vst v0  }
0x21: {  	[tilespmem:s26+$0x2840] =	vst v0  }
0x22: {  	[tilespmem:s26+$0x2850] =	vst v0  }
0x23: {  	[tilespmem:s26+$0x2860] =	vst v0  }
0x24: {  	_ =	swait.ge [sflag:s17], $0x1400  }
0x25: {  	[sflag:s17] =	ssyncset.done $0x0  }
0x26: {  	[sflag:s17] =	ssyncadd.s32 $0xFFFFEC00  }
0x27: {  	_ =	swait.ge [sflag:s18], $0x1400  }
0x28: {  	[sflag:s18] =	ssyncset.done $0x0  }
0x29: {  	[sflag:s18] =	ssyncadd.s32 $0xFFFFEC00  }
0x2a: {  	[spmem:s7] =	stream.linear.scatter [tilespmem:s19], [sflag:$0x1], $0x4000, $0x38;
	[tilespmem:$0x1E400] =	vst v63  }
0x2b: {  	_ = 	snop  }
0x2c: {  	[spmem:s8] =	stream.linear.scatter [tilespmem:s19], [sflag:$0x2], $0x4000, $0x38;
	[tilespmem:$0x1E400] =	vst v63  }
0x2d: {  	_ = 	snop  }
0x2e: {  	[spmem:s9] =	stream.linear.scatter [tilespmem:s19], [sflag:$0x1], $0x4000, $0x38;
	[tilespmem:$0x1E400] =	vst v63  }
0x2f: {  	_ = 	snop  }
0x30: {  	[spmem:s10] =	stream.linear.scatter [tilespmem:s19], [sflag:$0x2], $0x4000, $0x38;
	[tilespmem:$0x1E400] =	vst v63  }
0x31: {  	_ = 	snop  }
0x32: {  	[spmem:s11] =	stream.linear.scatter [tilespmem:s19], [sflag:$0x1], $0x3C00, $0x38;
	[tilespmem:$0x1E400] =	vst v63  }
0x33: {  	_ =	swait.ge [sflag:s17], $0x4000  }
0x34: {  	[sflag:s17] =	ssyncset.done $0x0  }
0x35: {  	[sflag:s17] =	ssyncadd.s32 $0xFFFFC000  }
0x36: {  	_ =	swait.ge [sflag:s18], $0x4000  }
0x37: {  	[sflag:s18] =	ssyncset.done $0x0  }
0x38: {  	[sflag:s18] =	ssyncadd.s32 $0xFFFFC000  }
0x39: {  	_ =	swait.ge [sflag:s17], $0x4000  }
0x3a: {  	[sflag:s17] =	ssyncset.done $0x0  }
0x3b: {  	[sflag:s17] =	ssyncadd.s32 $0xFFFFC000  }
0x3c: {  	_ =	swait.ge [sflag:s18], $0x4000  }
0x3d: {  	[sflag:s18] =	ssyncset.done $0x0  }
0x3e: {  	[sflag:s18] =	ssyncadd.s32 $0xFFFFC000  }
0x3f: {  	_ =	swait.ge [sflag:s17], $0x3C00  }
0x40: {  	[sflag:s17] =	ssyncset.done $0x0  }
0x41: {  	[sflag:s17] =	ssyncadd.s32 $0xFFFFC400  }
0x42: {  	s31 =	simm.s32 $0x0;
	[bflag:$0x0] =	sbarrier.arrive $0xFFFF  }
0x43: {  	[tilespmem:s19], [sflag:$0x1] =	stream.indirect.gather [hbm4b:s4+s20], $0x80, s31, s20, $0xb8;
	[tilespmem:$0x1E400] =	vst v63  }
0x44: {  	_ = 	snop  }
0x45: {  	[tilespmem:s21], [sflag:$0x2] =	stream.indirect.gather [hbm4b:s4+s20], $0x80, s20, s20, $0xb8;
	[tilespmem:$0x1E400] =	vst v63  }
0x46: {  	_ =	swait.ge [sflag:s17], $0x4000  }
0x47: {  	[sflag:s17] =	ssyncset.done $0x0  }
0x48: {  	s29 =	simm.s32 $0x1400;
	[sflag:s17] =	ssyncadd.s32 $0xFFFFC000  }
0x49: {  	[spmem:s2] =	stream.indirect.scatter.add.f32 [tilespmem:s19], [sflag:$0x3], $0x80, s29, s20, $0xb8;
	[tilespmem:$0x1E400] =	vst v63  }
0x4a: {  	_ =	swait.ge [sflag:s22], $0x4000  }
0x4b: {  	[sflag:s22] =	ssyncset.done $0x0  }
0x4c: {  	s30 =	simm.s32 $0x100;
	[sflag:s22] =	ssyncadd.s32 $0xFFFFC000  }
0x4d: {  	[tilespmem:s19], [sflag:$0x1] =	stream.indirect.gather [hbm4b:s4+s20], $0x80, s30, s20, $0xb8;
	[tilespmem:$0x1E400] =	vst v63  }
0x4e: {  	_ =	swait.ge [sflag:s18], $0x4000  }
0x4f: {  	[sflag:s18] =	ssyncset.done $0x0  }
0x50: {  	s31 =	simm.s32 $0x1480;
	[sflag:s18] =	ssyncadd.s32 $0xFFFFC000  }
0x51: {  	[spmem:s2] =	stream.indirect.scatter.add.f32 [tilespmem:s21], [sflag:$0x3], $0x80, s31, s20, $0xb8;
	[tilespmem:$0x1E400] =	vst v63  }
0x52: {  	_ =	swait.ge [sflag:s22], $0x4000  }
0x53: {  	[sflag:s22] =	ssyncset.done $0x0  }
0x54: {  	s26 =	simm.s32 $0x400;
	s28 =	simm.s32 $0x180;
	[sflag:s22] =	ssyncadd.s32 $0xFFFFC000  }
.LBB2_4:
0x55: {  	[tilespmem:s21], [sflag:$0x2] =	stream.indirect.gather [hbm4b:s4+s20], $0x80, s28, s20, $0xb8;
	[tilespmem:$0x1E400] =	vst v63  }
0x56: {  	s28 =	smov.u32 s26  }
0x57: {  	p0 =	sne.s32 s26, $0x4800;
	s26 =	sadd.s32 $0x400, s26;
	_ =	swait.ge [sflag:s17], $0x4000  }
0x58: {  	s28 =	sshra.s32 s28, $0x2;
	[sflag:s17] =	ssyncset.done $0x0  }
0x59: {  	s29 =	sadd.s32 $0x1400, s28;
	[sflag:s17] =	ssyncadd.s32 $0xFFFFC000  }
0x5a: {  	[spmem:s2] =	stream.indirect.scatter.add.f32 [tilespmem:s19], [sflag:$0x3], $0x80, s29, s20, $0xb8;
	[tilespmem:$0x1E400] =	vst v63  }
0x5b: {  	_ =	swait.ge [sflag:s22], $0x4000  }
0x5c: {  	[sflag:s22] =	ssyncset.done $0x0  }
0x5d: {  	s29 =	sadd.s32 $0x100, s28;
	[sflag:s22] =	ssyncadd.s32 $0xFFFFC000  }
0x5e: {  	[tilespmem:s19], [sflag:$0x1] =	stream.indirect.gather [hbm4b:s4+s20], $0x80, s29, s20, $0xb8;
	[tilespmem:$0x1E400] =	vst v63  }
0x5f: {  	_ =	swait.ge [sflag:s18], $0x4000  }
0x60: {  	[sflag:s18] =	ssyncset.done $0x0  }
.Ltmp1:
0x61: {  	s29 =	sadd.s32 $0x1480, s28;
	[sflag:s18] =	ssyncadd.s32 $0xFFFFC000;
	(pc) =	sbr.rel @p0 .LBB2_4-.Ltmp1, $4  }
0x62: {  	[spmem:s2] =	stream.indirect.scatter.add.f32 [tilespmem:s21], [sflag:$0x3], $0x80, s29, s20, $0xb8;
	[tilespmem:$0x1E400] =	vst v63  }
0x63: {  	_ =	swait.ge [sflag:s22], $0x4000  }
0x64: {  	[sflag:s22] =	ssyncset.done $0x0  }
0x65: {  	s28 =	sadd.s32 $0x180, s28;
	[sflag:s22] =	ssyncadd.s32 $0xFFFFC000  }
0x66: {  	[tilespmem:s21], [sflag:$0x2] =	stream.indirect.gather [hbm4b:s4+s20], $0x80, s28, s20, $0xb8;
	[tilespmem:$0x1E400] =	vst v63  }
0x67: {  	_ =	swait.ge [sflag:s17], $0x4000  }
0x68: {  	[sflag:s17] =	ssyncset.done $0x0  }
0x69: {  	[sflag:s17] =	ssyncadd.s32 $0xFFFFC000  }
0x6a: {  	[spmem:s2] =	stream.indirect.scatter.add.f32 [tilespmem:s19], [sflag:$0x3], $0x80, s23, s20, $0xb8;
	[tilespmem:$0x1E400] =	vst v63  }
0x6b: {  	_ =	swait.ge [sflag:s22], $0x4000  }
0x6c: {  	[sflag:s22] =	ssyncset.done $0x0  }
0x6d: {  	[sflag:s22] =	ssyncadd.s32 $0xFFFFC000  }
0x6e: {  	_ =	swait.ge [sflag:s18], $0x4000  }
0x6f: {  	[sflag:s18] =	ssyncset.done $0x0  }
0x70: {  	[sflag:s18] =	ssyncadd.s32 $0xFFFFC000  }
0x71: {  	[spmem:s2] =	stream.indirect.scatter.add.f32 [tilespmem:s21], [sflag:$0x3], $0x80, s24, s20, $0xb8;
	[tilespmem:$0x1E400] =	vst v63  }
0x72: {  	_ =	swait.ge [sflag:s22], $0x4000  }
0x73: {  	[sflag:s22] =	ssyncset.done $0x0  }
0x74: {  	s26 =	simm.s32 $0x0;
	[sflag:s22] =	ssyncadd.s32 $0xFFFFC000  }
0x75: {  	[tilespmem:s26], [sflag:$0x3] =	stream.linear.gather [hbm4b:s12+s26], $0x1400, $0x38;
	[tilespmem:$0x1E400] =	vst v63  }
0x76: {  	_ =	swait.ge [sflag:s22], $0x1400  }
0x77: {  	[sflag:s22] =	ssyncset.done $0x0  }
0x78: {  	[sflag:s22] =	ssyncadd.s32 $0xFFFFEC00  }
0x79: {  	[tilespmem:s16], [sflag:$0x3] =	stream.linear.gather [hbm4b:s13+s26], $0x1400, $0x38;
	[tilespmem:$0x1E400] =	vst v63  }
0x7a: {  	_ =	swait.ge [sflag:s22], $0x1400  }
0x7b: {  	[sflag:s22] =	ssyncset.done $0x0  }
0x7c: {  	[sflag:s22] =	ssyncadd.s32 $0xFFFFEC00  }
0x7d: {  	[tilespmem:s19], [sflag:$0x1] =	stream.indirect.gather [hbm4b:s4+s20], $0x80, s26, s20, $0xb8;
	[tilespmem:$0x1E400] =	vst v63  }
0x7e: {  	_ = 	snop  }
0x7f: {  	[tilespmem:s21], [sflag:$0x2] =	stream.indirect.gather [hbm4b:s4+s20], $0x80, s20, s20, $0xb8;
	[tilespmem:$0x1E400] =	vst v63  }
0x80: {  	_ =	swait.ge [sflag:s17], $0x4000  }
0x81: {  	[sflag:s17] =	ssyncset.done $0x0  }
0x82: {  	s29 =	simm.s32 $0x1400;
	[sflag:s17] =	ssyncadd.s32 $0xFFFFC000  }
0x83: {  	[spmem:s2] =	stream.indirect.scatter.add.f32 [tilespmem:s19], [sflag:$0x3], $0x80, s29, s20, $0xb8;
	[tilespmem:$0x1E400] =	vst v63  }
0x84: {  	_ =	swait.ge [sflag:s22], $0x4000  }
0x85: {  	[sflag:s22] =	ssyncset.done $0x0  }
0x86: {  	s30 =	simm.s32 $0x100;
	[sflag:s22] =	ssyncadd.s32 $0xFFFFC000  }
0x87: {  	[tilespmem:s19], [sflag:$0x1] =	stream.indirect.gather [hbm4b:s4+s20], $0x80, s30, s20, $0xb8;
	[tilespmem:$0x1E400] =	vst v63  }
0x88: {  	_ =	swait.ge [sflag:s18], $0x4000  }
0x89: {  	[sflag:s18] =	ssyncset.done $0x0  }
0x8a: {  	s31 =	simm.s32 $0x1480;
	[sflag:s18] =	ssyncadd.s32 $0xFFFFC000  }
0x8b: {  	[spmem:s2] =	stream.indirect.scatter.add.f32 [tilespmem:s21], [sflag:$0x3], $0x80, s31, s20, $0xb8;
	[tilespmem:$0x1E400] =	vst v63  }
0x8c: {  	_ =	swait.ge [sflag:s22], $0x4000  }
0x8d: {  	[sflag:s22] =	ssyncset.done $0x0  }
0x8e: {  	s28 =	simm.s32 $0x180;
	s26 =	simm.s32 $0x400;
	[sflag:s22] =	ssyncadd.s32 $0xFFFFC000  }
.LBB2_6:
0x8f: {  	[tilespmem:s21], [sflag:$0x2] =	stream.indirect.gather [hbm4b:s4+s20], $0x80, s28, s20, $0xb8;
	[tilespmem:$0x1E400] =	vst v63  }
0x90: {  	s28 =	smov.u32 s26  }
0x91: {  	p0 =	sne.s32 s26, $0x4800;
	s26 =	sadd.s32 $0x400, s26;
	_ =	swait.ge [sflag:s17], $0x4000  }
0x92: {  	s28 =	sshra.s32 s28, $0x2;
	[sflag:s17] =	ssyncset.done $0x0  }
0x93: {  	s29 =	sadd.s32 $0x1400, s28;
	[sflag:s17] =	ssyncadd.s32 $0xFFFFC000  }
0x94: {  	[spmem:s2] =	stream.indirect.scatter.add.f32 [tilespmem:s19], [sflag:$0x3], $0x80, s29, s20, $0xb8;
	[tilespmem:$0x1E400] =	vst v63  }
0x95: {  	_ =	swait.ge [sflag:s22], $0x4000  }
0x96: {  	[sflag:s22] =	ssyncset.done $0x0  }
0x97: {  	s29 =	sadd.s32 $0x100, s28;
	[sflag:s22] =	ssyncadd.s32 $0xFFFFC000  }
0x98: {  	[tilespmem:s19], [sflag:$0x1] =	stream.indirect.gather [hbm4b:s4+s20], $0x80, s29, s20, $0xb8;
	[tilespmem:$0x1E400] =	vst v63  }
0x99: {  	_ =	swait.ge [sflag:s18], $0x4000  }
0x9a: {  	[sflag:s18] =	ssyncset.done $0x0  }
.Ltmp2:
0x9b: {  	s29 =	sadd.s32 $0x1480, s28;
	[sflag:s18] =	ssyncadd.s32 $0xFFFFC000;
	(pc) =	sbr.rel @p0 .LBB2_6-.Ltmp2, $4  }
0x9c: {  	[spmem:s2] =	stream.indirect.scatter.add.f32 [tilespmem:s21], [sflag:$0x3], $0x80, s29, s20, $0xb8;
	[tilespmem:$0x1E400] =	vst v63  }
0x9d: {  	_ =	swait.ge [sflag:s22], $0x4000  }
0x9e: {  	[sflag:s22] =	ssyncset.done $0x0  }
0x9f: {  	s28 =	sadd.s32 $0x180, s28;
	[sflag:s22] =	ssyncadd.s32 $0xFFFFC000  }
0xa0: {  	[tilespmem:s21], [sflag:$0x2] =	stream.indirect.gather [hbm4b:s4+s20], $0x80, s28, s20, $0xb8;
	[tilespmem:$0x1E400] =	vst v63  }
0xa1: {  	_ =	swait.ge [sflag:s17], $0x4000  }
0xa2: {  	[sflag:s17] =	ssyncset.done $0x0  }
0xa3: {  	[sflag:s17] =	ssyncadd.s32 $0xFFFFC000  }
0xa4: {  	[spmem:s2] =	stream.indirect.scatter.add.f32 [tilespmem:s19], [sflag:$0x3], $0x80, s23, s20, $0xb8;
	[tilespmem:$0x1E400] =	vst v63  }
0xa5: {  	_ =	swait.ge [sflag:s22], $0x4000  }
0xa6: {  	[sflag:s22] =	ssyncset.done $0x0  }
0xa7: {  	[sflag:s22] =	ssyncadd.s32 $0xFFFFC000  }
0xa8: {  	_ =	swait.ge [sflag:s18], $0x4000  }
0xa9: {  	[sflag:s18] =	ssyncset.done $0x0  }
0xaa: {  	[sflag:s18] =	ssyncadd.s32 $0xFFFFC000  }
0xab: {  	[spmem:s2] =	stream.indirect.scatter.add.f32 [tilespmem:s21], [sflag:$0x3], $0x80, s24, s20, $0xb8;
	[tilespmem:$0x1E400] =	vst v63  }
0xac: {  	_ =	swait.ge [sflag:s22], $0x4000  }
0xad: {  	s26 =	sshll.u32 s0, $0x6;
	s25 =	sadd.s32 $0x1, s25;
	[sflag:s22] =	ssyncset.done $0x0  }
0xae: {  	s31 =	sshrl.u32 s7, $0x3;
	p0 =	sne.s32 s25, s15;
	[sflag:s22] =	ssyncadd.s32 $0xFFFFC000  }
.Ltmp3:
0xaf: {  	s26 =	sor.u32 $0x1C03, s26;
	[bflag:$0x0] =	sbarrier.arrive $0xFFFF;
	(pc) =	sbr.rel @p0 .LBB2_1-.Ltmp3, $4  }
0xb0: {  	[hbm:s14], [sflag:s26] =	dma.local [spmem:s31], $0x2780  }
0xb1: {  	_ =	swait.ge [sflag:s22], $0x2780  }
0xb2: {  	[sflag:s22] =	ssyncset.done $0x0  }
0xb3: {  	[sflag:s22] =	ssyncadd.s32 $0xFFFFD880  }
0xb4: {  	_ =	sfence.sel $0x180000  }
0xb5: {  	[bflag:$0x0] =	sbarrier.arrive $0xFFFF  }
0xb6: {  	p0 =	sne.s32 s0, $0x0;
	_ =	strace $0x9000004A  }
0xb7: {  	s0 =	sadd.s32 @!p0 $0x100000, s1;
	[bflag:$0x2] =	sbarrier.arrive $0xFFFF  }
0xb8: {  	[sflag:s0] =	ssyncadd.tile.s32 @!p0 $0x1;
	_ =	shalt  }
.Lfunc_end2:
_tile_overlayer_lowered:
.L_overlay_start_2:
0xb9: {  	(tag) =	ssettag $0x2  }
0xba: {  	s0 =	rddreg [dreg:$0x0];
	s2 =	stileid.u32  }
0xbb: {  	s1 =	rddreg [dreg:$0x1];
	p0 =	sne.s32 s2, $0x0  }
0xbc: {  	s3 =	rddreg [dreg:$0x2];
	[bflag:$0x3] =	sbarrier.arrive $0xFFFF;
	s2 =	simm.s32 @!p0 $0x1C03  }
0xbd: {  	[timem:s3], [sflag:s2] =	dma.local @!p0 [hbm:s0], s1  }
0xbe: {  	s0 =	simm.s32 @!p0 $0x3  }
0xbf: {  	_ =	swait.ge @!p0 [sflag:s0], s1  }
0xc0: {  	s1 =	ssub.s32 @!p0 $0x0, s1;
	[sflag:s0] =	ssyncset.done @!p0 $0x0  }
0xc1: {  	[sflag:s0] =	ssyncadd.s32 @!p0 s1  }
0xc2: {  	[bflag:$0x3] =	sbarrier.arrive $0xFFFF  }
0xc3: {  	_ =	shalt  }

// kernel: kernel.8.cloned.1.call-start
scs
__scs_entry_jumppad:
0x0: {  	(pc) =	sbr.rel $0x88, $3  }
0x1: {  	(tag) =	ssettag $0x0;
	lr =	simm.s32 $0x1  }
0x2: {  	[smem:$0x3F95] =	sst lr;
	_ =	strace $0xD0000000  }
0x3: {  	_ = 	snop  }
0x4: {  	_ = 	snop  }
0x5: {  	_ = 	snop  }
0x6: {  	_ = 	snop  }
0x7: {  	_ = 	snop  }
__scs_overlays_trampoline_lowered:
0x8: {  	[smem:$0x3FA4] =	sst s0  }
0x9: {  	[smem:$0x3FA5] =	sst s1  }
0xa: {  	[smem:$0x3FA6] =	sst s2  }
0xb: {  	[smem:$0x3FA7] =	sst s3  }
0xc: {  	[smem:$0x3FA8] =	sst s4  }
0xd: {  	[smem:$0x3FA9] =	sst s5  }
0xe: {  	[smem:$0x3FAA] =	sst s6  }
0xf: {  	[smem:$0x3FAB] =	sst s7  }
0x10: {  	[smem:$0x3FAC] =	sst s8  }
0x11: {  	[smem:$0x3FAD] =	sst s9;
	s0 =	simm.s32 @!p0 $0x0  }
0x12: {  	s1 =	sld [smem:$0x3F93];
	s0 =	simm.s32 @p0 $0x1  }
0x13: {  	[smem:$0x3FAE] =	sst s0;
	s0 =	simm.s32 @!p1 $0x0  }
0x14: {  	s2 =	sld [smem:$0x3F92];
	s0 =	simm.s32 @p1 $0x1  }
0x15: {  	[smem:$0x3FAF] =	sst s0;
	s0 =	simm.s32 @!p2 $0x0  }
0x16: {  	s3 =	sld [smem:$0x3FDB];
	s0 =	simm.s32 @p2 $0x1  }
0x17: {  	s4 =	simm.s32 $0x1BF5;
	[smem:$0x3FB1] =	sst s0  }
0x18: {  	s0 =	sld [smem:$0x3F94];
	_ =	swait.ge [sflag:s4], $0x0  }
0x19: {  	s7 =	sld [smem:$0x3F95]  }
0x1a: {  	s8 =	sadd.s32 $0xFFFFE003, lr  }
0x1b: {  	s9 =	sadd.s32 $0xFFFFFEF7, lr;
	s5 =	simm.s32 $0xFFFFFFFF;
	p2 =	slt.u32 s8, $0xFFFFF086  }
0x1c: {  	p1 =	slt.u32 s9, $0xF7A;
	s5 =	simm.s32 @!p2 $0x0  }
0x1d: {  	s5 =	simm.s32 @p1 $0x1;
	p0 =	seq.s32 s7, s2  }
0x1e: {  	s7 =	smul.u32 @!p0 $0xF7A, s2;
	p2 =	seq.s32 @!p0 s5, $0x0  }
0x1f: {  	s9 =	smul.u32 $0xF7A, s1;
	s8 =	simm.s32 @!p0 $0x1BF5;
	p2 =	por !p2, p0  }
0x20: {  	[sflag:s8] =	ssyncset.s32 @!p0 $0xFFFFF086;
	s6 =	sadd.s32 @!p0 s3, s7;
	s7 =	simm.s32 @!p0 $0x108  }
0x21: {  	s3 =	sadd.s32 s3, s9;
	s6 =	sadd.s32 @!p0 $0x88, s6;
	s7 =	simm.s32 @p2 $0x1082  }
0x22: {  	[simem:s7], [sflag:s8] =	dma.local @!p0 [hbm:s6], $0xF7A  }
0x23: {  	s9 =	sor.u32 $0xD0000000, s2;
	s6 =	simm.s32 $0x108;
	_ =	swait.ge @!p0 [sflag:s8], $0x0  }
0x24: {  	s3 =	sadd.s32 $0x88, s3;
	s6 =	simm.s32 @!p1 $0x1082;
	[sflag:s4] =	ssyncset.s32 $0xFFFFF086  }
0x25: {  	[simem:s6], [sflag:s4] =	dma.local [hbm:s3], $0xF7A  }
0x26: {  	[smem:$0x3F95] =	sst s1;
	(tag) =	ssettag s2;
	_ =	strace s9  }
0x27: {  	s1 =	sld [smem:$0x3FA5]  }
0x28: {  	s2 =	sld [smem:$0x3FA6]  }
0x29: {  	s4 =	sld [smem:$0x3FA8]  }
0x2a: {  	p0 =	seq.s32 s5, $0x0;
	s5 =	sld [smem:$0x3FA9]  }
0x2b: {  	s6 =	sld [smem:$0x3FAA]  }
0x2c: {  	s7 =	sld [smem:$0x3FAB]  }
0x2d: {  	s3 =	simm.s32 $0x108;
	s8 =	sld [smem:$0x3FAC]  }
0x2e: {  	s3 =	simm.s32 @!p0 $0x1082;
	s9 =	sld [smem:$0x3FAD]  }
0x2f: {  	lr =	sadd.s32 s0, s3;
	s0 =	sld [smem:$0x3FA4]  }
0x30: {  	s3 =	sld [smem:$0x3FA7]  }
0x31: {  	[smem:$0x3FB0] =	sst s10  }
0x32: {  	s10 =	sld [smem:$0x3FAE];
	_ =	sdelay $0x3  }
0x33: {  	p0 =	seq.s32 s10, $0x1;
	s10 =	sld [smem:$0x3FB0];
	_ =	sdelay $0x3  }
0x34: {  	[smem:$0x3FB0] =	sst s10  }
0x35: {  	s10 =	sld [smem:$0x3FAF];
	_ =	sdelay $0x3  }
0x36: {  	p1 =	seq.s32 s10, $0x1;
	s10 =	sld [smem:$0x3FB0];
	_ =	sdelay $0x3  }
0x37: {  	[smem:$0x3FB0] =	sst s10  }
0x38: {  	s10 =	sld [smem:$0x3FB1]  }
0x39: {  	_ = 	snop;
	(pc) =	sbr.ind lr, $3  }
0x3a: {  	_ = 	snop  }
0x3b: {  	_ = 	snop  }
0x3c: {  	p2 =	seq.s32 s10, $0x1;
	s10 =	sld [smem:$0x3FB0]  }
0x3d: {  	_ =	shalt  }
0x3e: {  	_ =	shalt  }
0x3f: {  	_ =	shalt  }
0x40: {  	_ =	shalt  }
0x41: {  	_ =	shalt  }
0x42: {  	_ =	shalt  }
0x43: {  	_ =	shalt  }
0x44: {  	_ =	shalt  }
0x45: {  	_ =	shalt  }
0x46: {  	_ =	shalt  }
0x47: {  	_ =	shalt  }
0x48: {  	_ =	shalt  }
0x49: {  	_ =	shalt  }
0x4a: {  	_ =	shalt  }
0x4b: {  	_ =	shalt  }
0x4c: {  	_ =	shalt  }
0x4d: {  	_ =	shalt  }
0x4e: {  	_ =	shalt  }
0x4f: {  	_ =	shalt  }
0x50: {  	_ =	shalt  }
0x51: {  	_ =	shalt  }
0x52: {  	_ =	shalt  }
0x53: {  	_ =	shalt  }
0x54: {  	_ =	shalt  }
0x55: {  	_ =	shalt  }
0x56: {  	_ =	shalt  }
0x57: {  	_ =	shalt  }
0x58: {  	_ =	shalt  }
0x59: {  	_ =	shalt  }
0x5a: {  	_ =	shalt  }
0x5b: {  	_ =	shalt  }
0x5c: {  	_ =	shalt  }
0x5d: {  	_ =	shalt  }
0x5e: {  	_ =	shalt  }
0x5f: {  	_ =	shalt  }
0x60: {  	_ =	shalt  }
0x61: {  	_ =	shalt  }
0x62: {  	_ =	shalt  }
0x63: {  	_ =	shalt  }
0x64: {  	_ =	shalt  }
0x65: {  	_ =	shalt  }
0x66: {  	_ =	shalt  }
0x67: {  	_ =	shalt  }
0x68: {  	_ =	shalt  }
0x69: {  	_ =	shalt  }
0x6a: {  	_ =	shalt  }
0x6b: {  	_ =	shalt  }
0x6c: {  	_ =	shalt  }
0x6d: {  	_ =	shalt  }
0x6e: {  	_ =	shalt  }
0x6f: {  	_ =	shalt  }
0x70: {  	_ =	shalt  }
0x71: {  	_ =	shalt  }
0x72: {  	_ =	shalt  }
0x73: {  	_ =	shalt  }
0x74: {  	_ =	shalt  }
0x75: {  	_ =	shalt  }
0x76: {  	_ =	shalt  }
0x77: {  	_ =	shalt  }
0x78: {  	_ =	shalt  }
0x79: {  	_ =	shalt  }
0x7a: {  	_ =	shalt  }
0x7b: {  	_ =	shalt  }
0x7c: {  	_ =	shalt  }
0x7d: {  	_ =	shalt  }
0x7e: {  	_ =	shalt  }
0x7f: {  	_ =	shalt  }
0x80: {  	_ =	shalt  }
0x81: {  	_ =	shalt  }
0x82: {  	_ =	shalt  }
0x83: {  	_ =	shalt  }
0x84: {  	_ =	shalt  }
0x85: {  	_ =	shalt  }
0x86: {  	_ =	shalt  }
0x87: {  	_ =	shalt  }
.Lfunc_end0:
.L_simem_size_0:
called_computation_lowered:
.L_overlay_start_0:
0x88: {  	s2 =	sld [smem:$0x3FD9]  }
0x89: {  	s3 =	sld [smem:$0x3FFE];
	_ =	sdelay $0x1  }
0x8a: {  	s1 =	srdreg.scid  }
0x8b: {  	s0 =	sand.u32 $0x1, s1  }
0x8c: {  	s17 =	sshll.u32 s0, $0xA;
	s2 =	sadd.s32 s3, s2  }
0x8d: {  	s2 =	sadd.s32 s2, s17  }
0x8e: {  	[smem:$0x3FBC] =	sst s2  }
0x8f: {  	_ = 	snop  }
0x90: {  	s2 =	sld [smem:$0x3FC9];
	(tm) =	ssettm $0x1  }
0x91: {  	s18 =	sld [smem:$0x3FFB];
	_ =	sdelay $0x3  }
0x92: {  	_ =	strace s18  }
0x93: {  	s3 =	sld [smem:$0x3FFC];
	_ =	sdelay $0x3  }
0x94: {  	_ =	strace s3  }
0x95: {  	s3 =	sld [smem:$0x3FFD];
	_ =	sdelay $0x3  }
0x96: {  	_ =	strace s3  }
0x97: {  	_ =	strace $0x8FFFFFFF  }
0x98: {  	s19 =	sld [smem:$0x3FDB];
	_ =	sdelay $0x1  }
0x99: {  	s4 =	simm.s32 $_scs_section_size  }
0x9a: {  	s5 =	simm.s32 $_size__tile_overlayer_lowered;
	s6 =	simm.s32 $_tile_overlayer_lowered  }
0x9b: {  	s22 =	simm.s32 $0x1BFF;
	s21 =	sshll.u32 s6, $0x1;
	s3 =	sadd.s32 s4, s19  }
0x9c: {  	s7 =	simm.s32 $0x0;
	s20 =	sshll.u32 s5, $0x1;
	s5 =	sadd.s32 s21, s3  }
0x9d: {  	[timem:s7], [sflag:s22] =	dma.local [hbm:s5], s20  }
0x9e: {  	_ =	swait.ge [sflag:s22], s20  }
0x9f: {  	s4 =	ssub.s32 $0x0, s20;
	[sflag:s22] =	ssyncset.done $0x0  }
0xa0: {  	[sflag:s22] =	ssyncadd.s32 s4;
	_ =	sdelay $0x1  }
0xa1: {  	s23 =	simm.s32 $0x1B8B  }
0xa2: {  	_ =	swait.ge [sflag:s23], $0x1  }
0xa3: {  	[sflag:s23] =	ssyncset.done $0x0  }
0xa4: {  	s25 =	simm.s32 $0x1B8E;
	s24 =	sld [smem:$0x3FFE];
	[sflag:s23] =	ssyncadd.s32 $0xFFFFFFFF  }
0xa5: {  	s26 =	simm.s32 $execute0_lowered;
	[smem:$0x3FD2] =	sst s25  }
0xa6: {  	s5 =	sshll.u32 s26, $0x1;
	_ =	strace $0x80000046;
	[dreg:$0x1] =	wrdreg $0xFFFFFFFF  }
0xa7: {  	s28 =	simm.s32 $_size_execute0_lowered;
	s3 =	sadd.s32 s3, s5;
	[dreg:$0x0] =	wrdreg $0x0  }
0xa8: {  	s5 =	sshll.u32 s28, $0x1;
	[dreg:$0x2] =	wrdreg s3  }
0xa9: {  	[dreg:$0x3] =	wrdreg s5  }
0xaa: {  	[dreg:$0x4] =	wrdreg $0xC0  }
0xab: {  	_ =	task [dreg:s7], $0x5FFFF  }
0xac: {  	[dreg:$0x1] =	wrdreg $0xFFFFFFFF  }
0xad: {  	[dreg:$0x0] =	wrdreg $0x60  }
0xae: {  	[dreg:$0x2] =	wrdreg s2  }
0xaf: {  	[dreg:$0x3] =	wrdreg s24  }
0xb0: {  	[dreg:$0x4] =	wrdreg $0xA8000  }
0xb1: {  	[dreg:$0x5] =	wrdreg $0x9  }
0xb2: {  	_ =	task.clear_ibuf [dreg:s7], $0x6FFFF;
	_ =	strace $0x90000046  }
0xb3: {  	s29 =	simm.s32 $0x9;
	_ =	strace $0x80000048  }
0xb4: {  	_ =	swait.ge [sflag:s29], $0x1  }
0xb5: {  	[sflag:s29] =	ssyncadd.s32 $0xFFFFFFFF  }
0xb6: {  	_ =	strace $0x90000048  }
0xb7: {  	_ =	sfence  }
0xb8: {  	s30 =	sld [smem:$0x0];
	_ =	sdelay $0x2  }
0xb9: {  	s31 =	sshll.u32 s1, $0xD;
	s1 =	sshrl.u32 s1, $0x2  }
0xba: {  	s3 =	sand.u32 $0x4000, s31;
	s1 =	sadd.s32 s1, s30  }
0xbb: {  	s0 =	sor.u32 s3, s0;
	s1 =	sshll.u32 s1, $0x11  }
0xbc: {  	s0 =	sor.u32 s1, s0  }
0xbd: {  	s0 =	sadd.s32 $0x8F2B, s0  }
0xbe: {  	[sflag:s0] =	ssyncadd.remote.s32 $0x1  }
0xbf: {  	_ =	sfence.sel $0xFFFF  }
0xc0: {  	[dreg:$0x0] =	wrdreg $0xFFFFFFFF;
	(pc) =	sbr.abs _section_cstart, $3  }
0xc1: {  	[dreg:$0x1] =	wrdreg $0xFFFFFFFF  }
0xc2: {  	_ =	task.clear_ibuf [dreg:s7], $0x2FFFF;
	_ =	strace $0x9FFFFFFF  }
0xc3: {  	(tm) =	ssettm $0x7FFFFFFF  }
tec
execute0_lowered:
.L_overlay_start_1:
0x0: {  	(tag) =	ssettag $0x1  }
0x1: {  	s1 =	rddreg [dreg:$0x0]  }
0x2: {  	s6 =	rddreg [dreg:$0x1]  }
0x3: {  	s0 =	srdreg.scid;
	s3 =	rddreg [dreg:$0x2]  }
0x4: {  	s4 =	simm.s32 $0x0;
	s16 =	simm.s32 $0x1400;
	s17 =	simm.s32 $0x1  }
0x5: {  	s18 =	simm.s32 $0x2;
	s19 =	simm.s32 $0x2800;
	s20 =	simm.s32 $0x80  }
0x6: {  	s21 =	simm.s32 $0x6800;
	s22 =	simm.s32 $0x3;
	s23 =	simm.s32 $0x2700  }
0x7: {  	s24 =	simm.s32 $0x2780;
	s5 =	sand.u32 $0x1, s0;
	s0 =	stileid.u32  }
0x8: {  	s25 =	simm.s32 $0x0;
	[smem:$0x7FF] =	sst s4;
	s8 =	smul.u32 $0x13C000, s5  }
0x9: {  	s2 =	sshll.u32 s5, $0x4;
	s9 =	smul.u32 $0x13C00, s0;
	s5 =	ssub.s32 $0x2, s5  }
0xa: {  	s28 =	smul.u32 $0x4F000, s0;
	s2 =	sor.u32 s0, s2;
	s30 =	sshrl.u32 s5, $0x1  }
0xb: {  	s7 =	smul.u32 $0x2800, s2;
	s2 =	rddreg [dreg:$0x3];
	_ =	strace $0x80000047  }
0xc: {  	s8 =	sadd.s32 s9, s8;
	s15 =	ssub.s32 s5, s30;
	s31 =	sshrl.u32 s28, $0x2  }
0xd: {  	s29 =	sshrl.u32 s8, $0x3;
	s15 =	smax.u32 s15, $0x1;
	s7 =	sshrl.u32 s7, $0x3  }
0xe: {  	s14 =	sadd.s32 s29, s6;
	s13 =	sadd.s32 s7, s6;
	s7 =	sadd.s32 s31, s3  }
0xf: {  	s14 =	sadd.s32 $0x16C00, s14;
	s5 =	sadd.s32 $0x2C00, s13;
	s6 =	sadd.s32 $0xCC00, s13  }
0x10: {  	s8 =	sadd.s32 $0x4000, s7;
	s9 =	sadd.s32 $0x8000, s7;
	s10 =	sadd.s32 $0xC000, s7  }
0x11: {  	v0 =	vimm.f32 $0.0e+00;
	s11 =	sadd.s32 $0x10000, s7;
	s12 =	sadd.s32 $0x2E80, s13;
	s13 =	sadd.s32 $0xCE80, s13  }
.LBB2_1:
0x12: {  	[tilespmem:s4], [sflag:$0x1] =	stream.linear.gather [hbm4b:s5+s4], $0x1400, $0x38;
	[tilespmem:$0x1E400] =	vst v63  }
0x13: {  	s26 =	simm.s32 $0x0;
	s28 =	simm.s32 $0x200  }
0x14: {  	[tilespmem:s16], [sflag:$0x2] =	stream.linear.gather [hbm4b:s6+s4], $0x1400, $0x38;
	[tilespmem:$0x1E400] =	vst v63  }
.LBB2_2:
0x15: {  	p0 =	sne.s32 s28, $0xFE00;
	[tilespmem:s26+$0x2870] =	vst v0  }
0x16: {  	[tilespmem:s26+$0x2800] =	vst v0  }
0x17: {  	[tilespmem:s26+$0x2810] =	vst v0  }
.Ltmp0:
0x18: {  	[tilespmem:s26+$0x2820] =	vst v0;
	(pc) =	sbr.rel @p0 .LBB2_2-.Ltmp0, $4  }
0x19: {  	[tilespmem:s26+$0x2830] =	vst v0  }
0x1a: {  	[tilespmem:s26+$0x2840] =	vst v0  }
0x1b: {  	[tilespmem:s26+$0x2850] =	vst v0  }
0x1c: {  	[tilespmem:s26+$0x2860] =	vst v0;
	s26 =	sshra.s32 s28, $0x2;
	s28 =	sadd.s32 $0x200, s28  }
0x1d: {  	[tilespmem:s26+$0x2870] =	vst v0  }
0x1e: {  	[tilespmem:s26+$0x2800] =	vst v0  }
0x1f: {  	[tilespmem:s26+$0x2810] =	vst v0  }
0x20: {  	[tilespmem:s26+$0x2820] =	vst v0  }
0x21: {  	[tilespmem:s26+$0x2830] =	vst v0  }
0x22: {  	[tilespmem:s26+$0x2840] =	vst v0  }
0x23: {  	[tilespmem:s26+$0x2850] =	vst v0  }
0x24: {  	[tilespmem:s26+$0x2860] =	vst v0  }
0x25: {  	_ =	swait.ge [sflag:s17], $0x1400  }
0x26: {  	[sflag:s17] =	ssyncset.done $0x0  }
0x27: {  	[sflag:s17] =	ssyncadd.s32 $0xFFFFEC00  }
0x28: {  	_ =	swait.ge [sflag:s18], $0x1400  }
0x29: {  	[sflag:s18] =	ssyncset.done $0x0  }
0x2a: {  	[sflag:s18] =	ssyncadd.s32 $0xFFFFEC00  }
0x2b: {  	[spmem:s7] =	stream.linear.scatter [tilespmem:s19], [sflag:$0x1], $0x4000, $0x38;
	[tilespmem:$0x1E400] =	vst v63  }
0x2c: {  	_ = 	snop  }
0x2d: {  	[spmem:s8] =	stream.linear.scatter [tilespmem:s19], [sflag:$0x2], $0x4000, $0x38;
	[tilespmem:$0x1E400] =	vst v63  }
0x2e: {  	_ = 	snop  }
0x2f: {  	[spmem:s9] =	stream.linear.scatter [tilespmem:s19], [sflag:$0x1], $0x4000, $0x38;
	[tilespmem:$0x1E400] =	vst v63  }
0x30: {  	_ = 	snop  }
0x31: {  	[spmem:s10] =	stream.linear.scatter [tilespmem:s19], [sflag:$0x2], $0x4000, $0x38;
	[tilespmem:$0x1E400] =	vst v63  }
0x32: {  	_ = 	snop  }
0x33: {  	[spmem:s11] =	stream.linear.scatter [tilespmem:s19], [sflag:$0x1], $0x3C00, $0x38;
	[tilespmem:$0x1E400] =	vst v63  }
0x34: {  	_ =	swait.ge [sflag:s17], $0x4000  }
0x35: {  	[sflag:s17] =	ssyncset.done $0x0  }
0x36: {  	[sflag:s17] =	ssyncadd.s32 $0xFFFFC000  }
0x37: {  	_ =	swait.ge [sflag:s18], $0x4000  }
0x38: {  	[sflag:s18] =	ssyncset.done $0x0  }
0x39: {  	[sflag:s18] =	ssyncadd.s32 $0xFFFFC000  }
0x3a: {  	_ =	swait.ge [sflag:s17], $0x4000  }
0x3b: {  	[sflag:s17] =	ssyncset.done $0x0  }
0x3c: {  	[sflag:s17] =	ssyncadd.s32 $0xFFFFC000  }
0x3d: {  	_ =	swait.ge [sflag:s18], $0x4000  }
0x3e: {  	[sflag:s18] =	ssyncset.done $0x0  }
0x3f: {  	[sflag:s18] =	ssyncadd.s32 $0xFFFFC000  }
0x40: {  	_ =	swait.ge [sflag:s17], $0x3C00  }
0x41: {  	[sflag:s17] =	ssyncset.done $0x0  }
0x42: {  	[sflag:s17] =	ssyncadd.s32 $0xFFFFC400  }
0x43: {  	s31 =	simm.s32 $0x0;
	[bflag:$0x0] =	sbarrier.arrive $0xFFFF  }
0x44: {  	[tilespmem:s19], [sflag:$0x1] =	stream.indirect.gather [hbm4b:s1+s20], $0x80, s31, s20, $0xb8;
	[tilespmem:$0x1E400] =	vst v63  }
0x45: {  	_ = 	snop  }
0x46: {  	[tilespmem:s21], [sflag:$0x2] =	stream.indirect.gather [hbm4b:s1+s20], $0x80, s20, s20, $0xb8;
	[tilespmem:$0x1E400] =	vst v63  }
0x47: {  	_ =	swait.ge [sflag:s17], $0x4000  }
0x48: {  	[sflag:s17] =	ssyncset.done $0x0  }
0x49: {  	s29 =	simm.s32 $0x1400;
	[sflag:s17] =	ssyncadd.s32 $0xFFFFC000  }
0x4a: {  	[spmem:s3] =	stream.indirect.scatter.add.f32 [tilespmem:s19], [sflag:$0x3], $0x80, s29, s20, $0xb8;
	[tilespmem:$0x1E400] =	vst v63  }
0x4b: {  	_ =	swait.ge [sflag:s22], $0x4000  }
0x4c: {  	[sflag:s22] =	ssyncset.done $0x0  }
0x4d: {  	s30 =	simm.s32 $0x100;
	[sflag:s22] =	ssyncadd.s32 $0xFFFFC000  }
0x4e: {  	[tilespmem:s19], [sflag:$0x1] =	stream.indirect.gather [hbm4b:s1+s20], $0x80, s30, s20, $0xb8;
	[tilespmem:$0x1E400] =	vst v63  }
0x4f: {  	_ =	swait.ge [sflag:s18], $0x4000  }
0x50: {  	[sflag:s18] =	ssyncset.done $0x0  }
0x51: {  	s31 =	simm.s32 $0x1480;
	[sflag:s18] =	ssyncadd.s32 $0xFFFFC000  }
0x52: {  	[spmem:s3] =	stream.indirect.scatter.add.f32 [tilespmem:s21], [sflag:$0x3], $0x80, s31, s20, $0xb8;
	[tilespmem:$0x1E400] =	vst v63  }
0x53: {  	_ =	swait.ge [sflag:s22], $0x4000  }
0x54: {  	[sflag:s22] =	ssyncset.done $0x0  }
0x55: {  	s26 =	simm.s32 $0x400;
	s28 =	simm.s32 $0x180;
	[sflag:s22] =	ssyncadd.s32 $0xFFFFC000  }
.LBB2_4:
0x56: {  	[tilespmem:s21], [sflag:$0x2] =	stream.indirect.gather [hbm4b:s1+s20], $0x80, s28, s20, $0xb8;
	[tilespmem:$0x1E400] =	vst v63  }
0x57: {  	s28 =	smov.u32 s26  }
0x58: {  	p0 =	sne.s32 s26, $0x4800;
	s26 =	sadd.s32 $0x400, s26;
	_ =	swait.ge [sflag:s17], $0x4000  }
0x59: {  	s28 =	sshra.s32 s28, $0x2;
	[sflag:s17] =	ssyncset.done $0x0  }
0x5a: {  	s29 =	sadd.s32 $0x1400, s28;
	[sflag:s17] =	ssyncadd.s32 $0xFFFFC000  }
0x5b: {  	[spmem:s3] =	stream.indirect.scatter.add.f32 [tilespmem:s19], [sflag:$0x3], $0x80, s29, s20, $0xb8;
	[tilespmem:$0x1E400] =	vst v63  }
0x5c: {  	_ =	swait.ge [sflag:s22], $0x4000  }
0x5d: {  	[sflag:s22] =	ssyncset.done $0x0  }
0x5e: {  	s29 =	sadd.s32 $0x100, s28;
	[sflag:s22] =	ssyncadd.s32 $0xFFFFC000  }
0x5f: {  	[tilespmem:s19], [sflag:$0x1] =	stream.indirect.gather [hbm4b:s1+s20], $0x80, s29, s20, $0xb8;
	[tilespmem:$0x1E400] =	vst v63  }
0x60: {  	_ =	swait.ge [sflag:s18], $0x4000  }
0x61: {  	[sflag:s18] =	ssyncset.done $0x0  }
.Ltmp1:
0x62: {  	s29 =	sadd.s32 $0x1480, s28;
	[sflag:s18] =	ssyncadd.s32 $0xFFFFC000;
	(pc) =	sbr.rel @p0 .LBB2_4-.Ltmp1, $4  }
0x63: {  	[spmem:s3] =	stream.indirect.scatter.add.f32 [tilespmem:s21], [sflag:$0x3], $0x80, s29, s20, $0xb8;
	[tilespmem:$0x1E400] =	vst v63  }
0x64: {  	_ =	swait.ge [sflag:s22], $0x4000  }
0x65: {  	[sflag:s22] =	ssyncset.done $0x0  }
0x66: {  	s28 =	sadd.s32 $0x180, s28;
	[sflag:s22] =	ssyncadd.s32 $0xFFFFC000  }
0x67: {  	[tilespmem:s21], [sflag:$0x2] =	stream.indirect.gather [hbm4b:s1+s20], $0x80, s28, s20, $0xb8;
	[tilespmem:$0x1E400] =	vst v63  }
0x68: {  	_ =	swait.ge [sflag:s17], $0x4000  }
0x69: {  	[sflag:s17] =	ssyncset.done $0x0  }
0x6a: {  	[sflag:s17] =	ssyncadd.s32 $0xFFFFC000  }
0x6b: {  	[spmem:s3] =	stream.indirect.scatter.add.f32 [tilespmem:s19], [sflag:$0x3], $0x80, s23, s20, $0xb8;
	[tilespmem:$0x1E400] =	vst v63  }
0x6c: {  	_ =	swait.ge [sflag:s22], $0x4000  }
0x6d: {  	[sflag:s22] =	ssyncset.done $0x0  }
0x6e: {  	[sflag:s22] =	ssyncadd.s32 $0xFFFFC000  }
0x6f: {  	_ =	swait.ge [sflag:s18], $0x4000  }
0x70: {  	[sflag:s18] =	ssyncset.done $0x0  }
0x71: {  	[sflag:s18] =	ssyncadd.s32 $0xFFFFC000  }
0x72: {  	[spmem:s3] =	stream.indirect.scatter.add.f32 [tilespmem:s21], [sflag:$0x3], $0x80, s24, s20, $0xb8;
	[tilespmem:$0x1E400] =	vst v63  }
0x73: {  	_ =	swait.ge [sflag:s22], $0x4000  }
0x74: {  	[sflag:s22] =	ssyncset.done $0x0  }
0x75: {  	s26 =	simm.s32 $0x0;
	[sflag:s22] =	ssyncadd.s32 $0xFFFFC000  }
0x76: {  	[tilespmem:s26], [sflag:$0x3] =	stream.linear.gather [hbm4b:s12+s26], $0x1400, $0x38;
	[tilespmem:$0x1E400] =	vst v63  }
0x77: {  	_ =	swait.ge [sflag:s22], $0x1400  }
0x78: {  	[sflag:s22] =	ssyncset.done $0x0  }
0x79: {  	[sflag:s22] =	ssyncadd.s32 $0xFFFFEC00  }
0x7a: {  	[tilespmem:s16], [sflag:$0x3] =	stream.linear.gather [hbm4b:s13+s26], $0x1400, $0x38;
	[tilespmem:$0x1E400] =	vst v63  }
0x7b: {  	_ =	swait.ge [sflag:s22], $0x1400  }
0x7c: {  	[sflag:s22] =	ssyncset.done $0x0  }
0x7d: {  	[sflag:s22] =	ssyncadd.s32 $0xFFFFEC00  }
0x7e: {  	[tilespmem:s19], [sflag:$0x1] =	stream.indirect.gather [hbm4b:s1+s20], $0x80, s26, s20, $0xb8;
	[tilespmem:$0x1E400] =	vst v63  }
0x7f: {  	_ = 	snop  }
0x80: {  	[tilespmem:s21], [sflag:$0x2] =	stream.indirect.gather [hbm4b:s1+s20], $0x80, s20, s20, $0xb8;
	[tilespmem:$0x1E400] =	vst v63  }
0x81: {  	_ =	swait.ge [sflag:s17], $0x4000  }
0x82: {  	[sflag:s17] =	ssyncset.done $0x0  }
0x83: {  	s29 =	simm.s32 $0x1400;
	[sflag:s17] =	ssyncadd.s32 $0xFFFFC000  }
0x84: {  	[spmem:s3] =	stream.indirect.scatter.add.f32 [tilespmem:s19], [sflag:$0x3], $0x80, s29, s20, $0xb8;
	[tilespmem:$0x1E400] =	vst v63  }
0x85: {  	_ =	swait.ge [sflag:s22], $0x4000  }
0x86: {  	[sflag:s22] =	ssyncset.done $0x0  }
0x87: {  	s30 =	simm.s32 $0x100;
	[sflag:s22] =	ssyncadd.s32 $0xFFFFC000  }
0x88: {  	[tilespmem:s19], [sflag:$0x1] =	stream.indirect.gather [hbm4b:s1+s20], $0x80, s30, s20, $0xb8;
	[tilespmem:$0x1E400] =	vst v63  }
0x89: {  	_ =	swait.ge [sflag:s18], $0x4000  }
0x8a: {  	[sflag:s18] =	ssyncset.done $0x0  }
0x8b: {  	s31 =	simm.s32 $0x1480;
	[sflag:s18] =	ssyncadd.s32 $0xFFFFC000  }
0x8c: {  	[spmem:s3] =	stream.indirect.scatter.add.f32 [tilespmem:s21], [sflag:$0x3], $0x80, s31, s20, $0xb8;
	[tilespmem:$0x1E400] =	vst v63  }
0x8d: {  	_ =	swait.ge [sflag:s22], $0x4000  }
0x8e: {  	[sflag:s22] =	ssyncset.done $0x0  }
0x8f: {  	s28 =	simm.s32 $0x180;
	s26 =	simm.s32 $0x400;
	[sflag:s22] =	ssyncadd.s32 $0xFFFFC000  }
.LBB2_6:
0x90: {  	[tilespmem:s21], [sflag:$0x2] =	stream.indirect.gather [hbm4b:s1+s20], $0x80, s28, s20, $0xb8;
	[tilespmem:$0x1E400] =	vst v63  }
0x91: {  	s28 =	smov.u32 s26  }
0x92: {  	p0 =	sne.s32 s26, $0x4800;
	s26 =	sadd.s32 $0x400, s26;
	_ =	swait.ge [sflag:s17], $0x4000  }
0x93: {  	s28 =	sshra.s32 s28, $0x2;
	[sflag:s17] =	ssyncset.done $0x0  }
0x94: {  	s29 =	sadd.s32 $0x1400, s28;
	[sflag:s17] =	ssyncadd.s32 $0xFFFFC000  }
0x95: {  	[spmem:s3] =	stream.indirect.scatter.add.f32 [tilespmem:s19], [sflag:$0x3], $0x80, s29, s20, $0xb8;
	[tilespmem:$0x1E400] =	vst v63  }
0x96: {  	_ =	swait.ge [sflag:s22], $0x4000  }
0x97: {  	[sflag:s22] =	ssyncset.done $0x0  }
0x98: {  	s29 =	sadd.s32 $0x100, s28;
	[sflag:s22] =	ssyncadd.s32 $0xFFFFC000  }
0x99: {  	[tilespmem:s19], [sflag:$0x1] =	stream.indirect.gather [hbm4b:s1+s20], $0x80, s29, s20, $0xb8;
	[tilespmem:$0x1E400] =	vst v63  }
0x9a: {  	_ =	swait.ge [sflag:s18], $0x4000  }
0x9b: {  	[sflag:s18] =	ssyncset.done $0x0  }
.Ltmp2:
0x9c: {  	s29 =	sadd.s32 $0x1480, s28;
	[sflag:s18] =	ssyncadd.s32 $0xFFFFC000;
	(pc) =	sbr.rel @p0 .LBB2_6-.Ltmp2, $4  }
0x9d: {  	[spmem:s3] =	stream.indirect.scatter.add.f32 [tilespmem:s21], [sflag:$0x3], $0x80, s29, s20, $0xb8;
	[tilespmem:$0x1E400] =	vst v63  }
0x9e: {  	_ =	swait.ge [sflag:s22], $0x4000  }
0x9f: {  	[sflag:s22] =	ssyncset.done $0x0  }
0xa0: {  	s28 =	sadd.s32 $0x180, s28;
	[sflag:s22] =	ssyncadd.s32 $0xFFFFC000  }
0xa1: {  	[tilespmem:s21], [sflag:$0x2] =	stream.indirect.gather [hbm4b:s1+s20], $0x80, s28, s20, $0xb8;
	[tilespmem:$0x1E400] =	vst v63  }
0xa2: {  	_ =	swait.ge [sflag:s17], $0x4000  }
0xa3: {  	[sflag:s17] =	ssyncset.done $0x0  }
0xa4: {  	[sflag:s17] =	ssyncadd.s32 $0xFFFFC000  }
0xa5: {  	[spmem:s3] =	stream.indirect.scatter.add.f32 [tilespmem:s19], [sflag:$0x3], $0x80, s23, s20, $0xb8;
	[tilespmem:$0x1E400] =	vst v63  }
0xa6: {  	_ =	swait.ge [sflag:s22], $0x4000  }
0xa7: {  	[sflag:s22] =	ssyncset.done $0x0  }
0xa8: {  	[sflag:s22] =	ssyncadd.s32 $0xFFFFC000  }
0xa9: {  	_ =	swait.ge [sflag:s18], $0x4000  }
0xaa: {  	[sflag:s18] =	ssyncset.done $0x0  }
0xab: {  	[sflag:s18] =	ssyncadd.s32 $0xFFFFC000  }
0xac: {  	[spmem:s3] =	stream.indirect.scatter.add.f32 [tilespmem:s21], [sflag:$0x3], $0x80, s24, s20, $0xb8;
	[tilespmem:$0x1E400] =	vst v63  }
0xad: {  	_ =	swait.ge [sflag:s22], $0x4000  }
0xae: {  	s26 =	sshll.u32 s0, $0x6;
	s25 =	sadd.s32 $0x1, s25;
	[sflag:s22] =	ssyncset.done $0x0  }
0xaf: {  	s31 =	sshrl.u32 s7, $0x3;
	p0 =	sne.s32 s25, s15;
	[sflag:s22] =	ssyncadd.s32 $0xFFFFC000  }
.Ltmp3:
0xb0: {  	s26 =	sor.u32 $0x1C03, s26;
	[bflag:$0x0] =	sbarrier.arrive $0xFFFF;
	(pc) =	sbr.rel @p0 .LBB2_1-.Ltmp3, $4  }
0xb1: {  	[hbm:s14], [sflag:s26] =	dma.local [spmem:s31], $0x2780  }
0xb2: {  	_ =	swait.ge [sflag:s22], $0x2780  }
0xb3: {  	[sflag:s22] =	ssyncset.done $0x0  }
0xb4: {  	[sflag:s22] =	ssyncadd.s32 $0xFFFFD880  }
0xb5: {  	_ =	sfence.sel $0x180000  }
0xb6: {  	[bflag:$0x0] =	sbarrier.arrive $0xFFFF  }
0xb7: {  	p0 =	sne.s32 s0, $0x0;
	_ =	strace $0x90000047  }
0xb8: {  	s0 =	sadd.s32 @!p0 $0x100000, s2;
	[bflag:$0x2] =	sbarrier.arrive $0xFFFF  }
0xb9: {  	[sflag:s0] =	ssyncadd.tile.s32 @!p0 $0x1;
	_ =	shalt  }
.Lfunc_end2:
_tile_overlayer_lowered:
.L_overlay_start_2:
0xba: {  	(tag) =	ssettag $0x2  }
0xbb: {  	s0 =	rddreg [dreg:$0x0];
	s2 =	stileid.u32  }
0xbc: {  	s1 =	rddreg [dreg:$0x1];
	p0 =	sne.s32 s2, $0x0  }
0xbd: {  	s3 =	rddreg [dreg:$0x2];
	[bflag:$0x3] =	sbarrier.arrive $0xFFFF;
	s2 =	simm.s32 @!p0 $0x1C03  }
0xbe: {  	[timem:s3], [sflag:s2] =	dma.local @!p0 [hbm:s0], s1  }
0xbf: {  	s0 =	simm.s32 @!p0 $0x3  }
0xc0: {  	_ =	swait.ge @!p0 [sflag:s0], s1  }
0xc1: {  	s1 =	ssub.s32 @!p0 $0x0, s1;
	[sflag:s0] =	ssyncset.done @!p0 $0x0  }
0xc2: {  	[sflag:s0] =	ssyncadd.s32 @!p0 s1  }
0xc3: {  	[bflag:$0x3] =	sbarrier.arrive $0xFFFF  }
0xc4: {  	_ =	shalt  }

</sc_bundles>
